<compile_context>
chip_gen: v7x
topology: tpu7x:2x2x1
jax: 0.10.2.dev20260603
libtpu: 0.0.44.dev20260713+nightly
codegen_flags: <defaults>
</compile_context>

<pallas_src>
import functools

import jax
import jax.numpy as jnp
from jax import lax
from jax.experimental import pallas as pl
from jax.experimental.pallas import tpu as pltpu
from jax.experimental.pallas import tpu_sc as plsc

N = 10000
E = 320000
D = 128
H = 4
C = 64
HC = H * C
NCLS = 40
G = 64
NP = 10240
NSUB = 16
BLK = 64
EP_TILE = -(-(E + N) // (NSUB * BLK * 8)) * BLK * 8
NBLK = EP_TILE // BLK
CH = 8
EP = EP_TILE * NSUB
RB = 512
PW = 144
GW = 160
ADW = 32
EPS = 1e-16



def _bc16(col):
    return jnp.broadcast_to(col, (col.shape[0], 16))


def _emit_packed(h, al, i, packed_ref, ad_ref, stats_ref):
    nblk = pl.num_programs(0)
    for p in range(2):
        packed_ref[p, :, 0:128] = h[:, 128 * p:128 * p + 128]
        packed_ref[p, :, 128:144] = _bc16(al[:, 2 * p:2 * p + 1])
        packed_ref[p, :, 144:160] = _bc16(al[:, 2 * p + 1:2 * p + 2])
        ad_ref[p, :, 0:16] = _bc16(al[:, 16 + 2 * p:17 + 2 * p])
        ad_ref[p, :, 16:32] = _bc16(al[:, 17 + 2 * p:18 + 2 * p])
    cur = jnp.broadcast_to(jnp.max(al, axis=0, keepdims=True), (8, 128))

    @pl.when(i == 0)
    def _():
        stats_ref[...] = cur

    @pl.when(i > 0)
    def _():
        stats_ref[...] = jnp.maximum(stats_ref[...], cur)

    @pl.when(i == nblk - 1)
    def _():
        v = stats_ref[...]
        parts = []
        for hh in range(4):
            sh = v[0:1, hh:hh + 1] + v[0:1, 16 + hh:17 + hh]
            mh = jnp.maximum(sh, 0.2 * sh)
            parts.append(jnp.broadcast_to(mh, (1, 16)))
        parts.append(jnp.zeros((1, 64), jnp.float32))
        stats_ref[1:2, :] = jnp.concatenate(parts, axis=1)


def _prep1_body(x_ref, w_ref, a_ref, packed_ref, ad_ref, stats_ref):
    i = pl.program_id(0)
    h = jnp.dot(x_ref[...], w_ref[...], preferred_element_type=jnp.float32)
    al = jnp.dot(h, a_ref[...], preferred_element_type=jnp.float32)
    _emit_packed(h, al, i, packed_ref, ad_ref, stats_ref)


def _assemble_h(accA, accB, b):
    d00 = accA[:, 128:129] + EPS
    d01 = accA[:, 129:130] + EPS
    d10 = accB[:, 128:129] + EPS
    d11 = accB[:, 129:130] + EPS
    hin = jnp.concatenate([
        accA[:, 0:64] / d00, accA[:, 64:128] / d01,
        accB[:, 0:64] / d10, accB[:, 64:128] / d11,
    ], axis=1)
    return jnp.maximum(hin + b, 0.0)


def _mid_body(accA_ref, accB_ref, b_ref, w_ref, a_ref, packed_ref, ad_ref, stats_ref):
    i = pl.program_id(0)
    hin = _assemble_h(accA_ref[...], accB_ref[...], b_ref[...])
    h = jnp.dot(hin, w_ref[...], preferred_element_type=jnp.float32)
    al = jnp.dot(h, a_ref[...], preferred_element_type=jnp.float32)
    _emit_packed(h, al, i, packed_ref, ad_ref, stats_ref)


def _final_body(accA_ref, accB_ref, b_ref, batch_ref, clsw_ref, clsb_ref,
                out_ref, pooled_scr, cnt_scr):
    i = pl.program_id(0)
    nblk = pl.num_programs(0)
    h2 = _assemble_h(accA_ref[...], accB_ref[...], b_ref[...])
    g_iota = lax.broadcasted_iota(jnp.int32, (h2.shape[0], G), 1)
    oh = (batch_ref[...] == g_iota).astype(jnp.float32)
    psum = lax.dot_general(oh, h2, (((0,), (0,)), ((), ())),
                           preferred_element_type=jnp.float32)
    csum = lax.dot_general(oh, jnp.ones_like(h2[:, 0:128]),
                           (((0,), (0,)), ((), ())),
                           preferred_element_type=jnp.float32)

    @pl.when(i == 0)
    def _():
        pooled_scr[...] = psum
        cnt_scr[...] = csum

    @pl.when(i > 0)
    def _():
        pooled_scr[...] = pooled_scr[...] + psum
        cnt_scr[...] = cnt_scr[...] + csum

    @pl.when(i == nblk - 1)
    def _():
        pooled = pooled_scr[...] / jnp.maximum(cnt_scr[:, 0:1], 1.0)
        out_ref[...] = jnp.dot(pooled, clsw_ref[...],
                               preferred_element_type=jnp.float32) + clsb_ref[...]


_SDS = jax.ShapeDtypeStruct
_GRID = NP // RB


def _tc_prep1(x_pad, W1, A1):
    return pl.pallas_call(
        _prep1_body,
        grid=(_GRID,),
        in_specs=[
            pl.BlockSpec((RB, D), lambda i: (i, 0)),
            pl.BlockSpec((D, HC), lambda i: (0, 0)),
            pl.BlockSpec((HC, 128), lambda i: (0, 0)),
        ],
        out_specs=[
            pl.BlockSpec((2, RB, GW), lambda i: (0, i, 0)),
            pl.BlockSpec((2, RB, ADW), lambda i: (0, i, 0)),
            pl.BlockSpec((8, 128), lambda i: (0, 0)),
        ],
        out_shape=[
            _SDS((2, NP, GW), jnp.float32),
            _SDS((2, NP, ADW), jnp.float32),
            _SDS((8, 128), jnp.float32),
        ],
    )(x_pad, W1, A1)


def _tc_mid(accA, accB, b1, W2, A2):
    return pl.pallas_call(
        _mid_body,
        grid=(_GRID,),
        in_specs=[
            pl.BlockSpec((RB, PW), lambda i: (i, 0)),
            pl.BlockSpec((RB, PW), lambda i: (i, 0)),
            pl.BlockSpec((1, HC), lambda i: (0, 0)),
            pl.BlockSpec((HC, HC), lambda i: (0, 0)),
            pl.BlockSpec((HC, 128), lambda i: (0, 0)),
        ],
        out_specs=[
            pl.BlockSpec((2, RB, GW), lambda i: (0, i, 0)),
            pl.BlockSpec((2, RB, ADW), lambda i: (0, i, 0)),
            pl.BlockSpec((8, 128), lambda i: (0, 0)),
        ],
        out_shape=[
            _SDS((2, NP, GW), jnp.float32),
            _SDS((2, NP, ADW), jnp.float32),
            _SDS((8, 128), jnp.float32),
        ],
    )(accA, accB, b1, W2, A2)


def _tc_final(accA, accB, b2, batch2d, clsWp, clsbp):
    return pl.pallas_call(
        _final_body,
        grid=(_GRID,),
        in_specs=[
            pl.BlockSpec((RB, PW), lambda i: (i, 0)),
            pl.BlockSpec((RB, PW), lambda i: (i, 0)),
            pl.BlockSpec((1, HC), lambda i: (0, 0)),
            pl.BlockSpec((RB, 1), lambda i: (i, 0)),
            pl.BlockSpec((HC, 128), lambda i: (0, 0)),
            pl.BlockSpec((1, 128), lambda i: (0, 0)),
        ],
        out_specs=pl.BlockSpec((G, 128), lambda i: (0, 0)),
        out_shape=_SDS((G, 128), jnp.float32),
        scratch_shapes=[
            pltpu.VMEM((G, HC), jnp.float32),
            pltpu.VMEM((G, 128), jnp.float32),
        ],
    )(accA, accB, b2, batch2d, clsWp, clsbp)



def _full16(v):
    return jnp.broadcast_to(jnp.asarray(v, jnp.int32), (16,))


def _sc_body(src_hbm, dst_hbm, pA, pB, adA, adB, stats_hbm, out_hbm,
             acc, srcb, dstb, rows, msg, adv, statv,
             sem1, sem2):
    c = lax.axis_index("c")
    s = lax.axis_index("s")
    iota16 = lax.broadcasted_iota(jnp.int32, (16,), 0)
    zeros16 = jnp.zeros((16,), jnp.float32)

    def _z(k, _):
        r = k // 9
        j = k - r * 9
        msg[r, pl.ds(j * 16, 16)] = zeros16
        return 0
    lax.fori_loop(0, BLK * 9, _z, 0)
    for k in range(NP // NSUB // BLK):
        pltpu.sync_copy(msg, acc.at[pl.ds(s * (NP // NSUB) + k * BLK, BLK)])

    pltpu.sync_copy(stats_hbm, statv)
    m0 = statv[pl.ds(c * 32, 16)]
    m1 = statv[pl.ds(c * 32 + 16, 16)]

    plsc.subcore_barrier()

    oh0 = jnp.where(iota16 == 0, 1.0, 0.0)
    oh1 = jnp.where(iota16 == 1, 1.0, 0.0)

    def _edge(e, _):
        as0 = rows[e, pl.ds(128, 16)]
        as1 = rows[e, pl.ds(144, 16)]
        ad0 = adv[e, pl.ds(0, 16)]
        ad1 = adv[e, pl.ds(16, 16)]
        t0 = as0 + ad0
        t0 = jnp.maximum(t0, 0.2 * t0)
        w0 = jnp.exp(t0 - m0)
        t1 = as1 + ad1
        t1 = jnp.maximum(t1, 0.2 * t1)
        w1 = jnp.exp(t1 - m1)
        for j in range(4):
            msg[e, pl.ds(j * 16, 16)] = rows[e, pl.ds(j * 16, 16)] * w0
        for j in range(4, 8):
            msg[e, pl.ds(j * 16, 16)] = rows[e, pl.ds(j * 16, 16)] * w1
        msg[e, pl.ds(128, 16)] = w0 * oh0 + w1 * oh1
        return 0

    def _chunk(ch, _):
        pltpu.sync_copy(src_hbm.at[pl.ds(s * NBLK + ch * CH, CH)], srcb)
        pltpu.sync_copy(dst_hbm.at[pl.ds(s * NBLK + ch * CH, CH)], dstb)

        def _blk(gg, _):
            @pl.when(c == 0)
            def _():
                d1 = pltpu.async_copy(pA.at[srcb.at[gg]], rows, sem1)
                d2 = pltpu.async_copy(adA.at[dstb.at[gg]], adv, sem2)
                d1.wait()
                d2.wait()

            @pl.when(c != 0)
            def _():
                d1 = pltpu.async_copy(pB.at[srcb.at[gg]], rows, sem1)
                d2 = pltpu.async_copy(adB.at[dstb.at[gg]], adv, sem2)
                d1.wait()
                d2.wait()

            lax.fori_loop(0, BLK, _edge, 0)
            pltpu.sync_copy(msg, acc.at[dstb.at[gg]], add=True)
            return 0

        lax.fori_loop(0, CH, _blk, 0)
        return 0

    lax.fori_loop(0, NBLK // CH, _chunk, 0)
    plsc.subcore_barrier()

    for k in range(NP // NSUB // BLK):
        base = s * (NP // NSUB) + k * BLK
        pltpu.sync_copy(acc.at[pl.ds(base, BLK)], out_hbm.at[c, pl.ds(base, BLK)])


@functools.cache
def _sc_edge():
    return pl.kernel(
        _sc_body,
        out_type=_SDS((2, NP, PW), jnp.float32),
        mesh=plsc.VectorSubcoreMesh(core_axis_name="c", subcore_axis_name="s",
                                    num_cores=2, num_subcores=NSUB),
        compiler_params=pltpu.CompilerParams(use_tc_tiling_on_sc=False),
        scratch_types=[
            pltpu.VMEM_SHARED((NP, PW), jnp.float32),
            pltpu.VMEM((CH, BLK), jnp.int32),
            pltpu.VMEM((CH, BLK), jnp.int32),
            pltpu.VMEM((BLK, GW), jnp.float32),
            pltpu.VMEM((BLK, PW), jnp.float32),
            pltpu.VMEM((BLK, ADW), jnp.float32),
            pltpu.VMEM((128,), jnp.float32),
            pltpu.SemaphoreType.DMA,
            pltpu.SemaphoreType.DMA,
        ],
    )



def _proj_mat(a_src, a_dst):
    eye = jnp.eye(H, dtype=jnp.float32)
    xs = (a_src[:, :, None] * eye[:, None, :]).reshape(HC, H)
    xd = (a_dst[:, :, None] * eye[:, None, :]).reshape(HC, H)
    z12 = jnp.zeros((HC, 16 - H), jnp.float32)
    return jnp.concatenate([xs, z12, xd, jnp.zeros((HC, 128 - 16 - H), jnp.float32)],
                           axis=1)


def kernel(x, edge_index, batch, W1, a_src1, a_dst1, b1, W2, a_src2, a_dst2, b2,
           cls_W, cls_b):
    npad = EP - (E + N)
    loop = jnp.arange(N, dtype=jnp.int32)
    pad_src = (jnp.arange(npad, dtype=jnp.int32) * 131) % N
    pad_dst = N + (jnp.arange(npad, dtype=jnp.int32) % 16)
    src = jnp.concatenate([edge_index[0], loop, pad_src]).reshape(EP // BLK, BLK)
    dst = jnp.concatenate([edge_index[1], loop, pad_dst]).reshape(EP // BLK, BLK)

    x_pad = jnp.pad(x, ((0, NP - N), (0, 0)))
    A1 = _proj_mat(a_src1, a_dst1)
    A2 = _proj_mat(a_src2, a_dst2)
    batch2d = jnp.pad(batch, (0, NP - N), constant_values=G).reshape(NP, 1)
    clsWp = jnp.pad(cls_W, ((0, 0), (0, 128 - NCLS)))
    clsbp = jnp.pad(cls_b, (0, 128 - NCLS)).reshape(1, 128)

    packed, ad, stats = _tc_prep1(x_pad, W1, A1)
    acc = _sc_edge()(src, dst, packed[0], packed[1], ad[0], ad[1], stats[1])

    packed, ad, stats = _tc_mid(acc[0], acc[1], b1.reshape(1, HC), W2, A2)
    acc = _sc_edge()(src, dst, packed[0], packed[1], ad[0], ad[1], stats[1])

    out = _tc_final(acc[0], acc[1], b2.reshape(1, HC), batch2d, clsWp, clsbp)
    return out[:, :NCLS]

# --- scband reference (transcript-rebuilt; emitter-appended) ---
"""Pipeline reference for scband-hgat-7301444403636 (READ-ONLY COPY).

The authoritative reference and input builder live on the scoring server;
editing this copy changes nothing except your own understanding.
"""

import jax, jax.numpy as jnp
import numpy as np

N = 10000
E = 320000
D = 128
H = 4
C = 64
NCLS = 40
G = 64


def setup_inputs(seed: int = 0) -> dict:
    key = jax.random.key(seed)
    ks = jax.random.split(key, 16)
    x = jax.random.normal(ks[0], (N, D), dtype=jnp.float32)
    edge_index = jax.random.randint(ks[1], (2, E), 0, N, dtype=jnp.int32)
    batch = jnp.sort(jax.random.randint(ks[2], (N,), 0, G, dtype=jnp.int32))
    # GAT layer 1 params: in=D, out per head=C, heads=H
    W1 = jax.random.normal(ks[3], (D, H * C), dtype=jnp.float32) * (1.0 / np.sqrt(D))
    a_src1 = jax.random.normal(ks[4], (H, C), dtype=jnp.float32) * (1.0 / np.sqrt(C))
    a_dst1 = jax.random.normal(ks[5], (H, C), dtype=jnp.float32) * (1.0 / np.sqrt(C))
    b1 = jnp.zeros((H * C,), dtype=jnp.float32)
    # GAT layer 2 params: in=H*C, out per head=C, heads=H
    W2 = jax.random.normal(ks[6], (H * C, H * C), dtype=jnp.float32) * (1.0 / np.sqrt(H * C))
    a_src2 = jax.random.normal(ks[7], (H, C), dtype=jnp.float32) * (1.0 / np.sqrt(C))
    a_dst2 = jax.random.normal(ks[8], (H, C), dtype=jnp.float32) * (1.0 / np.sqrt(C))
    b2 = jnp.zeros((H * C,), dtype=jnp.float32)
    # classifier
    cls_W = jax.random.normal(ks[9], (H * C, NCLS), dtype=jnp.float32) * (1.0 / np.sqrt(H * C))
    cls_b = jnp.zeros((NCLS,), dtype=jnp.float32)
    return {"x": x, "edge_index": edge_index, "batch": batch,
            "W1": W1, "a_src1": a_src1, "a_dst1": a_dst1, "b1": b1,
            "W2": W2, "a_src2": a_src2, "a_dst2": a_dst2, "b2": b2,
            "cls_W": cls_W, "cls_b": cls_b}


def _gat_layer(x, src, dst, W, a_src, a_dst, b):
    n = x.shape[0]
    h = (x @ W).reshape(n, H, C)                      # [N, H, C]
    alpha_s = (h * a_src[None, :, :]).sum(-1)         # [N, H]
    alpha_d = (h * a_dst[None, :, :]).sum(-1)         # [N, H]
    e = alpha_s[src] + alpha_d[dst]                   # [E', H]
    e = jax.nn.leaky_relu(e, negative_slope=0.2)
    # softmax over incoming edges per destination node
    e_max = jax.ops.segment_max(e, dst, num_segments=n)
    e_exp = jnp.exp(e - e_max[dst])
    denom = jax.ops.segment_sum(e_exp, dst, num_segments=n)
    alpha = e_exp / (denom[dst] + 1e-16)              # [E', H]
    msg = h[src] * alpha[:, :, None]                  # [E', H, C]
    out = jax.ops.segment_sum(msg, dst, num_segments=n)  # [N, H, C]
    return out.reshape(n, H * C) + b


def reference(x, edge_index, batch, W1, a_src1, a_dst1, b1, W2, a_src2, a_dst2, b2, cls_W, cls_b):
    n = x.shape[0]
    # PyG GATConv adds self loops by default
    loop = jnp.arange(n, dtype=edge_index.dtype)
    src = jnp.concatenate([edge_index[0], loop])
    dst = jnp.concatenate([edge_index[1], loop])
    h = jax.nn.relu(_gat_layer(x, src, dst, W1, a_src1, a_dst1, b1))
    h = jax.nn.relu(_gat_layer(h, src, dst, W2, a_src2, a_dst2, b2))
    # global mean pool over graphs in batch
    sums = jax.ops.segment_sum(h, batch, num_segments=G)     # [G, H*C]
    cnts = jax.ops.segment_sum(jnp.ones((n,), dtype=h.dtype), batch, num_segments=G)
    pooled = sums / jnp.maximum(cnts, 1.0)[:, None]
    return pooled @ cls_W + cls_b                             # [G, NCLS]

if __name__ == "__main__":
    import jax
    _d = setup_inputs()
    print(jax.jit(kernel)(*tuple(_d.values())))

</pallas_src>

<mosaic_0001>
#map = affine_map<(d0, d1) -> (0, 0)>
#map1 = affine_map<(d0, d1) -> (0)>
#map2 = affine_map<(d0, d1) -> (0, 0, 0)>
module attributes {stable_mosaic.version = 14 : i64} {
  func.func @_sc_body(%arg0: i32, %arg1: i32, %arg2: memref<5248x64xi32, #tpu.memory_space<hbm>>, %arg3: memref<5248x64xi32, #tpu.memory_space<hbm>>, %arg4: memref<10240x160xf32, #tpu.memory_space<hbm>>, %arg5: memref<10240x160xf32, #tpu.memory_space<hbm>>, %arg6: memref<10240x32xf32, #tpu.memory_space<hbm>>, %arg7: memref<10240x32xf32, #tpu.memory_space<hbm>>, %arg8: memref<128xf32, #tpu.memory_space<hbm>>, %arg9: memref<2x10240x144xf32, #tpu.memory_space<hbm>>, %arg10: memref<10240x144xf32, #tpu.memory_space<vmem_shared>>, %arg11: memref<8x64xi32, #tpu.memory_space<vmem>>, %arg12: memref<8x64xi32, #tpu.memory_space<vmem>>, %arg13: memref<64x160xf32, #tpu.memory_space<vmem>>, %arg14: memref<64x144xf32, #tpu.memory_space<vmem>>, %arg15: memref<64x32xf32, #tpu.memory_space<vmem>>, %arg16: memref<128xf32, #tpu.memory_space<vmem>>, %arg17: memref<!tpu.dma_semaphore, #tpu.memory_space<semaphore_mem>>, %arg18: memref<!tpu.dma_semaphore, #tpu.memory_space<semaphore_mem>>) attributes {dimension_semantics = [#tpu.dimension_semantics<core_parallel>, #tpu.dimension_semantics<subcore_parallel>], iteration_bounds = array<i64: 2, 16>, scalar_prefetch = 0 : i64, scratch_operands = 9 : i64, tpu.core_type = #tpu.core_type<sc_vector_subcore>, window_params = [{transform_indices = #map}, {transform_indices = #map}, {transform_indices = #map}, {transform_indices = #map}, {transform_indices = #map}, {transform_indices = #map}, {transform_indices = #map1}, {transform_indices = #map2}]} {
    %iota3A = tpu.iota {dimensions = array<i32: 0>} : vector<16xi32>
    %broadcast_in_dim3A = arith.constant 0.000000e+00 : f32
    %broadcast_in_dim3A_0 = vector.broadcast %broadcast_in_dim3A : f32 to vector<16xf32>
    %scan3A = arith.constant 0 : i32
    %scan3A_1 = arith.constant 0 : i32
    %scan3A_2 = arith.constant 576 : i32
    %scan3A_3 = arith.addi %scan3A_1, %scan3A_2 : i32
    %scan3A_4 = arith.constant 1 : i32
    %scan3A_5 = scf.for %scan3A_117 = %scan3A_1 to %scan3A_3 step %scan3A_4 iter_args(%scan3A_118 = %scan3A) -> (i32)  : i32 {
      %jit3A_119 = arith.constant 9 : i32
      %div3A = arith.divsi %scan3A_117, %jit3A_119 : i32
      %sign3A = arith.constant 0 : i32
      %sign3A_120 = arith.cmpi sgt, %scan3A_117, %sign3A : i32
      %sign3A_121 = arith.extui %sign3A_120 : i1 to i32
      %sign3A_122 = arith.constant 0 : i32
      %sign3A_123 = arith.cmpi slt, %scan3A_117, %sign3A_122 : i32
      %sign3A_124 = arith.extui %sign3A_123 : i1 to i32
      %sign3A_125 = arith.subi %sign3A_121, %sign3A_124 : i32
      %sign3A_126 = arith.constant 0 : i32
      %sign3A_127 = arith.cmpi sgt, %jit3A_119, %sign3A_126 : i32
      %sign3A_128 = arith.extui %sign3A_127 : i1 to i32
      %sign3A_129 = arith.constant 0 : i32
      %sign3A_130 = arith.cmpi slt, %jit3A_119, %sign3A_129 : i32
      %sign3A_131 = arith.extui %sign3A_130 : i1 to i32
      %sign3A_132 = arith.subi %sign3A_128, %sign3A_131 : i32
      %ne3A = arith.cmpi ne, %sign3A_125, %sign3A_132 : i32
      %rem3A = arith.remsi %scan3A_117, %jit3A_119 : i32
      %ne3A_133 = arith.constant 0 : i32
      %ne3A_134 = arith.cmpi ne, %rem3A, %ne3A_133 : i32
      %and3A = arith.andi %ne3A, %ne3A_134 : i1
      %sub3A = arith.constant 1 : i32
      %sub3A_135 = arith.subi %div3A, %sub3A : i32
      %select_n3A_136 = arith.select %and3A, %sub3A_135, %div3A : i32
      %mul3A_137 = arith.constant 9 : i32
      %mul3A_138 = arith.muli %select_n3A_136, %mul3A_137 : i32
      %sub3A_139 = arith.subi %scan3A_117, %mul3A_138 : i32
      %mul3A_140 = arith.constant 16 : i32
      %mul3A_141 = arith.muli %sub3A_139, %mul3A_140 : i32
      %swap3A = arith.index_cast %select_n3A_136 : i32 to index
      %swap3A_142 = arith.index_cast %mul3A_141 : i32 to index
      %swap3A_143 = tpu.vector_load %arg14[%swap3A, %swap3A_142] {strides = array<i32>} : memref<64x144xf32, #tpu.memory_space<vmem>>, vector<1x16xf32>,
      %swap3A_144 = vector.shape_cast %swap3A_143 : vector<1x16xf32> to vector<16xf32>
      %swap3A_145 = vector.shape_cast %broadcast_in_dim3A_0 : vector<16xf32> to vector<1x16xf32>
      tpu.vector_store %arg14[%swap3A, %swap3A_142], %swap3A_145 {strides = array<i32>} : memref<64x144xf32, #tpu.memory_space<vmem>>, vector<1x16xf32>,
      %scan3A_146 = arith.constant 0 : i32
      scf.yield %scan3A_146 : i32
    }
    %scan3A_6 = arith.constant 576 : i32
    %mul3A = arith.constant 640 : i32
    %mul3A_7 = arith.muli %arg1, %mul3A : i32
    %add3A = arith.constant 0 : i32
    %add3A_8 = arith.addi %mul3A_7, %add3A : i32
    "tpu.region"() ({
      %run_scoped3A = tpu.sem_alloc : memref<!tpu.dma_semaphore, #tpu.memory_space<semaphore_mem>>
      %dma_start3A = arith.constant 0 : i32
      %dma_start3A_117 = tpu.memref_slice %arg10[%add3A_8, %dma_start3A] : memref<10240x144xf32, #tpu.memory_space<vmem_shared>> -> memref<64x144xf32, #tpu.memory_space<vmem_shared>>
      %dma_start3A_118 = arith.constant 0 : i32
      %dma_start3A_119 = tpu.memref_slice %arg10[%add3A_8, %dma_start3A_118] : memref<10240x144xf32, #tpu.memory_space<vmem_shared>> -> memref<64x144xf32, #tpu.memory_space<vmem_shared>>
      tpu.enqueue_dma source(%arg14 : memref<64x144xf32, #tpu.memory_space<vmem>>) target(%dma_start3A_119 : memref<64x144xf32, #tpu.memory_space<vmem_shared>>) target_semaphore(%run_scoped3A : memref<!tpu.dma_semaphore, #tpu.memory_space<semaphore_mem>>)
      %dma_wait3A = arith.constant 0 : i32
      %dma_wait3A_120 = tpu.memref_slice %arg10[%add3A_8, %dma_wait3A] : memref<10240x144xf32, #tpu.memory_space<vmem_shared>> -> memref<64x144xf32, #tpu.memory_space<vmem_shared>>
      %dma_wait3A_121 = arith.constant 0 : i32
      %dma_wait3A_122 = tpu.memref_slice %arg10[%add3A_8, %dma_wait3A_121] : memref<10240x144xf32, #tpu.memory_space<vmem_shared>> -> memref<64x144xf32, #tpu.memory_space<vmem_shared>>
      tpu.wait_dma2 semaphore(%run_scoped3A : memref<!tpu.dma_semaphore, #tpu.memory_space<semaphore_mem>>) src(%arg14 : memref<64x144xf32, #tpu.memory_space<vmem>>) dst(%dma_wait3A_122 : memref<64x144xf32, #tpu.memory_space<vmem_shared>>)
      tpu.yield
    }) : () -> ()
    %mul3A_9 = arith.constant 640 : i32
    %mul3A_10 = arith.muli %arg1, %mul3A_9 : i32
    %add3A_11 = arith.constant 64 : i32
    %add3A_12 = arith.addi %mul3A_10, %add3A_11 : i32
    "tpu.region"() ({
      %run_scoped3A = tpu.sem_alloc : memref<!tpu.dma_semaphore, #tpu.memory_space<semaphore_mem>>
      %dma_start3A = arith.constant 0 : i32
      %dma_start3A_117 = tpu.memref_slice %arg10[%add3A_12, %dma_start3A] : memref<10240x144xf32, #tpu.memory_space<vmem_shared>> -> memref<64x144xf32, #tpu.memory_space<vmem_shared>>
      %dma_start3A_118 = arith.constant 0 : i32
      %dma_start3A_119 = tpu.memref_slice %arg10[%add3A_12, %dma_start3A_118] : memref<10240x144xf32, #tpu.memory_space<vmem_shared>> -> memref<64x144xf32, #tpu.memory_space<vmem_shared>>
      tpu.enqueue_dma source(%arg14 : memref<64x144xf32, #tpu.memory_space<vmem>>) target(%dma_start3A_119 : memref<64x144xf32, #tpu.memory_space<vmem_shared>>) target_semaphore(%run_scoped3A : memref<!tpu.dma_semaphore, #tpu.memory_space<semaphore_mem>>)
      %dma_wait3A = arith.constant 0 : i32
      %dma_wait3A_120 = tpu.memref_slice %arg10[%add3A_12, %dma_wait3A] : memref<10240x144xf32, #tpu.memory_space<vmem_shared>> -> memref<64x144xf32, #tpu.memory_space<vmem_shared>>
      %dma_wait3A_121 = arith.constant 0 : i32
      %dma_wait3A_122 = tpu.memref_slice %arg10[%add3A_12, %dma_wait3A_121] : memref<10240x144xf32, #tpu.memory_space<vmem_shared>> -> memref<64x144xf32, #tpu.memory_space<vmem_shared>>
      tpu.wait_dma2 semaphore(%run_scoped3A : memref<!tpu.dma_semaphore, #tpu.memory_space<semaphore_mem>>) src(%arg14 : memref<64x144xf32, #tpu.memory_space<vmem>>) dst(%dma_wait3A_122 : memref<64x144xf32, #tpu.memory_space<vmem_shared>>)
      tpu.yield
    }) : () -> ()
    %mul3A_13 = arith.constant 640 : i32
    %mul3A_14 = arith.muli %arg1, %mul3A_13 : i32
    %add3A_15 = arith.constant 128 : i32
    %add3A_16 = arith.addi %mul3A_14, %add3A_15 : i32
    "tpu.region"() ({
      %run_scoped3A = tpu.sem_alloc : memref<!tpu.dma_semaphore, #tpu.memory_space<semaphore_mem>>
      %dma_start3A = arith.constant 0 : i32
      %dma_start3A_117 = tpu.memref_slice %arg10[%add3A_16, %dma_start3A] : memref<10240x144xf32, #tpu.memory_space<vmem_shared>> -> memref<64x144xf32, #tpu.memory_space<vmem_shared>>
      %dma_start3A_118 = arith.constant 0 : i32
      %dma_start3A_119 = tpu.memref_slice %arg10[%add3A_16, %dma_start3A_118] : memref<10240x144xf32, #tpu.memory_space<vmem_shared>> -> memref<64x144xf32, #tpu.memory_space<vmem_shared>>
      tpu.enqueue_dma source(%arg14 : memref<64x144xf32, #tpu.memory_space<vmem>>) target(%dma_start3A_119 : memref<64x144xf32, #tpu.memory_space<vmem_shared>>) target_semaphore(%run_scoped3A : memref<!tpu.dma_semaphore, #tpu.memory_space<semaphore_mem>>)
      %dma_wait3A = arith.constant 0 : i32
      %dma_wait3A_120 = tpu.memref_slice %arg10[%add3A_16, %dma_wait3A] : memref<10240x144xf32, #tpu.memory_space<vmem_shared>> -> memref<64x144xf32, #tpu.memory_space<vmem_shared>>
      %dma_wait3A_121 = arith.constant 0 : i32
      %dma_wait3A_122 = tpu.memref_slice %arg10[%add3A_16, %dma_wait3A_121] : memref<10240x144xf32, #tpu.memory_space<vmem_shared>> -> memref<64x144xf32, #tpu.memory_space<vmem_shared>>
      tpu.wait_dma2 semaphore(%run_scoped3A : memref<!tpu.dma_semaphore, #tpu.memory_space<semaphore_mem>>) src(%arg14 : memref<64x144xf32, #tpu.memory_space<vmem>>) dst(%dma_wait3A_122 : memref<64x144xf32, #tpu.memory_space<vmem_shared>>)
      tpu.yield
    }) : () -> ()
    %mul3A_17 = arith.constant 640 : i32
    %mul3A_18 = arith.muli %arg1, %mul3A_17 : i32
    %add3A_19 = arith.constant 192 : i32
    %add3A_20 = arith.addi %mul3A_18, %add3A_19 : i32
    "tpu.region"() ({
      %run_scoped3A = tpu.sem_alloc : memref<!tpu.dma_semaphore, #tpu.memory_space<semaphore_mem>>
      %dma_start3A = arith.constant 0 : i32
      %dma_start3A_117 = tpu.memref_slice %arg10[%add3A_20, %dma_start3A] : memref<10240x144xf32, #tpu.memory_space<vmem_shared>> -> memref<64x144xf32, #tpu.memory_space<vmem_shared>>
      %dma_start3A_118 = arith.constant 0 : i32
      %dma_start3A_119 = tpu.memref_slice %arg10[%add3A_20, %dma_start3A_118] : memref<10240x144xf32, #tpu.memory_space<vmem_shared>> -> memref<64x144xf32, #tpu.memory_space<vmem_shared>>
      tpu.enqueue_dma source(%arg14 : memref<64x144xf32, #tpu.memory_space<vmem>>) target(%dma_start3A_119 : memref<64x144xf32, #tpu.memory_space<vmem_shared>>) target_semaphore(%run_scoped3A : memref<!tpu.dma_semaphore, #tpu.memory_space<semaphore_mem>>)
      %dma_wait3A = arith.constant 0 : i32
      %dma_wait3A_120 = tpu.memref_slice %arg10[%add3A_20, %dma_wait3A] : memref<10240x144xf32, #tpu.memory_space<vmem_shared>> -> memref<64x144xf32, #tpu.memory_space<vmem_shared>>
      %dma_wait3A_121 = arith.constant 0 : i32
      %dma_wait3A_122 = tpu.memref_slice %arg10[%add3A_20, %dma_wait3A_121] : memref<10240x144xf32, #tpu.memory_space<vmem_shared>> -> memref<64x144xf32, #tpu.memory_space<vmem_shared>>
      tpu.wait_dma2 semaphore(%run_scoped3A : memref<!tpu.dma_semaphore, #tpu.memory_space<semaphore_mem>>) src(%arg14 : memref<64x144xf32, #tpu.memory_space<vmem>>) dst(%dma_wait3A_122 : memref<64x144xf32, #tpu.memory_space<vmem_shared>>)
      tpu.yield
    }) : () -> ()
    %mul3A_21 = arith.constant 640 : i32
    %mul3A_22 = arith.muli %arg1, %mul3A_21 : i32
    %add3A_23 = arith.constant 256 : i32
    %add3A_24 = arith.addi %mul3A_22, %add3A_23 : i32
    "tpu.region"() ({
      %run_scoped3A = tpu.sem_alloc : memref<!tpu.dma_semaphore, #tpu.memory_space<semaphore_mem>>
      %dma_start3A = arith.constant 0 : i32
      %dma_start3A_117 = tpu.memref_slice %arg10[%add3A_24, %dma_start3A] : memref<10240x144xf32, #tpu.memory_space<vmem_shared>> -> memref<64x144xf32, #tpu.memory_space<vmem_shared>>
      %dma_start3A_118 = arith.constant 0 : i32
      %dma_start3A_119 = tpu.memref_slice %arg10[%add3A_24, %dma_start3A_118] : memref<10240x144xf32, #tpu.memory_space<vmem_shared>> -> memref<64x144xf32, #tpu.memory_space<vmem_shared>>
      tpu.enqueue_dma source(%arg14 : memref<64x144xf32, #tpu.memory_space<vmem>>) target(%dma_start3A_119 : memref<64x144xf32, #tpu.memory_space<vmem_shared>>) target_semaphore(%run_scoped3A : memref<!tpu.dma_semaphore, #tpu.memory_space<semaphore_mem>>)
      %dma_wait3A = arith.constant 0 : i32
      %dma_wait3A_120 = tpu.memref_slice %arg10[%add3A_24, %dma_wait3A] : memref<10240x144xf32, #tpu.memory_space<vmem_shared>> -> memref<64x144xf32, #tpu.memory_space<vmem_shared>>
      %dma_wait3A_121 = arith.constant 0 : i32
      %dma_wait3A_122 = tpu.memref_slice %arg10[%add3A_24, %dma_wait3A_121] : memref<10240x144xf32, #tpu.memory_space<vmem_shared>> -> memref<64x144xf32, #tpu.memory_space<vmem_shared>>
      tpu.wait_dma2 semaphore(%run_scoped3A : memref<!tpu.dma_semaphore, #tpu.memory_space<semaphore_mem>>) src(%arg14 : memref<64x144xf32, #tpu.memory_space<vmem>>) dst(%dma_wait3A_122 : memref<64x144xf32, #tpu.memory_space<vmem_shared>>)
      tpu.yield
    }) : () -> ()
    %mul3A_25 = arith.constant 640 : i32
    %mul3A_26 = arith.muli %arg1, %mul3A_25 : i32
    %add3A_27 = arith.constant 320 : i32
    %add3A_28 = arith.addi %mul3A_26, %add3A_27 : i32
    "tpu.region"() ({
      %run_scoped3A = tpu.sem_alloc : memref<!tpu.dma_semaphore, #tpu.memory_space<semaphore_mem>>
      %dma_start3A = arith.constant 0 : i32
      %dma_start3A_117 = tpu.memref_slice %arg10[%add3A_28, %dma_start3A] : memref<10240x144xf32, #tpu.memory_space<vmem_shared>> -> memref<64x144xf32, #tpu.memory_space<vmem_shared>>
      %dma_start3A_118 = arith.constant 0 : i32
      %dma_start3A_119 = tpu.memref_slice %arg10[%add3A_28, %dma_start3A_118] : memref<10240x144xf32, #tpu.memory_space<vmem_shared>> -> memref<64x144xf32, #tpu.memory_space<vmem_shared>>
      tpu.enqueue_dma source(%arg14 : memref<64x144xf32, #tpu.memory_space<vmem>>) target(%dma_start3A_119 : memref<64x144xf32, #tpu.memory_space<vmem_shared>>) target_semaphore(%run_scoped3A : memref<!tpu.dma_semaphore, #tpu.memory_space<semaphore_mem>>)
      %dma_wait3A = arith.constant 0 : i32
      %dma_wait3A_120 = tpu.memref_slice %arg10[%add3A_28, %dma_wait3A] : memref<10240x144xf32, #tpu.memory_space<vmem_shared>> -> memref<64x144xf32, #tpu.memory_space<vmem_shared>>
      %dma_wait3A_121 = arith.constant 0 : i32
      %dma_wait3A_122 = tpu.memref_slice %arg10[%add3A_28, %dma_wait3A_121] : memref<10240x144xf32, #tpu.memory_space<vmem_shared>> -> memref<64x144xf32, #tpu.memory_space<vmem_shared>>
      tpu.wait_dma2 semaphore(%run_scoped3A : memref<!tpu.dma_semaphore, #tpu.memory_space<semaphore_mem>>) src(%arg14 : memref<64x144xf32, #tpu.memory_space<vmem>>) dst(%dma_wait3A_122 : memref<64x144xf32, #tpu.memory_space<vmem_shared>>)
      tpu.yield
    }) : () -> ()
    %mul3A_29 = arith.constant 640 : i32
    %mul3A_30 = arith.muli %arg1, %mul3A_29 : i32
    %add3A_31 = arith.constant 384 : i32
    %add3A_32 = arith.addi %mul3A_30, %add3A_31 : i32
    "tpu.region"() ({
      %run_scoped3A = tpu.sem_alloc : memref<!tpu.dma_semaphore, #tpu.memory_space<semaphore_mem>>
      %dma_start3A = arith.constant 0 : i32
      %dma_start3A_117 = tpu.memref_slice %arg10[%add3A_32, %dma_start3A] : memref<10240x144xf32, #tpu.memory_space<vmem_shared>> -> memref<64x144xf32, #tpu.memory_space<vmem_shared>>
      %dma_start3A_118 = arith.constant 0 : i32
      %dma_start3A_119 = tpu.memref_slice %arg10[%add3A_32, %dma_start3A_118] : memref<10240x144xf32, #tpu.memory_space<vmem_shared>> -> memref<64x144xf32, #tpu.memory_space<vmem_shared>>
      tpu.enqueue_dma source(%arg14 : memref<64x144xf32, #tpu.memory_space<vmem>>) target(%dma_start3A_119 : memref<64x144xf32, #tpu.memory_space<vmem_shared>>) target_semaphore(%run_scoped3A : memref<!tpu.dma_semaphore, #tpu.memory_space<semaphore_mem>>)
      %dma_wait3A = arith.constant 0 : i32
      %dma_wait3A_120 = tpu.memref_slice %arg10[%add3A_32, %dma_wait3A] : memref<10240x144xf32, #tpu.memory_space<vmem_shared>> -> memref<64x144xf32, #tpu.memory_space<vmem_shared>>
      %dma_wait3A_121 = arith.constant 0 : i32
      %dma_wait3A_122 = tpu.memref_slice %arg10[%add3A_32, %dma_wait3A_121] : memref<10240x144xf32, #tpu.memory_space<vmem_shared>> -> memref<64x144xf32, #tpu.memory_space<vmem_shared>>
      tpu.wait_dma2 semaphore(%run_scoped3A : memref<!tpu.dma_semaphore, #tpu.memory_space<semaphore_mem>>) src(%arg14 : memref<64x144xf32, #tpu.memory_space<vmem>>) dst(%dma_wait3A_122 : memref<64x144xf32, #tpu.memory_space<vmem_shared>>)
      tpu.yield
    }) : () -> ()
    %mul3A_33 = arith.constant 640 : i32
    %mul3A_34 = arith.muli %arg1, %mul3A_33 : i32
    %add3A_35 = arith.constant 448 : i32
    %add3A_36 = arith.addi %mul3A_34, %add3A_35 : i32
    "tpu.region"() ({
      %run_scoped3A = tpu.sem_alloc : memref<!tpu.dma_semaphore, #tpu.memory_space<semaphore_mem>>
      %dma_start3A = arith.constant 0 : i32
      %dma_start3A_117 = tpu.memref_slice %arg10[%add3A_36, %dma_start3A] : memref<10240x144xf32, #tpu.memory_space<vmem_shared>> -> memref<64x144xf32, #tpu.memory_space<vmem_shared>>
      %dma_start3A_118 = arith.constant 0 : i32
      %dma_start3A_119 = tpu.memref_slice %arg10[%add3A_36, %dma_start3A_118] : memref<10240x144xf32, #tpu.memory_space<vmem_shared>> -> memref<64x144xf32, #tpu.memory_space<vmem_shared>>
      tpu.enqueue_dma source(%arg14 : memref<64x144xf32, #tpu.memory_space<vmem>>) target(%dma_start3A_119 : memref<64x144xf32, #tpu.memory_space<vmem_shared>>) target_semaphore(%run_scoped3A : memref<!tpu.dma_semaphore, #tpu.memory_space<semaphore_mem>>)
      %dma_wait3A = arith.constant 0 : i32
      %dma_wait3A_120 = tpu.memref_slice %arg10[%add3A_36, %dma_wait3A] : memref<10240x144xf32, #tpu.memory_space<vmem_shared>> -> memref<64x144xf32, #tpu.memory_space<vmem_shared>>
      %dma_wait3A_121 = arith.constant 0 : i32
      %dma_wait3A_122 = tpu.memref_slice %arg10[%add3A_36, %dma_wait3A_121] : memref<10240x144xf32, #tpu.memory_space<vmem_shared>> -> memref<64x144xf32, #tpu.memory_space<vmem_shared>>
      tpu.wait_dma2 semaphore(%run_scoped3A : memref<!tpu.dma_semaphore, #tpu.memory_space<semaphore_mem>>) src(%arg14 : memref<64x144xf32, #tpu.memory_space<vmem>>) dst(%dma_wait3A_122 : memref<64x144xf32, #tpu.memory_space<vmem_shared>>)
      tpu.yield
    }) : () -> ()
    %mul3A_37 = arith.constant 640 : i32
    %mul3A_38 = arith.muli %arg1, %mul3A_37 : i32
    %add3A_39 = arith.constant 512 : i32
    %add3A_40 = arith.addi %mul3A_38, %add3A_39 : i32
    "tpu.region"() ({
      %run_scoped3A = tpu.sem_alloc : memref<!tpu.dma_semaphore, #tpu.memory_space<semaphore_mem>>
      %dma_start3A = arith.constant 0 : i32
      %dma_start3A_117 = tpu.memref_slice %arg10[%add3A_40, %dma_start3A] : memref<10240x144xf32, #tpu.memory_space<vmem_shared>> -> memref<64x144xf32, #tpu.memory_space<vmem_shared>>
      %dma_start3A_118 = arith.constant 0 : i32
      %dma_start3A_119 = tpu.memref_slice %arg10[%add3A_40, %dma_start3A_118] : memref<10240x144xf32, #tpu.memory_space<vmem_shared>> -> memref<64x144xf32, #tpu.memory_space<vmem_shared>>
      tpu.enqueue_dma source(%arg14 : memref<64x144xf32, #tpu.memory_space<vmem>>) target(%dma_start3A_119 : memref<64x144xf32, #tpu.memory_space<vmem_shared>>) target_semaphore(%run_scoped3A : memref<!tpu.dma_semaphore, #tpu.memory_space<semaphore_mem>>)
      %dma_wait3A = arith.constant 0 : i32
      %dma_wait3A_120 = tpu.memref_slice %arg10[%add3A_40, %dma_wait3A] : memref<10240x144xf32, #tpu.memory_space<vmem_shared>> -> memref<64x144xf32, #tpu.memory_space<vmem_shared>>
      %dma_wait3A_121 = arith.constant 0 : i32
      %dma_wait3A_122 = tpu.memref_slice %arg10[%add3A_40, %dma_wait3A_121] : memref<10240x144xf32, #tpu.memory_space<vmem_shared>> -> memref<64x144xf32, #tpu.memory_space<vmem_shared>>
      tpu.wait_dma2 semaphore(%run_scoped3A : memref<!tpu.dma_semaphore, #tpu.memory_space<semaphore_mem>>) src(%arg14 : memref<64x144xf32, #tpu.memory_space<vmem>>) dst(%dma_wait3A_122 : memref<64x144xf32, #tpu.memory_space<vmem_shared>>)
      tpu.yield
    }) : () -> ()
    %mul3A_41 = arith.constant 640 : i32
    %mul3A_42 = arith.muli %arg1, %mul3A_41 : i32
    %add3A_43 = arith.constant 576 : i32
    %add3A_44 = arith.addi %mul3A_42, %add3A_43 : i32
    "tpu.region"() ({
      %run_scoped3A = tpu.sem_alloc : memref<!tpu.dma_semaphore, #tpu.memory_space<semaphore_mem>>
      %dma_start3A = arith.constant 0 : i32
      %dma_start3A_117 = tpu.memref_slice %arg10[%add3A_44, %dma_start3A] : memref<10240x144xf32, #tpu.memory_space<vmem_shared>> -> memref<64x144xf32, #tpu.memory_space<vmem_shared>>
      %dma_start3A_118 = arith.constant 0 : i32
      %dma_start3A_119 = tpu.memref_slice %arg10[%add3A_44, %dma_start3A_118] : memref<10240x144xf32, #tpu.memory_space<vmem_shared>> -> memref<64x144xf32, #tpu.memory_space<vmem_shared>>
      tpu.enqueue_dma source(%arg14 : memref<64x144xf32, #tpu.memory_space<vmem>>) target(%dma_start3A_119 : memref<64x144xf32, #tpu.memory_space<vmem_shared>>) target_semaphore(%run_scoped3A : memref<!tpu.dma_semaphore, #tpu.memory_space<semaphore_mem>>)
      %dma_wait3A = arith.constant 0 : i32
      %dma_wait3A_120 = tpu.memref_slice %arg10[%add3A_44, %dma_wait3A] : memref<10240x144xf32, #tpu.memory_space<vmem_shared>> -> memref<64x144xf32, #tpu.memory_space<vmem_shared>>
      %dma_wait3A_121 = arith.constant 0 : i32
      %dma_wait3A_122 = tpu.memref_slice %arg10[%add3A_44, %dma_wait3A_121] : memref<10240x144xf32, #tpu.memory_space<vmem_shared>> -> memref<64x144xf32, #tpu.memory_space<vmem_shared>>
      tpu.wait_dma2 semaphore(%run_scoped3A : memref<!tpu.dma_semaphore, #tpu.memory_space<semaphore_mem>>) src(%arg14 : memref<64x144xf32, #tpu.memory_space<vmem>>) dst(%dma_wait3A_122 : memref<64x144xf32, #tpu.memory_space<vmem_shared>>)
      tpu.yield
    }) : () -> ()
    "tpu.region"() ({
      %run_scoped3A = tpu.sem_alloc : memref<!tpu.dma_semaphore, #tpu.memory_space<semaphore_mem>>
      tpu.enqueue_dma source(%arg8 : memref<128xf32, #tpu.memory_space<hbm>>) target(%arg16 : memref<128xf32, #tpu.memory_space<vmem>>) target_semaphore(%run_scoped3A : memref<!tpu.dma_semaphore, #tpu.memory_space<semaphore_mem>>)
      tpu.wait_dma2 semaphore(%run_scoped3A : memref<!tpu.dma_semaphore, #tpu.memory_space<semaphore_mem>>) src(%arg8 : memref<128xf32, #tpu.memory_space<hbm>>) dst(%arg16 : memref<128xf32, #tpu.memory_space<vmem>>)
      tpu.yield
    }) : () -> ()
    %mul3A_45 = arith.constant 32 : i32
    %mul3A_46 = arith.muli %arg0, %mul3A_45 : i32
    %get3A = arith.index_cast %mul3A_46 : i32 to index
    %get3A_47 = tpu.vector_load %arg16[%get3A] {strides = array<i32>} : memref<128xf32, #tpu.memory_space<vmem>>, vector<16xf32>,
    %get3A_48 = vector.shape_cast %get3A_47 : vector<16xf32> to vector<16xf32>
    %mul3A_49 = arith.constant 32 : i32
    %mul3A_50 = arith.muli %arg0, %mul3A_49 : i32
    %add3A_51 = arith.constant 16 : i32
    %add3A_52 = arith.addi %mul3A_50, %add3A_51 : i32
    %get3A_53 = arith.index_cast %add3A_52 : i32 to index
    %get3A_54 = tpu.vector_load %arg16[%get3A_53] {strides = array<i32>} : memref<128xf32, #tpu.memory_space<vmem>>, vector<16xf32>,
    %get3A_55 = vector.shape_cast %get3A_54 : vector<16xf32> to vector<16xf32>
    %barrier3A = arith.constant 0 : index
    tpu.barrier barrier_id(%barrier3A)
    %eq3A = arith.constant 0 : i32
    %eq3A_56 = vector.broadcast %eq3A : i32 to vector<16xi32>
    %eq3A_57 = arith.cmpi eq, %iota3A, %eq3A_56 : vector<16xi32>
    %jit3A = arith.constant 1.000000e+00 : f32
    %jit3A_58 = arith.constant 0.000000e+00 : f32
    %broadcast_in_dim3A_59 = vector.broadcast %jit3A : f32 to vector<16xf32>
    %broadcast_in_dim3A_60 = vector.broadcast %jit3A_58 : f32 to vector<16xf32>
    %select_n3A = arith.select %eq3A_57, %broadcast_in_dim3A_59, %broadcast_in_dim3A_60 : vector<16xi1>, vector<16xf32>
    %eq3A_61 = arith.constant 1 : i32
    %eq3A_62 = vector.broadcast %eq3A_61 : i32 to vector<16xi32>
    %eq3A_63 = arith.cmpi eq, %iota3A, %eq3A_62 : vector<16xi32>
    %jit3A_64 = arith.constant 1.000000e+00 : f32
    %jit3A_65 = arith.constant 0.000000e+00 : f32
    %broadcast_in_dim3A_66 = vector.broadcast %jit3A_64 : f32 to vector<16xf32>
    %broadcast_in_dim3A_67 = vector.broadcast %jit3A_65 : f32 to vector<16xf32>
    %select_n3A_68 = arith.select %eq3A_63, %broadcast_in_dim3A_66, %broadcast_in_dim3A_67 : vector<16xi1>, vector<16xf32>
    %scan3A_69 = arith.constant 0 : i32
    %scan3A_70 = arith.constant 0 : i32
    %scan3A_71 = arith.constant 41 : i32
    %scan3A_72 = arith.addi %scan3A_70, %scan3A_71 : i32
    %scan3A_73 = arith.constant 1 : i32
    %scan3A_74 = scf.for %scan3A_117 = %scan3A_70 to %scan3A_72 step %scan3A_73 iter_args(%scan3A_118 = %scan3A_69) -> (i32)  : i32 {
      %mul3A_119 = arith.constant 328 : i32
      %mul3A_120 = arith.muli %arg1, %mul3A_119 : i32
      %mul3A_121 = arith.constant 8 : i32
      %mul3A_122 = arith.muli %scan3A_117, %mul3A_121 : i32
      %add3A_123 = arith.addi %mul3A_120, %mul3A_122 : i32
      "tpu.region"() ({
        %run_scoped3A = tpu.sem_alloc : memref<!tpu.dma_semaphore, #tpu.memory_space<semaphore_mem>>
        %dma_start3A = arith.constant 0 : i32
        %dma_start3A_137 = tpu.memref_slice %arg2[%add3A_123, %dma_start3A] : memref<5248x64xi32, #tpu.memory_space<hbm>> -> memref<8x64xi32, #tpu.memory_space<hbm>>
        %dma_start3A_138 = arith.constant 0 : i32
        %dma_start3A_139 = tpu.memref_slice %arg2[%add3A_123, %dma_start3A_138] : memref<5248x64xi32, #tpu.memory_space<hbm>> -> memref<8x64xi32, #tpu.memory_space<hbm>>
        tpu.enqueue_dma source(%dma_start3A_139 : memref<8x64xi32, #tpu.memory_space<hbm>>) target(%arg11 : memref<8x64xi32, #tpu.memory_space<vmem>>) target_semaphore(%run_scoped3A : memref<!tpu.dma_semaphore, #tpu.memory_space<semaphore_mem>>)
        %dma_wait3A = arith.constant 0 : i32
        %dma_wait3A_140 = tpu.memref_slice %arg2[%add3A_123, %dma_wait3A] : memref<5248x64xi32, #tpu.memory_space<hbm>> -> memref<8x64xi32, #tpu.memory_space<hbm>>
        %dma_wait3A_141 = arith.constant 0 : i32
        %dma_wait3A_142 = tpu.memref_slice %arg2[%add3A_123, %dma_wait3A_141] : memref<5248x64xi32, #tpu.memory_space<hbm>> -> memref<8x64xi32, #tpu.memory_space<hbm>>
        tpu.wait_dma2 semaphore(%run_scoped3A : memref<!tpu.dma_semaphore, #tpu.memory_space<semaphore_mem>>) src(%dma_wait3A_142 : memref<8x64xi32, #tpu.memory_space<hbm>>) dst(%arg11 : memref<8x64xi32, #tpu.memory_space<vmem>>)
        tpu.yield
      }) : () -> ()
      %mul3A_124 = arith.constant 328 : i32
      %mul3A_125 = arith.muli %arg1, %mul3A_124 : i32
      %mul3A_126 = arith.constant 8 : i32
      %mul3A_127 = arith.muli %scan3A_117, %mul3A_126 : i32
      %add3A_128 = arith.addi %mul3A_125, %mul3A_127 : i32
      "tpu.region"() ({
        %run_scoped3A = tpu.sem_alloc : memref<!tpu.dma_semaphore, #tpu.memory_space<semaphore_mem>>
        %dma_start3A = arith.constant 0 : i32
        %dma_start3A_137 = tpu.memref_slice %arg3[%add3A_128, %dma_start3A] : memref<5248x64xi32, #tpu.memory_space<hbm>> -> memref<8x64xi32, #tpu.memory_space<hbm>>
        %dma_start3A_138 = arith.constant 0 : i32
        %dma_start3A_139 = tpu.memref_slice %arg3[%add3A_128, %dma_start3A_138] : memref<5248x64xi32, #tpu.memory_space<hbm>> -> memref<8x64xi32, #tpu.memory_space<hbm>>
        tpu.enqueue_dma source(%dma_start3A_139 : memref<8x64xi32, #tpu.memory_space<hbm>>) target(%arg12 : memref<8x64xi32, #tpu.memory_space<vmem>>) target_semaphore(%run_scoped3A : memref<!tpu.dma_semaphore, #tpu.memory_space<semaphore_mem>>)
        %dma_wait3A = arith.constant 0 : i32
        %dma_wait3A_140 = tpu.memref_slice %arg3[%add3A_128, %dma_wait3A] : memref<5248x64xi32, #tpu.memory_space<hbm>> -> memref<8x64xi32, #tpu.memory_space<hbm>>
        %dma_wait3A_141 = arith.constant 0 : i32
        %dma_wait3A_142 = tpu.memref_slice %arg3[%add3A_128, %dma_wait3A_141] : memref<5248x64xi32, #tpu.memory_space<hbm>> -> memref<8x64xi32, #tpu.memory_space<hbm>>
        tpu.wait_dma2 semaphore(%run_scoped3A : memref<!tpu.dma_semaphore, #tpu.memory_space<semaphore_mem>>) src(%dma_wait3A_142 : memref<8x64xi32, #tpu.memory_space<hbm>>) dst(%arg12 : memref<8x64xi32, #tpu.memory_space<vmem>>)
        tpu.yield
      }) : () -> ()
      %scan3A_129 = arith.constant 0 : i32
      %scan3A_130 = arith.constant 0 : i32
      %scan3A_131 = arith.constant 8 : i32
      %scan3A_132 = arith.addi %scan3A_130, %scan3A_131 : i32
      %scan3A_133 = arith.constant 1 : i32
      %scan3A_134 = scf.for %scan3A_137 = %scan3A_130 to %scan3A_132 step %scan3A_133 iter_args(%scan3A_138 = %scan3A_129) -> (i32)  : i32 {
        %eq3A_139 = arith.constant 0 : i32
        %eq3A_140 = arith.cmpi eq, %arg0, %eq3A_139 : i32
        %convert_element_type3A = arith.extui %eq3A_140 : i1 to i32
        %cond3A = arith.constant 0 : i32
        %cond3A_141 = arith.cmpi ne, %convert_element_type3A, %cond3A : i32
        scf.if %cond3A_141 {
          %dma_start3A = arith.constant 0 : i32
          %dma_start3A_154 = tpu.memref_slice %arg11[%scan3A_137, %dma_start3A] : memref<8x64xi32, #tpu.memory_space<vmem>> -> memref<1x64xi32, #tpu.memory_space<vmem>>
          %dma_start3A_155 = tpu.memref_squeeze %dma_start3A_154 : memref<1x64xi32, #tpu.memory_space<vmem>> -> memref<64xi32, #tpu.memory_space<vmem>>
          %dma_start3A_156 = arith.constant 0 : i32
          %dma_start3A_157 = arith.constant 0 : i32
          %dma_start3A_158 = tpu.memref_slice %arg4[%dma_start3A_156, %dma_start3A_157] : memref<10240x160xf32, #tpu.memory_space<hbm>> -> memref<10240x160xf32, #tpu.memory_space<hbm>>
          tpu.enqueue_indirect_dma source(%dma_start3A_158 : memref<10240x160xf32, #tpu.memory_space<hbm>>) target(%arg13 : memref<64x160xf32, #tpu.memory_space<vmem>>) offsets(%dma_start3A_155 : memref<64xi32, #tpu.memory_space<vmem>>) semaphore(%arg17 : memref<!tpu.dma_semaphore, #tpu.memory_space<semaphore_mem>>)
          %dma_start3A_159 = arith.constant 0 : i32
          %dma_start3A_160 = tpu.memref_slice %arg12[%scan3A_137, %dma_start3A_159] : memref<8x64xi32, #tpu.memory_space<vmem>> -> memref<1x64xi32, #tpu.memory_space<vmem>>
          %dma_start3A_161 = tpu.memref_squeeze %dma_start3A_160 : memref<1x64xi32, #tpu.memory_space<vmem>> -> memref<64xi32, #tpu.memory_space<vmem>>
          %dma_start3A_162 = arith.constant 0 : i32
          %dma_start3A_163 = arith.constant 0 : i32
          %dma_start3A_164 = tpu.memref_slice %arg6[%dma_start3A_162, %dma_start3A_163] : memref<10240x32xf32, #tpu.memory_space<hbm>> -> memref<10240x32xf32, #tpu.memory_space<hbm>>
          tpu.enqueue_indirect_dma source(%dma_start3A_164 : memref<10240x32xf32, #tpu.memory_space<hbm>>) target(%arg15 : memref<64x32xf32, #tpu.memory_space<vmem>>) offsets(%dma_start3A_161 : memref<64xi32, #tpu.memory_space<vmem>>) semaphore(%arg18 : memref<!tpu.dma_semaphore, #tpu.memory_space<semaphore_mem>>)
          %dma_wait3A = arith.constant 0 : i32
          %dma_wait3A_165 = tpu.memref_slice %arg11[%scan3A_137, %dma_wait3A] : memref<8x64xi32, #tpu.memory_space<vmem>> -> memref<1x64xi32, #tpu.memory_space<vmem>>
          %dma_wait3A_166 = tpu.memref_squeeze %dma_wait3A_165 : memref<1x64xi32, #tpu.memory_space<vmem>> -> memref<64xi32, #tpu.memory_space<vmem>>
          %dma_wait3A_167 = arith.constant 0 : i32
          %dma_wait3A_168 = arith.constant 0 : i32
          %dma_wait3A_169 = tpu.memref_slice %arg4[%dma_wait3A_167, %dma_wait3A_168] : memref<10240x160xf32, #tpu.memory_space<hbm>> -> memref<10240x160xf32, #tpu.memory_space<hbm>>
          tpu.wait_indirect_dma semaphore(%arg17 : memref<!tpu.dma_semaphore, #tpu.memory_space<semaphore_mem>>) src(%dma_wait3A_169 : memref<10240x160xf32, #tpu.memory_space<hbm>>) dst(%arg13 : memref<64x160xf32, #tpu.memory_space<vmem>>)
          %dma_wait3A_170 = arith.constant 0 : i32
          %dma_wait3A_171 = tpu.memref_slice %arg12[%scan3A_137, %dma_wait3A_170] : memref<8x64xi32, #tpu.memory_space<vmem>> -> memref<1x64xi32, #tpu.memory_space<vmem>>
          %dma_wait3A_172 = tpu.memref_squeeze %dma_wait3A_171 : memref<1x64xi32, #tpu.memory_space<vmem>> -> memref<64xi32, #tpu.memory_space<vmem>>
          %dma_wait3A_173 = arith.constant 0 : i32
          %dma_wait3A_174 = arith.constant 0 : i32
          %dma_wait3A_175 = tpu.memref_slice %arg6[%dma_wait3A_173, %dma_wait3A_174] : memref<10240x32xf32, #tpu.memory_space<hbm>> -> memref<10240x32xf32, #tpu.memory_space<hbm>>
          tpu.wait_indirect_dma semaphore(%arg18 : memref<!tpu.dma_semaphore, #tpu.memory_space<semaphore_mem>>) src(%dma_wait3A_175 : memref<10240x32xf32, #tpu.memory_space<hbm>>) dst(%arg15 : memref<64x32xf32, #tpu.memory_space<vmem>>)
        } else {
        }
        %ne3A = arith.constant 0 : i32
        %ne3A_142 = arith.cmpi ne, %arg0, %ne3A : i32
        %convert_element_type3A_143 = arith.extui %ne3A_142 : i1 to i32
        %cond3A_144 = arith.constant 0 : i32
        %cond3A_145 = arith.cmpi ne, %convert_element_type3A_143, %cond3A_144 : i32
        scf.if %cond3A_145 {
          %dma_start3A = arith.constant 0 : i32
          %dma_start3A_154 = tpu.memref_slice %arg11[%scan3A_137, %dma_start3A] : memref<8x64xi32, #tpu.memory_space<vmem>> -> memref<1x64xi32, #tpu.memory_space<vmem>>
          %dma_start3A_155 = tpu.memref_squeeze %dma_start3A_154 : memref<1x64xi32, #tpu.memory_space<vmem>> -> memref<64xi32, #tpu.memory_space<vmem>>
          %dma_start3A_156 = arith.constant 0 : i32
          %dma_start3A_157 = arith.constant 0 : i32
          %dma_start3A_158 = tpu.memref_slice %arg5[%dma_start3A_156, %dma_start3A_157] : memref<10240x160xf32, #tpu.memory_space<hbm>> -> memref<10240x160xf32, #tpu.memory_space<hbm>>
          tpu.enqueue_indirect_dma source(%dma_start3A_158 : memref<10240x160xf32, #tpu.memory_space<hbm>>) target(%arg13 : memref<64x160xf32, #tpu.memory_space<vmem>>) offsets(%dma_start3A_155 : memref<64xi32, #tpu.memory_space<vmem>>) semaphore(%arg17 : memref<!tpu.dma_semaphore, #tpu.memory_space<semaphore_mem>>)
          %dma_start3A_159 = arith.constant 0 : i32
          %dma_start3A_160 = tpu.memref_slice %arg12[%scan3A_137, %dma_start3A_159] : memref<8x64xi32, #tpu.memory_space<vmem>> -> memref<1x64xi32, #tpu.memory_space<vmem>>
          %dma_start3A_161 = tpu.memref_squeeze %dma_start3A_160 : memref<1x64xi32, #tpu.memory_space<vmem>> -> memref<64xi32, #tpu.memory_space<vmem>>
          %dma_start3A_162 = arith.constant 0 : i32
          %dma_start3A_163 = arith.constant 0 : i32
          %dma_start3A_164 = tpu.memref_slice %arg7[%dma_start3A_162, %dma_start3A_163] : memref<10240x32xf32, #tpu.memory_space<hbm>> -> memref<10240x32xf32, #tpu.memory_space<hbm>>
          tpu.enqueue_indirect_dma source(%dma_start3A_164 : memref<10240x32xf32, #tpu.memory_space<hbm>>) target(%arg15 : memref<64x32xf32, #tpu.memory_space<vmem>>) offsets(%dma_start3A_161 : memref<64xi32, #tpu.memory_space<vmem>>) semaphore(%arg18 : memref<!tpu.dma_semaphore, #tpu.memory_space<semaphore_mem>>)
          %dma_wait3A = arith.constant 0 : i32
          %dma_wait3A_165 = tpu.memref_slice %arg11[%scan3A_137, %dma_wait3A] : memref<8x64xi32, #tpu.memory_space<vmem>> -> memref<1x64xi32, #tpu.memory_space<vmem>>
          %dma_wait3A_166 = tpu.memref_squeeze %dma_wait3A_165 : memref<1x64xi32, #tpu.memory_space<vmem>> -> memref<64xi32, #tpu.memory_space<vmem>>
          %dma_wait3A_167 = arith.constant 0 : i32
          %dma_wait3A_168 = arith.constant 0 : i32
          %dma_wait3A_169 = tpu.memref_slice %arg5[%dma_wait3A_167, %dma_wait3A_168] : memref<10240x160xf32, #tpu.memory_space<hbm>> -> memref<10240x160xf32, #tpu.memory_space<hbm>>
          tpu.wait_indirect_dma semaphore(%arg17 : memref<!tpu.dma_semaphore, #tpu.memory_space<semaphore_mem>>) src(%dma_wait3A_169 : memref<10240x160xf32, #tpu.memory_space<hbm>>) dst(%arg13 : memref<64x160xf32, #tpu.memory_space<vmem>>)
          %dma_wait3A_170 = arith.constant 0 : i32
          %dma_wait3A_171 = tpu.memref_slice %arg12[%scan3A_137, %dma_wait3A_170] : memref<8x64xi32, #tpu.memory_space<vmem>> -> memref<1x64xi32, #tpu.memory_space<vmem>>
          %dma_wait3A_172 = tpu.memref_squeeze %dma_wait3A_171 : memref<1x64xi32, #tpu.memory_space<vmem>> -> memref<64xi32, #tpu.memory_space<vmem>>
          %dma_wait3A_173 = arith.constant 0 : i32
          %dma_wait3A_174 = arith.constant 0 : i32
          %dma_wait3A_175 = tpu.memref_slice %arg7[%dma_wait3A_173, %dma_wait3A_174] : memref<10240x32xf32, #tpu.memory_space<hbm>> -> memref<10240x32xf32, #tpu.memory_space<hbm>>
          tpu.wait_indirect_dma semaphore(%arg18 : memref<!tpu.dma_semaphore, #tpu.memory_space<semaphore_mem>>) src(%dma_wait3A_175 : memref<10240x32xf32, #tpu.memory_space<hbm>>) dst(%arg15 : memref<64x32xf32, #tpu.memory_space<vmem>>)
        } else {
        }
        %scan3A_146 = arith.constant 0 : i32
        %scan3A_147 = arith.constant 0 : i32
        %scan3A_148 = arith.constant 64 : i32
        %scan3A_149 = arith.addi %scan3A_147, %scan3A_148 : i32
        %scan3A_150 = arith.constant 1 : i32
        %scan3A_151 = scf.for %scan3A_154 = %scan3A_147 to %scan3A_149 step %scan3A_150 iter_args(%scan3A_155 = %scan3A_146) -> (i32)  : i32 {
          %get3A_156 = arith.index_cast %scan3A_154 : i32 to index
          %get3A_157 = arith.constant 128 : index
          %get3A_158 = tpu.vector_load %arg13[%get3A_156, %get3A_157] {strides = array<i32>} : memref<64x160xf32, #tpu.memory_space<vmem>>, vector<1x16xf32>,
          %get3A_159 = vector.shape_cast %get3A_158 : vector<1x16xf32> to vector<16xf32>
          %get3A_160 = arith.index_cast %scan3A_154 : i32 to index
          %get3A_161 = arith.constant 144 : index
          %get3A_162 = tpu.vector_load %arg13[%get3A_160, %get3A_161] {strides = array<i32>} : memref<64x160xf32, #tpu.memory_space<vmem>>, vector<1x16xf32>,
          %get3A_163 = vector.shape_cast %get3A_162 : vector<1x16xf32> to vector<16xf32>
          %get3A_164 = arith.index_cast %scan3A_154 : i32 to index
          %get3A_165 = arith.constant 0 : index
          %get3A_166 = tpu.vector_load %arg15[%get3A_164, %get3A_165] {strides = array<i32>} : memref<64x32xf32, #tpu.memory_space<vmem>>, vector<1x16xf32>,
          %get3A_167 = vector.shape_cast %get3A_166 : vector<1x16xf32> to vector<16xf32>
          %get3A_168 = arith.index_cast %scan3A_154 : i32 to index
          %get3A_169 = arith.constant 16 : index
          %get3A_170 = tpu.vector_load %arg15[%get3A_168, %get3A_169] {strides = array<i32>} : memref<64x32xf32, #tpu.memory_space<vmem>>, vector<1x16xf32>,
          %get3A_171 = vector.shape_cast %get3A_170 : vector<1x16xf32> to vector<16xf32>
          %add3A_172 = arith.addf %get3A_159, %get3A_167 : vector<16xf32>
          %mul3A_173 = arith.constant 2.000000e-01 : f32
          %mul3A_174 = vector.broadcast %mul3A_173 : f32 to vector<16xf32>
          %mul3A_175 = arith.mulf %mul3A_174, %add3A_172 : vector<16xf32>
          %max3A = arith.maximumf %add3A_172, %mul3A_175 : vector<16xf32>
          %sub3A = arith.subf %max3A, %get3A_48 : vector<16xf32>
          %exp3A = math.exp %sub3A : vector<16xf32>
          %add3A_176 = arith.addf %get3A_163, %get3A_171 : vector<16xf32>
          %mul3A_177 = arith.constant 2.000000e-01 : f32
          %mul3A_178 = vector.broadcast %mul3A_177 : f32 to vector<16xf32>
          %mul3A_179 = arith.mulf %mul3A_178, %add3A_176 : vector<16xf32>
          %max3A_180 = arith.maximumf %add3A_176, %mul3A_179 : vector<16xf32>
          %sub3A_181 = arith.subf %max3A_180, %get3A_55 : vector<16xf32>
          %exp3A_182 = math.exp %sub3A_181 : vector<16xf32>
          %get3A_183 = arith.index_cast %scan3A_154 : i32 to index
          %get3A_184 = arith.constant 0 : index
          %get3A_185 = tpu.vector_load %arg13[%get3A_183, %get3A_184] {strides = array<i32>} : memref<64x160xf32, #tpu.memory_space<vmem>>, vector<1x16xf32>,
          %get3A_186 = vector.shape_cast %get3A_185 : vector<1x16xf32> to vector<16xf32>
          %mul3A_187 = arith.mulf %get3A_186, %exp3A : vector<16xf32>
          %swap3A = arith.index_cast %scan3A_154 : i32 to index
          %swap3A_188 = arith.constant 0 : index
          %swap3A_189 = tpu.vector_load %arg14[%swap3A, %swap3A_188] {strides = array<i32>} : memref<64x144xf32, #tpu.memory_space<vmem>>, vector<1x16xf32>,
          %swap3A_190 = vector.shape_cast %swap3A_189 : vector<1x16xf32> to vector<16xf32>
          %swap3A_191 = vector.shape_cast %mul3A_187 : vector<16xf32> to vector<1x16xf32>
          tpu.vector_store %arg14[%swap3A, %swap3A_188], %swap3A_191 {strides = array<i32>} : memref<64x144xf32, #tpu.memory_space<vmem>>, vector<1x16xf32>,
          %get3A_192 = arith.index_cast %scan3A_154 : i32 to index
          %get3A_193 = arith.constant 16 : index
          %get3A_194 = tpu.vector_load %arg13[%get3A_192, %get3A_193] {strides = array<i32>} : memref<64x160xf32, #tpu.memory_space<vmem>>, vector<1x16xf32>,
          %get3A_195 = vector.shape_cast %get3A_194 : vector<1x16xf32> to vector<16xf32>
          %mul3A_196 = arith.mulf %get3A_195, %exp3A : vector<16xf32>
          %swap3A_197 = arith.index_cast %scan3A_154 : i32 to index
          %swap3A_198 = arith.constant 16 : index
          %swap3A_199 = tpu.vector_load %arg14[%swap3A_197, %swap3A_198] {strides = array<i32>} : memref<64x144xf32, #tpu.memory_space<vmem>>, vector<1x16xf32>,
          %swap3A_200 = vector.shape_cast %swap3A_199 : vector<1x16xf32> to vector<16xf32>
          %swap3A_201 = vector.shape_cast %mul3A_196 : vector<16xf32> to vector<1x16xf32>
          tpu.vector_store %arg14[%swap3A_197, %swap3A_198], %swap3A_201 {strides = array<i32>} : memref<64x144xf32, #tpu.memory_space<vmem>>, vector<1x16xf32>,
          %get3A_202 = arith.index_cast %scan3A_154 : i32 to index
          %get3A_203 = arith.constant 32 : index
          %get3A_204 = tpu.vector_load %arg13[%get3A_202, %get3A_203] {strides = array<i32>} : memref<64x160xf32, #tpu.memory_space<vmem>>, vector<1x16xf32>,
          %get3A_205 = vector.shape_cast %get3A_204 : vector<1x16xf32> to vector<16xf32>
          %mul3A_206 = arith.mulf %get3A_205, %exp3A : vector<16xf32>
          %swap3A_207 = arith.index_cast %scan3A_154 : i32 to index
          %swap3A_208 = arith.constant 32 : index
          %swap3A_209 = tpu.vector_load %arg14[%swap3A_207, %swap3A_208] {strides = array<i32>} : memref<64x144xf32, #tpu.memory_space<vmem>>, vector<1x16xf32>,
          %swap3A_210 = vector.shape_cast %swap3A_209 : vector<1x16xf32> to vector<16xf32>
          %swap3A_211 = vector.shape_cast %mul3A_206 : vector<16xf32> to vector<1x16xf32>
          tpu.vector_store %arg14[%swap3A_207, %swap3A_208], %swap3A_211 {strides = array<i32>} : memref<64x144xf32, #tpu.memory_space<vmem>>, vector<1x16xf32>,
          %get3A_212 = arith.index_cast %scan3A_154 : i32 to index
          %get3A_213 = arith.constant 48 : index
          %get3A_214 = tpu.vector_load %arg13[%get3A_212, %get3A_213] {strides = array<i32>} : memref<64x160xf32, #tpu.memory_space<vmem>>, vector<1x16xf32>,
          %get3A_215 = vector.shape_cast %get3A_214 : vector<1x16xf32> to vector<16xf32>
          %mul3A_216 = arith.mulf %get3A_215, %exp3A : vector<16xf32>
          %swap3A_217 = arith.index_cast %scan3A_154 : i32 to index
          %swap3A_218 = arith.constant 48 : index
          %swap3A_219 = tpu.vector_load %arg14[%swap3A_217, %swap3A_218] {strides = array<i32>} : memref<64x144xf32, #tpu.memory_space<vmem>>, vector<1x16xf32>,
          %swap3A_220 = vector.shape_cast %swap3A_219 : vector<1x16xf32> to vector<16xf32>
          %swap3A_221 = vector.shape_cast %mul3A_216 : vector<16xf32> to vector<1x16xf32>
          tpu.vector_store %arg14[%swap3A_217, %swap3A_218], %swap3A_221 {strides = array<i32>} : memref<64x144xf32, #tpu.memory_space<vmem>>, vector<1x16xf32>,
          %get3A_222 = arith.index_cast %scan3A_154 : i32 to index
          %get3A_223 = arith.constant 64 : index
          %get3A_224 = tpu.vector_load %arg13[%get3A_222, %get3A_223] {strides = array<i32>} : memref<64x160xf32, #tpu.memory_space<vmem>>, vector<1x16xf32>,
          %get3A_225 = vector.shape_cast %get3A_224 : vector<1x16xf32> to vector<16xf32>
          %mul3A_226 = arith.mulf %get3A_225, %exp3A_182 : vector<16xf32>
          %swap3A_227 = arith.index_cast %scan3A_154 : i32 to index
          %swap3A_228 = arith.constant 64 : index
          %swap3A_229 = tpu.vector_load %arg14[%swap3A_227, %swap3A_228] {strides = array<i32>} : memref<64x144xf32, #tpu.memory_space<vmem>>, vector<1x16xf32>,
          %swap3A_230 = vector.shape_cast %swap3A_229 : vector<1x16xf32> to vector<16xf32>
          %swap3A_231 = vector.shape_cast %mul3A_226 : vector<16xf32> to vector<1x16xf32>
          tpu.vector_store %arg14[%swap3A_227, %swap3A_228], %swap3A_231 {strides = array<i32>} : memref<64x144xf32, #tpu.memory_space<vmem>>, vector<1x16xf32>,
          %get3A_232 = arith.index_cast %scan3A_154 : i32 to index
          %get3A_233 = arith.constant 80 : index
          %get3A_234 = tpu.vector_load %arg13[%get3A_232, %get3A_233] {strides = array<i32>} : memref<64x160xf32, #tpu.memory_space<vmem>>, vector<1x16xf32>,
          %get3A_235 = vector.shape_cast %get3A_234 : vector<1x16xf32> to vector<16xf32>
          %mul3A_236 = arith.mulf %get3A_235, %exp3A_182 : vector<16xf32>
          %swap3A_237 = arith.index_cast %scan3A_154 : i32 to index
          %swap3A_238 = arith.constant 80 : index
          %swap3A_239 = tpu.vector_load %arg14[%swap3A_237, %swap3A_238] {strides = array<i32>} : memref<64x144xf32, #tpu.memory_space<vmem>>, vector<1x16xf32>,
          %swap3A_240 = vector.shape_cast %swap3A_239 : vector<1x16xf32> to vector<16xf32>
          %swap3A_241 = vector.shape_cast %mul3A_236 : vector<16xf32> to vector<1x16xf32>
          tpu.vector_store %arg14[%swap3A_237, %swap3A_238], %swap3A_241 {strides = array<i32>} : memref<64x144xf32, #tpu.memory_space<vmem>>, vector<1x16xf32>,
          %get3A_242 = arith.index_cast %scan3A_154 : i32 to index
          %get3A_243 = arith.constant 96 : index
          %get3A_244 = tpu.vector_load %arg13[%get3A_242, %get3A_243] {strides = array<i32>} : memref<64x160xf32, #tpu.memory_space<vmem>>, vector<1x16xf32>,
          %get3A_245 = vector.shape_cast %get3A_244 : vector<1x16xf32> to vector<16xf32>
          %mul3A_246 = arith.mulf %get3A_245, %exp3A_182 : vector<16xf32>
          %swap3A_247 = arith.index_cast %scan3A_154 : i32 to index
          %swap3A_248 = arith.constant 96 : index
          %swap3A_249 = tpu.vector_load %arg14[%swap3A_247, %swap3A_248] {strides = array<i32>} : memref<64x144xf32, #tpu.memory_space<vmem>>, vector<1x16xf32>,
          %swap3A_250 = vector.shape_cast %swap3A_249 : vector<1x16xf32> to vector<16xf32>
          %swap3A_251 = vector.shape_cast %mul3A_246 : vector<16xf32> to vector<1x16xf32>
          tpu.vector_store %arg14[%swap3A_247, %swap3A_248], %swap3A_251 {strides = array<i32>} : memref<64x144xf32, #tpu.memory_space<vmem>>, vector<1x16xf32>,
          %get3A_252 = arith.index_cast %scan3A_154 : i32 to index
          %get3A_253 = arith.constant 112 : index
          %get3A_254 = tpu.vector_load %arg13[%get3A_252, %get3A_253] {strides = array<i32>} : memref<64x160xf32, #tpu.memory_space<vmem>>, vector<1x16xf32>,
          %get3A_255 = vector.shape_cast %get3A_254 : vector<1x16xf32> to vector<16xf32>
          %mul3A_256 = arith.mulf %get3A_255, %exp3A_182 : vector<16xf32>
          %swap3A_257 = arith.index_cast %scan3A_154 : i32 to index
          %swap3A_258 = arith.constant 112 : index
          %swap3A_259 = tpu.vector_load %arg14[%swap3A_257, %swap3A_258] {strides = array<i32>} : memref<64x144xf32, #tpu.memory_space<vmem>>, vector<1x16xf32>,
          %swap3A_260 = vector.shape_cast %swap3A_259 : vector<1x16xf32> to vector<16xf32>
          %swap3A_261 = vector.shape_cast %mul3A_256 : vector<16xf32> to vector<1x16xf32>
          tpu.vector_store %arg14[%swap3A_257, %swap3A_258], %swap3A_261 {strides = array<i32>} : memref<64x144xf32, #tpu.memory_space<vmem>>, vector<1x16xf32>,
          %mul3A_262 = arith.mulf %exp3A, %select_n3A : vector<16xf32>
          %mul3A_263 = arith.mulf %exp3A_182, %select_n3A_68 : vector<16xf32>
          %add3A_264 = arith.addf %mul3A_262, %mul3A_263 : vector<16xf32>
          %swap3A_265 = arith.index_cast %scan3A_154 : i32 to index
          %swap3A_266 = arith.constant 128 : index
          %swap3A_267 = tpu.vector_load %arg14[%swap3A_265, %swap3A_266] {strides = array<i32>} : memref<64x144xf32, #tpu.memory_space<vmem>>, vector<1x16xf32>,
          %swap3A_268 = vector.shape_cast %swap3A_267 : vector<1x16xf32> to vector<16xf32>
          %swap3A_269 = vector.shape_cast %add3A_264 : vector<16xf32> to vector<1x16xf32>
          tpu.vector_store %arg14[%swap3A_265, %swap3A_266], %swap3A_269 {strides = array<i32>} : memref<64x144xf32, #tpu.memory_space<vmem>>, vector<1x16xf32>,
          %scan3A_270 = arith.constant 0 : i32
          scf.yield %scan3A_270 : i32
        }
        %scan3A_152 = arith.constant 64 : i32
        "tpu.region"() ({
          %run_scoped3A = tpu.sem_alloc : memref<!tpu.dma_semaphore, #tpu.memory_space<semaphore_mem>>
          %dma_start3A = arith.constant 0 : i32
          %dma_start3A_154 = tpu.memref_slice %arg12[%scan3A_137, %dma_start3A] : memref<8x64xi32, #tpu.memory_space<vmem>> -> memref<1x64xi32, #tpu.memory_space<vmem>>
          %dma_start3A_155 = tpu.memref_squeeze %dma_start3A_154 : memref<1x64xi32, #tpu.memory_space<vmem>> -> memref<64xi32, #tpu.memory_space<vmem>>
          %dma_start3A_156 = arith.constant 0 : i32
          %dma_start3A_157 = arith.constant 0 : i32
          %dma_start3A_158 = tpu.memref_slice %arg10[%dma_start3A_156, %dma_start3A_157] : memref<10240x144xf32, #tpu.memory_space<vmem_shared>> -> memref<10240x144xf32, #tpu.memory_space<vmem_shared>>
          tpu.enqueue_indirect_dma source(%arg14 : memref<64x144xf32, #tpu.memory_space<vmem>>) target(%dma_start3A_158 : memref<10240x144xf32, #tpu.memory_space<vmem_shared>>) offsets(%dma_start3A_155 : memref<64xi32, #tpu.memory_space<vmem>>) semaphore(%run_scoped3A : memref<!tpu.dma_semaphore, #tpu.memory_space<semaphore_mem>>) {add = true}
          %dma_wait3A = arith.constant 0 : i32
          %dma_wait3A_159 = tpu.memref_slice %arg12[%scan3A_137, %dma_wait3A] : memref<8x64xi32, #tpu.memory_space<vmem>> -> memref<1x64xi32, #tpu.memory_space<vmem>>
          %dma_wait3A_160 = tpu.memref_squeeze %dma_wait3A_159 : memref<1x64xi32, #tpu.memory_space<vmem>> -> memref<64xi32, #tpu.memory_space<vmem>>
          %dma_wait3A_161 = arith.constant 0 : i32
          %dma_wait3A_162 = arith.constant 0 : i32
          %dma_wait3A_163 = tpu.memref_slice %arg10[%dma_wait3A_161, %dma_wait3A_162] : memref<10240x144xf32, #tpu.memory_space<vmem_shared>> -> memref<10240x144xf32, #tpu.memory_space<vmem_shared>>
          tpu.wait_indirect_dma semaphore(%run_scoped3A : memref<!tpu.dma_semaphore, #tpu.memory_space<semaphore_mem>>) src(%arg14 : memref<64x144xf32, #tpu.memory_space<vmem>>) dst(%dma_wait3A_163 : memref<10240x144xf32, #tpu.memory_space<vmem_shared>>)
          tpu.yield
        }) : () -> ()
        %scan3A_153 = arith.constant 0 : i32
        scf.yield %scan3A_153 : i32
      }
      %scan3A_135 = arith.constant 8 : i32
      %scan3A_136 = arith.constant 0 : i32
      scf.yield %scan3A_136 : i32
    }
    %scan3A_75 = arith.constant 41 : i32
    %barrier3A_76 = arith.constant 0 : index
    tpu.barrier barrier_id(%barrier3A_76)
    %mul3A_77 = arith.constant 640 : i32
    %mul3A_78 = arith.muli %arg1, %mul3A_77 : i32
    %add3A_79 = arith.constant 0 : i32
    %add3A_80 = arith.addi %mul3A_78, %add3A_79 : i32
    "tpu.region"() ({
      %run_scoped3A = tpu.sem_alloc : memref<!tpu.dma_semaphore, #tpu.memory_space<semaphore_mem>>
      %dma_start3A = arith.constant 0 : i32
      %dma_start3A_117 = tpu.memref_slice %arg9[%arg0, %add3A_80, %dma_start3A] : memref<2x10240x144xf32, #tpu.memory_space<hbm>> -> memref<1x64x144xf32, #tpu.memory_space<hbm>>
      %dma_start3A_118 = tpu.memref_squeeze %dma_start3A_117 : memref<1x64x144xf32, #tpu.memory_space<hbm>> -> memref<64x144xf32, #tpu.memory_space<hbm>>
      %dma_start3A_119 = arith.constant 0 : i32
      %dma_start3A_120 = tpu.memref_slice %arg10[%add3A_80, %dma_start3A_119] : memref<10240x144xf32, #tpu.memory_space<vmem_shared>> -> memref<64x144xf32, #tpu.memory_space<vmem_shared>>
      tpu.enqueue_dma source(%dma_start3A_120 : memref<64x144xf32, #tpu.memory_space<vmem_shared>>) target(%dma_start3A_118 : memref<64x144xf32, #tpu.memory_space<hbm>>) target_semaphore(%run_scoped3A : memref<!tpu.dma_semaphore, #tpu.memory_space<semaphore_mem>>)
      %dma_wait3A = arith.constant 0 : i32
      %dma_wait3A_121 = tpu.memref_slice %arg9[%arg0, %add3A_80, %dma_wait3A] : memref<2x10240x144xf32, #tpu.memory_space<hbm>> -> memref<1x64x144xf32, #tpu.memory_space<hbm>>
      %dma_wait3A_122 = tpu.memref_squeeze %dma_wait3A_121 : memref<1x64x144xf32, #tpu.memory_space<hbm>> -> memref<64x144xf32, #tpu.memory_space<hbm>>
      %dma_wait3A_123 = arith.constant 0 : i32
      %dma_wait3A_124 = tpu.memref_slice %arg10[%add3A_80, %dma_wait3A_123] : memref<10240x144xf32, #tpu.memory_space<vmem_shared>> -> memref<64x144xf32, #tpu.memory_space<vmem_shared>>
      tpu.wait_dma2 semaphore(%run_scoped3A : memref<!tpu.dma_semaphore, #tpu.memory_space<semaphore_mem>>) src(%dma_wait3A_124 : memref<64x144xf32, #tpu.memory_space<vmem_shared>>) dst(%dma_wait3A_122 : memref<64x144xf32, #tpu.memory_space<hbm>>)
      tpu.yield
    }) : () -> ()
    %mul3A_81 = arith.constant 640 : i32
    %mul3A_82 = arith.muli %arg1, %mul3A_81 : i32
    %add3A_83 = arith.constant 64 : i32
    %add3A_84 = arith.addi %mul3A_82, %add3A_83 : i32
    "tpu.region"() ({
      %run_scoped3A = tpu.sem_alloc : memref<!tpu.dma_semaphore, #tpu.memory_space<semaphore_mem>>
      %dma_start3A = arith.constant 0 : i32
      %dma_start3A_117 = tpu.memref_slice %arg9[%arg0, %add3A_84, %dma_start3A] : memref<2x10240x144xf32, #tpu.memory_space<hbm>> -> memref<1x64x144xf32, #tpu.memory_space<hbm>>
      %dma_start3A_118 = tpu.memref_squeeze %dma_start3A_117 : memref<1x64x144xf32, #tpu.memory_space<hbm>> -> memref<64x144xf32, #tpu.memory_space<hbm>>
      %dma_start3A_119 = arith.constant 0 : i32
      %dma_start3A_120 = tpu.memref_slice %arg10[%add3A_84, %dma_start3A_119] : memref<10240x144xf32, #tpu.memory_space<vmem_shared>> -> memref<64x144xf32, #tpu.memory_space<vmem_shared>>
      tpu.enqueue_dma source(%dma_start3A_120 : memref<64x144xf32, #tpu.memory_space<vmem_shared>>) target(%dma_start3A_118 : memref<64x144xf32, #tpu.memory_space<hbm>>) target_semaphore(%run_scoped3A : memref<!tpu.dma_semaphore, #tpu.memory_space<semaphore_mem>>)
      %dma_wait3A = arith.constant 0 : i32
      %dma_wait3A_121 = tpu.memref_slice %arg9[%arg0, %add3A_84, %dma_wait3A] : memref<2x10240x144xf32, #tpu.memory_space<hbm>> -> memref<1x64x144xf32, #tpu.memory_space<hbm>>
      %dma_wait3A_122 = tpu.memref_squeeze %dma_wait3A_121 : memref<1x64x144xf32, #tpu.memory_space<hbm>> -> memref<64x144xf32, #tpu.memory_space<hbm>>
      %dma_wait3A_123 = arith.constant 0 : i32
      %dma_wait3A_124 = tpu.memref_slice %arg10[%add3A_84, %dma_wait3A_123] : memref<10240x144xf32, #tpu.memory_space<vmem_shared>> -> memref<64x144xf32, #tpu.memory_space<vmem_shared>>
      tpu.wait_dma2 semaphore(%run_scoped3A : memref<!tpu.dma_semaphore, #tpu.memory_space<semaphore_mem>>) src(%dma_wait3A_124 : memref<64x144xf32, #tpu.memory_space<vmem_shared>>) dst(%dma_wait3A_122 : memref<64x144xf32, #tpu.memory_space<hbm>>)
      tpu.yield
    }) : () -> ()
    %mul3A_85 = arith.constant 640 : i32
    %mul3A_86 = arith.muli %arg1, %mul3A_85 : i32
    %add3A_87 = arith.constant 128 : i32
    %add3A_88 = arith.addi %mul3A_86, %add3A_87 : i32
    "tpu.region"() ({
      %run_scoped3A = tpu.sem_alloc : memref<!tpu.dma_semaphore, #tpu.memory_space<semaphore_mem>>
      %dma_start3A = arith.constant 0 : i32
      %dma_start3A_117 = tpu.memref_slice %arg9[%arg0, %add3A_88, %dma_start3A] : memref<2x10240x144xf32, #tpu.memory_space<hbm>> -> memref<1x64x144xf32, #tpu.memory_space<hbm>>
      %dma_start3A_118 = tpu.memref_squeeze %dma_start3A_117 : memref<1x64x144xf32, #tpu.memory_space<hbm>> -> memref<64x144xf32, #tpu.memory_space<hbm>>
      %dma_start3A_119 = arith.constant 0 : i32
      %dma_start3A_120 = tpu.memref_slice %arg10[%add3A_88, %dma_start3A_119] : memref<10240x144xf32, #tpu.memory_space<vmem_shared>> -> memref<64x144xf32, #tpu.memory_space<vmem_shared>>
      tpu.enqueue_dma source(%dma_start3A_120 : memref<64x144xf32, #tpu.memory_space<vmem_shared>>) target(%dma_start3A_118 : memref<64x144xf32, #tpu.memory_space<hbm>>) target_semaphore(%run_scoped3A : memref<!tpu.dma_semaphore, #tpu.memory_space<semaphore_mem>>)
      %dma_wait3A = arith.constant 0 : i32
      %dma_wait3A_121 = tpu.memref_slice %arg9[%arg0, %add3A_88, %dma_wait3A] : memref<2x10240x144xf32, #tpu.memory_space<hbm>> -> memref<1x64x144xf32, #tpu.memory_space<hbm>>
      %dma_wait3A_122 = tpu.memref_squeeze %dma_wait3A_121 : memref<1x64x144xf32, #tpu.memory_space<hbm>> -> memref<64x144xf32, #tpu.memory_space<hbm>>
      %dma_wait3A_123 = arith.constant 0 : i32
      %dma_wait3A_124 = tpu.memref_slice %arg10[%add3A_88, %dma_wait3A_123] : memref<10240x144xf32, #tpu.memory_space<vmem_shared>> -> memref<64x144xf32, #tpu.memory_space<vmem_shared>>
      tpu.wait_dma2 semaphore(%run_scoped3A : memref<!tpu.dma_semaphore, #tpu.memory_space<semaphore_mem>>) src(%dma_wait3A_124 : memref<64x144xf32, #tpu.memory_space<vmem_shared>>) dst(%dma_wait3A_122 : memref<64x144xf32, #tpu.memory_space<hbm>>)
      tpu.yield
    }) : () -> ()
    %mul3A_89 = arith.constant 640 : i32
    %mul3A_90 = arith.muli %arg1, %mul3A_89 : i32
    %add3A_91 = arith.constant 192 : i32
    %add3A_92 = arith.addi %mul3A_90, %add3A_91 : i32
    "tpu.region"() ({
      %run_scoped3A = tpu.sem_alloc : memref<!tpu.dma_semaphore, #tpu.memory_space<semaphore_mem>>
      %dma_start3A = arith.constant 0 : i32
      %dma_start3A_117 = tpu.memref_slice %arg9[%arg0, %add3A_92, %dma_start3A] : memref<2x10240x144xf32, #tpu.memory_space<hbm>> -> memref<1x64x144xf32, #tpu.memory_space<hbm>>
      %dma_start3A_118 = tpu.memref_squeeze %dma_start3A_117 : memref<1x64x144xf32, #tpu.memory_space<hbm>> -> memref<64x144xf32, #tpu.memory_space<hbm>>
      %dma_start3A_119 = arith.constant 0 : i32
      %dma_start3A_120 = tpu.memref_slice %arg10[%add3A_92, %dma_start3A_119] : memref<10240x144xf32, #tpu.memory_space<vmem_shared>> -> memref<64x144xf32, #tpu.memory_space<vmem_shared>>
      tpu.enqueue_dma source(%dma_start3A_120 : memref<64x144xf32, #tpu.memory_space<vmem_shared>>) target(%dma_start3A_118 : memref<64x144xf32, #tpu.memory_space<hbm>>) target_semaphore(%run_scoped3A : memref<!tpu.dma_semaphore, #tpu.memory_space<semaphore_mem>>)
      %dma_wait3A = arith.constant 0 : i32
      %dma_wait3A_121 = tpu.memref_slice %arg9[%arg0, %add3A_92, %dma_wait3A] : memref<2x10240x144xf32, #tpu.memory_space<hbm>> -> memref<1x64x144xf32, #tpu.memory_space<hbm>>
      %dma_wait3A_122 = tpu.memref_squeeze %dma_wait3A_121 : memref<1x64x144xf32, #tpu.memory_space<hbm>> -> memref<64x144xf32, #tpu.memory_space<hbm>>
      %dma_wait3A_123 = arith.constant 0 : i32
      %dma_wait3A_124 = tpu.memref_slice %arg10[%add3A_92, %dma_wait3A_123] : memref<10240x144xf32, #tpu.memory_space<vmem_shared>> -> memref<64x144xf32, #tpu.memory_space<vmem_shared>>
      tpu.wait_dma2 semaphore(%run_scoped3A : memref<!tpu.dma_semaphore, #tpu.memory_space<semaphore_mem>>) src(%dma_wait3A_124 : memref<64x144xf32, #tpu.memory_space<vmem_shared>>) dst(%dma_wait3A_122 : memref<64x144xf32, #tpu.memory_space<hbm>>)
      tpu.yield
    }) : () -> ()
    %mul3A_93 = arith.constant 640 : i32
    %mul3A_94 = arith.muli %arg1, %mul3A_93 : i32
    %add3A_95 = arith.constant 256 : i32
    %add3A_96 = arith.addi %mul3A_94, %add3A_95 : i32
    "tpu.region"() ({
      %run_scoped3A = tpu.sem_alloc : memref<!tpu.dma_semaphore, #tpu.memory_space<semaphore_mem>>
      %dma_start3A = arith.constant 0 : i32
      %dma_start3A_117 = tpu.memref_slice %arg9[%arg0, %add3A_96, %dma_start3A] : memref<2x10240x144xf32, #tpu.memory_space<hbm>> -> memref<1x64x144xf32, #tpu.memory_space<hbm>>
      %dma_start3A_118 = tpu.memref_squeeze %dma_start3A_117 : memref<1x64x144xf32, #tpu.memory_space<hbm>> -> memref<64x144xf32, #tpu.memory_space<hbm>>
      %dma_start3A_119 = arith.constant 0 : i32
      %dma_start3A_120 = tpu.memref_slice %arg10[%add3A_96, %dma_start3A_119] : memref<10240x144xf32, #tpu.memory_space<vmem_shared>> -> memref<64x144xf32, #tpu.memory_space<vmem_shared>>
      tpu.enqueue_dma source(%dma_start3A_120 : memref<64x144xf32, #tpu.memory_space<vmem_shared>>) target(%dma_start3A_118 : memref<64x144xf32, #tpu.memory_space<hbm>>) target_semaphore(%run_scoped3A : memref<!tpu.dma_semaphore, #tpu.memory_space<semaphore_mem>>)
      %dma_wait3A = arith.constant 0 : i32
      %dma_wait3A_121 = tpu.memref_slice %arg9[%arg0, %add3A_96, %dma_wait3A] : memref<2x10240x144xf32, #tpu.memory_space<hbm>> -> memref<1x64x144xf32, #tpu.memory_space<hbm>>
      %dma_wait3A_122 = tpu.memref_squeeze %dma_wait3A_121 : memref<1x64x144xf32, #tpu.memory_space<hbm>> -> memref<64x144xf32, #tpu.memory_space<hbm>>
      %dma_wait3A_123 = arith.constant 0 : i32
      %dma_wait3A_124 = tpu.memref_slice %arg10[%add3A_96, %dma_wait3A_123] : memref<10240x144xf32, #tpu.memory_space<vmem_shared>> -> memref<64x144xf32, #tpu.memory_space<vmem_shared>>
      tpu.wait_dma2 semaphore(%run_scoped3A : memref<!tpu.dma_semaphore, #tpu.memory_space<semaphore_mem>>) src(%dma_wait3A_124 : memref<64x144xf32, #tpu.memory_space<vmem_shared>>) dst(%dma_wait3A_122 : memref<64x144xf32, #tpu.memory_space<hbm>>)
      tpu.yield
    }) : () -> ()
    %mul3A_97 = arith.constant 640 : i32
    %mul3A_98 = arith.muli %arg1, %mul3A_97 : i32
    %add3A_99 = arith.constant 320 : i32
    %add3A_100 = arith.addi %mul3A_98, %add3A_99 : i32
    "tpu.region"() ({
      %run_scoped3A = tpu.sem_alloc : memref<!tpu.dma_semaphore, #tpu.memory_space<semaphore_mem>>
      %dma_start3A = arith.constant 0 : i32
      %dma_start3A_117 = tpu.memref_slice %arg9[%arg0, %add3A_100, %dma_start3A] : memref<2x10240x144xf32, #tpu.memory_space<hbm>> -> memref<1x64x144xf32, #tpu.memory_space<hbm>>
      %dma_start3A_118 = tpu.memref_squeeze %dma_start3A_117 : memref<1x64x144xf32, #tpu.memory_space<hbm>> -> memref<64x144xf32, #tpu.memory_space<hbm>>
      %dma_start3A_119 = arith.constant 0 : i32
      %dma_start3A_120 = tpu.memref_slice %arg10[%add3A_100, %dma_start3A_119] : memref<10240x144xf32, #tpu.memory_space<vmem_shared>> -> memref<64x144xf32, #tpu.memory_space<vmem_shared>>
      tpu.enqueue_dma source(%dma_start3A_120 : memref<64x144xf32, #tpu.memory_space<vmem_shared>>) target(%dma_start3A_118 : memref<64x144xf32, #tpu.memory_space<hbm>>) target_semaphore(%run_scoped3A : memref<!tpu.dma_semaphore, #tpu.memory_space<semaphore_mem>>)
      %dma_wait3A = arith.constant 0 : i32
      %dma_wait3A_121 = tpu.memref_slice %arg9[%arg0, %add3A_100, %dma_wait3A] : memref<2x10240x144xf32, #tpu.memory_space<hbm>> -> memref<1x64x144xf32, #tpu.memory_space<hbm>>
      %dma_wait3A_122 = tpu.memref_squeeze %dma_wait3A_121 : memref<1x64x144xf32, #tpu.memory_space<hbm>> -> memref<64x144xf32, #tpu.memory_space<hbm>>
      %dma_wait3A_123 = arith.constant 0 : i32
      %dma_wait3A_124 = tpu.memref_slice %arg10[%add3A_100, %dma_wait3A_123] : memref<10240x144xf32, #tpu.memory_space<vmem_shared>> -> memref<64x144xf32, #tpu.memory_space<vmem_shared>>
      tpu.wait_dma2 semaphore(%run_scoped3A : memref<!tpu.dma_semaphore, #tpu.memory_space<semaphore_mem>>) src(%dma_wait3A_124 : memref<64x144xf32, #tpu.memory_space<vmem_shared>>) dst(%dma_wait3A_122 : memref<64x144xf32, #tpu.memory_space<hbm>>)
      tpu.yield
    }) : () -> ()
    %mul3A_101 = arith.constant 640 : i32
    %mul3A_102 = arith.muli %arg1, %mul3A_101 : i32
    %add3A_103 = arith.constant 384 : i32
    %add3A_104 = arith.addi %mul3A_102, %add3A_103 : i32
    "tpu.region"() ({
      %run_scoped3A = tpu.sem_alloc : memref<!tpu.dma_semaphore, #tpu.memory_space<semaphore_mem>>
      %dma_start3A = arith.constant 0 : i32
      %dma_start3A_117 = tpu.memref_slice %arg9[%arg0, %add3A_104, %dma_start3A] : memref<2x10240x144xf32, #tpu.memory_space<hbm>> -> memref<1x64x144xf32, #tpu.memory_space<hbm>>
      %dma_start3A_118 = tpu.memref_squeeze %dma_start3A_117 : memref<1x64x144xf32, #tpu.memory_space<hbm>> -> memref<64x144xf32, #tpu.memory_space<hbm>>
      %dma_start3A_119 = arith.constant 0 : i32
      %dma_start3A_120 = tpu.memref_slice %arg10[%add3A_104, %dma_start3A_119] : memref<10240x144xf32, #tpu.memory_space<vmem_shared>> -> memref<64x144xf32, #tpu.memory_space<vmem_shared>>
      tpu.enqueue_dma source(%dma_start3A_120 : memref<64x144xf32, #tpu.memory_space<vmem_shared>>) target(%dma_start3A_118 : memref<64x144xf32, #tpu.memory_space<hbm>>) target_semaphore(%run_scoped3A : memref<!tpu.dma_semaphore, #tpu.memory_space<semaphore_mem>>)
      %dma_wait3A = arith.constant 0 : i32
      %dma_wait3A_121 = tpu.memref_slice %arg9[%arg0, %add3A_104, %dma_wait3A] : memref<2x10240x144xf32, #tpu.memory_space<hbm>> -> memref<1x64x144xf32, #tpu.memory_space<hbm>>
      %dma_wait3A_122 = tpu.memref_squeeze %dma_wait3A_121 : memref<1x64x144xf32, #tpu.memory_space<hbm>> -> memref<64x144xf32, #tpu.memory_space<hbm>>
      %dma_wait3A_123 = arith.constant 0 : i32
      %dma_wait3A_124 = tpu.memref_slice %arg10[%add3A_104, %dma_wait3A_123] : memref<10240x144xf32, #tpu.memory_space<vmem_shared>> -> memref<64x144xf32, #tpu.memory_space<vmem_shared>>
      tpu.wait_dma2 semaphore(%run_scoped3A : memref<!tpu.dma_semaphore, #tpu.memory_space<semaphore_mem>>) src(%dma_wait3A_124 : memref<64x144xf32, #tpu.memory_space<vmem_shared>>) dst(%dma_wait3A_122 : memref<64x144xf32, #tpu.memory_space<hbm>>)
      tpu.yield
    }) : () -> ()
    %mul3A_105 = arith.constant 640 : i32
    %mul3A_106 = arith.muli %arg1, %mul3A_105 : i32
    %add3A_107 = arith.constant 448 : i32
    %add3A_108 = arith.addi %mul3A_106, %add3A_107 : i32
    "tpu.region"() ({
      %run_scoped3A = tpu.sem_alloc : memref<!tpu.dma_semaphore, #tpu.memory_space<semaphore_mem>>
      %dma_start3A = arith.constant 0 : i32
      %dma_start3A_117 = tpu.memref_slice %arg9[%arg0, %add3A_108, %dma_start3A] : memref<2x10240x144xf32, #tpu.memory_space<hbm>> -> memref<1x64x144xf32, #tpu.memory_space<hbm>>
      %dma_start3A_118 = tpu.memref_squeeze %dma_start3A_117 : memref<1x64x144xf32, #tpu.memory_space<hbm>> -> memref<64x144xf32, #tpu.memory_space<hbm>>
      %dma_start3A_119 = arith.constant 0 : i32
      %dma_start3A_120 = tpu.memref_slice %arg10[%add3A_108, %dma_start3A_119] : memref<10240x144xf32, #tpu.memory_space<vmem_shared>> -> memref<64x144xf32, #tpu.memory_space<vmem_shared>>
      tpu.enqueue_dma source(%dma_start3A_120 : memref<64x144xf32, #tpu.memory_space<vmem_shared>>) target(%dma_start3A_118 : memref<64x144xf32, #tpu.memory_space<hbm>>) target_semaphore(%run_scoped3A : memref<!tpu.dma_semaphore, #tpu.memory_space<semaphore_mem>>)
      %dma_wait3A = arith.constant 0 : i32
      %dma_wait3A_121 = tpu.memref_slice %arg9[%arg0, %add3A_108, %dma_wait3A] : memref<2x10240x144xf32, #tpu.memory_space<hbm>> -> memref<1x64x144xf32, #tpu.memory_space<hbm>>
      %dma_wait3A_122 = tpu.memref_squeeze %dma_wait3A_121 : memref<1x64x144xf32, #tpu.memory_space<hbm>> -> memref<64x144xf32, #tpu.memory_space<hbm>>
      %dma_wait3A_123 = arith.constant 0 : i32
      %dma_wait3A_124 = tpu.memref_slice %arg10[%add3A_108, %dma_wait3A_123] : memref<10240x144xf32, #tpu.memory_space<vmem_shared>> -> memref<64x144xf32, #tpu.memory_space<vmem_shared>>
      tpu.wait_dma2 semaphore(%run_scoped3A : memref<!tpu.dma_semaphore, #tpu.memory_space<semaphore_mem>>) src(%dma_wait3A_124 : memref<64x144xf32, #tpu.memory_space<vmem_shared>>) dst(%dma_wait3A_122 : memref<64x144xf32, #tpu.memory_space<hbm>>)
      tpu.yield
    }) : () -> ()
    %mul3A_109 = arith.constant 640 : i32
    %mul3A_110 = arith.muli %arg1, %mul3A_109 : i32
    %add3A_111 = arith.constant 512 : i32
    %add3A_112 = arith.addi %mul3A_110, %add3A_111 : i32
    "tpu.region"() ({
      %run_scoped3A = tpu.sem_alloc : memref<!tpu.dma_semaphore, #tpu.memory_space<semaphore_mem>>
      %dma_start3A = arith.constant 0 : i32
      %dma_start3A_117 = tpu.memref_slice %arg9[%arg0, %add3A_112, %dma_start3A] : memref<2x10240x144xf32, #tpu.memory_space<hbm>> -> memref<1x64x144xf32, #tpu.memory_space<hbm>>
      %dma_start3A_118 = tpu.memref_squeeze %dma_start3A_117 : memref<1x64x144xf32, #tpu.memory_space<hbm>> -> memref<64x144xf32, #tpu.memory_space<hbm>>
      %dma_start3A_119 = arith.constant 0 : i32
      %dma_start3A_120 = tpu.memref_slice %arg10[%add3A_112, %dma_start3A_119] : memref<10240x144xf32, #tpu.memory_space<vmem_shared>> -> memref<64x144xf32, #tpu.memory_space<vmem_shared>>
      tpu.enqueue_dma source(%dma_start3A_120 : memref<64x144xf32, #tpu.memory_space<vmem_shared>>) target(%dma_start3A_118 : memref<64x144xf32, #tpu.memory_space<hbm>>) target_semaphore(%run_scoped3A : memref<!tpu.dma_semaphore, #tpu.memory_space<semaphore_mem>>)
      %dma_wait3A = arith.constant 0 : i32
      %dma_wait3A_121 = tpu.memref_slice %arg9[%arg0, %add3A_112, %dma_wait3A] : memref<2x10240x144xf32, #tpu.memory_space<hbm>> -> memref<1x64x144xf32, #tpu.memory_space<hbm>>
      %dma_wait3A_122 = tpu.memref_squeeze %dma_wait3A_121 : memref<1x64x144xf32, #tpu.memory_space<hbm>> -> memref<64x144xf32, #tpu.memory_space<hbm>>
      %dma_wait3A_123 = arith.constant 0 : i32
      %dma_wait3A_124 = tpu.memref_slice %arg10[%add3A_112, %dma_wait3A_123] : memref<10240x144xf32, #tpu.memory_space<vmem_shared>> -> memref<64x144xf32, #tpu.memory_space<vmem_shared>>
      tpu.wait_dma2 semaphore(%run_scoped3A : memref<!tpu.dma_semaphore, #tpu.memory_space<semaphore_mem>>) src(%dma_wait3A_124 : memref<64x144xf32, #tpu.memory_space<vmem_shared>>) dst(%dma_wait3A_122 : memref<64x144xf32, #tpu.memory_space<hbm>>)
      tpu.yield
    }) : () -> ()
    %mul3A_113 = arith.constant 640 : i32
    %mul3A_114 = arith.muli %arg1, %mul3A_113 : i32
    %add3A_115 = arith.constant 576 : i32
    %add3A_116 = arith.addi %mul3A_114, %add3A_115 : i32
    "tpu.region"() ({
      %run_scoped3A = tpu.sem_alloc : memref<!tpu.dma_semaphore, #tpu.memory_space<semaphore_mem>>
      %dma_start3A = arith.constant 0 : i32
      %dma_start3A_117 = tpu.memref_slice %arg9[%arg0, %add3A_116, %dma_start3A] : memref<2x10240x144xf32, #tpu.memory_space<hbm>> -> memref<1x64x144xf32, #tpu.memory_space<hbm>>
      %dma_start3A_118 = tpu.memref_squeeze %dma_start3A_117 : memref<1x64x144xf32, #tpu.memory_space<hbm>> -> memref<64x144xf32, #tpu.memory_space<hbm>>
      %dma_start3A_119 = arith.constant 0 : i32
      %dma_start3A_120 = tpu.memref_slice %arg10[%add3A_116, %dma_start3A_119] : memref<10240x144xf32, #tpu.memory_space<vmem_shared>> -> memref<64x144xf32, #tpu.memory_space<vmem_shared>>
      tpu.enqueue_dma source(%dma_start3A_120 : memref<64x144xf32, #tpu.memory_space<vmem_shared>>) target(%dma_start3A_118 : memref<64x144xf32, #tpu.memory_space<hbm>>) target_semaphore(%run_scoped3A : memref<!tpu.dma_semaphore, #tpu.memory_space<semaphore_mem>>)
      %dma_wait3A = arith.constant 0 : i32
      %dma_wait3A_121 = tpu.memref_slice %arg9[%arg0, %add3A_116, %dma_wait3A] : memref<2x10240x144xf32, #tpu.memory_space<hbm>> -> memref<1x64x144xf32, #tpu.memory_space<hbm>>
      %dma_wait3A_122 = tpu.memref_squeeze %dma_wait3A_121 : memref<1x64x144xf32, #tpu.memory_space<hbm>> -> memref<64x144xf32, #tpu.memory_space<hbm>>
      %dma_wait3A_123 = arith.constant 0 : i32
      %dma_wait3A_124 = tpu.memref_slice %arg10[%add3A_116, %dma_wait3A_123] : memref<10240x144xf32, #tpu.memory_space<vmem_shared>> -> memref<64x144xf32, #tpu.memory_space<vmem_shared>>
      tpu.wait_dma2 semaphore(%run_scoped3A : memref<!tpu.dma_semaphore, #tpu.memory_space<semaphore_mem>>) src(%dma_wait3A_124 : memref<64x144xf32, #tpu.memory_space<vmem_shared>>) dst(%dma_wait3A_122 : memref<64x144xf32, #tpu.memory_space<hbm>>)
      tpu.yield
    }) : () -> ()
    return
  }
}

#map = affine_map<(d0, d1) -> (0, 0)>
#map1 = affine_map<(d0, d1) -> (0)>
#map2 = affine_map<(d0, d1) -> (0, 0, 0)>
module attributes {stable_mosaic.version = 14 : i64} {
  func.func @_sc_body(%arg0: i32, %arg1: i32, %arg2: memref<5248x64xi32, #tpu.memory_space<hbm>>, %arg3: memref<5248x64xi32, #tpu.memory_space<hbm>>, %arg4: memref<10240x160xf32, #tpu.memory_space<hbm>>, %arg5: memref<10240x160xf32, #tpu.memory_space<hbm>>, %arg6: memref<10240x32xf32, #tpu.memory_space<hbm>>, %arg7: memref<10240x32xf32, #tpu.memory_space<hbm>>, %arg8: memref<128xf32, #tpu.memory_space<hbm>>, %arg9: memref<2x10240x144xf32, #tpu.memory_space<hbm>>, %arg10: memref<10240x144xf32, #tpu.memory_space<vmem_shared>>, %arg11: memref<8x64xi32, #tpu.memory_space<vmem>>, %arg12: memref<8x64xi32, #tpu.memory_space<vmem>>, %arg13: memref<64x160xf32, #tpu.memory_space<vmem>>, %arg14: memref<64x144xf32, #tpu.memory_space<vmem>>, %arg15: memref<64x32xf32, #tpu.memory_space<vmem>>, %arg16: memref<128xf32, #tpu.memory_space<vmem>>, %arg17: memref<!tpu.dma_semaphore, #tpu.memory_space<semaphore_mem>>, %arg18: memref<!tpu.dma_semaphore, #tpu.memory_space<semaphore_mem>>) attributes {dimension_semantics = [#tpu.dimension_semantics<core_parallel>, #tpu.dimension_semantics<subcore_parallel>], iteration_bounds = array<i64: 2, 16>, scalar_prefetch = 0 : i64, scratch_operands = 9 : i64, tpu.core_type = #tpu.core_type<sc_vector_subcore>, window_params = [{transform_indices = #map}, {transform_indices = #map}, {transform_indices = #map}, {transform_indices = #map}, {transform_indices = #map}, {transform_indices = #map}, {transform_indices = #map1}, {transform_indices = #map2}]} {
    %iota3A = tpu.iota {dimensions = array<i32: 0>} : vector<16xi32>
    %broadcast_in_dim3A = arith.constant 0.000000e+00 : f32
    %broadcast_in_dim3A_0 = vector.broadcast %broadcast_in_dim3A : f32 to vector<16xf32>
    %scan3A = arith.constant 0 : i32
    %scan3A_1 = arith.constant 0 : i32
    %scan3A_2 = arith.constant 576 : i32
    %scan3A_3 = arith.addi %scan3A_1, %scan3A_2 : i32
    %scan3A_4 = arith.constant 1 : i32
    %scan3A_5 = scf.for %scan3A_117 = %scan3A_1 to %scan3A_3 step %scan3A_4 iter_args(%scan3A_118 = %scan3A) -> (i32)  : i32 {
      %jit3A_119 = arith.constant 9 : i32
      %div3A = arith.divsi %scan3A_117, %jit3A_119 : i32
      %sign3A = arith.constant 0 : i32
      %sign3A_120 = arith.cmpi sgt, %scan3A_117, %sign3A : i32
      %sign3A_121 = arith.extui %sign3A_120 : i1 to i32
      %sign3A_122 = arith.constant 0 : i32
      %sign3A_123 = arith.cmpi slt, %scan3A_117, %sign3A_122 : i32
      %sign3A_124 = arith.extui %sign3A_123 : i1 to i32
      %sign3A_125 = arith.subi %sign3A_121, %sign3A_124 : i32
      %sign3A_126 = arith.constant 0 : i32
      %sign3A_127 = arith.cmpi sgt, %jit3A_119, %sign3A_126 : i32
      %sign3A_128 = arith.extui %sign3A_127 : i1 to i32
      %sign3A_129 = arith.constant 0 : i32
      %sign3A_130 = arith.cmpi slt, %jit3A_119, %sign3A_129 : i32
      %sign3A_131 = arith.extui %sign3A_130 : i1 to i32
      %sign3A_132 = arith.subi %sign3A_128, %sign3A_131 : i32
      %ne3A = arith.cmpi ne, %sign3A_125, %sign3A_132 : i32
      %rem3A = arith.remsi %scan3A_117, %jit3A_119 : i32
      %ne3A_133 = arith.constant 0 : i32
      %ne3A_134 = arith.cmpi ne, %rem3A, %ne3A_133 : i32
      %and3A = arith.andi %ne3A, %ne3A_134 : i1
      %sub3A = arith.constant 1 : i32
      %sub3A_135 = arith.subi %div3A, %sub3A : i32
      %select_n3A_136 = arith.select %and3A, %sub3A_135, %div3A : i32
      %mul3A_137 = arith.constant 9 : i32
      %mul3A_138 = arith.muli %select_n3A_136, %mul3A_137 : i32
      %sub3A_139 = arith.subi %scan3A_117, %mul3A_138 : i32
      %mul3A_140 = arith.constant 16 : i32
      %mul3A_141 = arith.muli %sub3A_139, %mul3A_140 : i32
      %swap3A = arith.index_cast %select_n3A_136 : i32 to index
      %swap3A_142 = arith.index_cast %mul3A_141 : i32 to index
      %swap3A_143 = tpu.vector_load %arg14[%swap3A, %swap3A_142] {strides = array<i32>} : memref<64x144xf32, #tpu.memory_space<vmem>>, vector<1x16xf32>,
      %swap3A_144 = vector.shape_cast %swap3A_143 : vector<1x16xf32> to vector<16xf32>
      %swap3A_145 = vector.shape_cast %broadcast_in_dim3A_0 : vector<16xf32> to vector<1x16xf32>
      tpu.vector_store %arg14[%swap3A, %swap3A_142], %swap3A_145 {strides = array<i32>} : memref<64x144xf32, #tpu.memory_space<vmem>>, vector<1x16xf32>,
      %scan3A_146 = arith.constant 0 : i32
      scf.yield %scan3A_146 : i32
    }
    %scan3A_6 = arith.constant 576 : i32
    %mul3A = arith.constant 640 : i32
    %mul3A_7 = arith.muli %arg1, %mul3A : i32
    %add3A = arith.constant 0 : i32
    %add3A_8 = arith.addi %mul3A_7, %add3A : i32
    "tpu.region"() ({
      %run_scoped3A = tpu.sem_alloc : memref<!tpu.dma_semaphore, #tpu.memory_space<semaphore_mem>>
      %dma_start3A = arith.constant 0 : i32
      %dma_start3A_117 = tpu.memref_slice %arg10[%add3A_8, %dma_start3A] : memref<10240x144xf32, #tpu.memory_space<vmem_shared>> -> memref<64x144xf32, #tpu.memory_space<vmem_shared>>
      %dma_start3A_118 = arith.constant 0 : i32
      %dma_start3A_119 = tpu.memref_slice %arg10[%add3A_8, %dma_start3A_118] : memref<10240x144xf32, #tpu.memory_space<vmem_shared>> -> memref<64x144xf32, #tpu.memory_space<vmem_shared>>
      tpu.enqueue_dma source(%arg14 : memref<64x144xf32, #tpu.memory_space<vmem>>) target(%dma_start3A_119 : memref<64x144xf32, #tpu.memory_space<vmem_shared>>) target_semaphore(%run_scoped3A : memref<!tpu.dma_semaphore, #tpu.memory_space<semaphore_mem>>)
      %dma_wait3A = arith.constant 0 : i32
      %dma_wait3A_120 = tpu.memref_slice %arg10[%add3A_8, %dma_wait3A] : memref<10240x144xf32, #tpu.memory_space<vmem_shared>> -> memref<64x144xf32, #tpu.memory_space<vmem_shared>>
      %dma_wait3A_121 = arith.constant 0 : i32
      %dma_wait3A_122 = tpu.memref_slice %arg10[%add3A_8, %dma_wait3A_121] : memref<10240x144xf32, #tpu.memory_space<vmem_shared>> -> memref<64x144xf32, #tpu.memory_space<vmem_shared>>
      tpu.wait_dma2 semaphore(%run_scoped3A : memref<!tpu.dma_semaphore, #tpu.memory_space<semaphore_mem>>) src(%arg14 : memref<64x144xf32, #tpu.memory_space<vmem>>) dst(%dma_wait3A_122 : memref<64x144xf32, #tpu.memory_space<vmem_shared>>)
      tpu.yield
    }) : () -> ()
    %mul3A_9 = arith.constant 640 : i32
    %mul3A_10 = arith.muli %arg1, %mul3A_9 : i32
    %add3A_11 = arith.constant 64 : i32
    %add3A_12 = arith.addi %mul3A_10, %add3A_11 : i32
    "tpu.region"() ({
      %run_scoped3A = tpu.sem_alloc : memref<!tpu.dma_semaphore, #tpu.memory_space<semaphore_mem>>
      %dma_start3A = arith.constant 0 : i32
      %dma_start3A_117 = tpu.memref_slice %arg10[%add3A_12, %dma_start3A] : memref<10240x144xf32, #tpu.memory_space<vmem_shared>> -> memref<64x144xf32, #tpu.memory_space<vmem_shared>>
      %dma_start3A_118 = arith.constant 0 : i32
      %dma_start3A_119 = tpu.memref_slice %arg10[%add3A_12, %dma_start3A_118] : memref<10240x144xf32, #tpu.memory_space<vmem_shared>> -> memref<64x144xf32, #tpu.memory_space<vmem_shared>>
      tpu.enqueue_dma source(%arg14 : memref<64x144xf32, #tpu.memory_space<vmem>>) target(%dma_start3A_119 : memref<64x144xf32, #tpu.memory_space<vmem_shared>>) target_semaphore(%run_scoped3A : memref<!tpu.dma_semaphore, #tpu.memory_space<semaphore_mem>>)
      %dma_wait3A = arith.constant 0 : i32
      %dma_wait3A_120 = tpu.memref_slice %arg10[%add3A_12, %dma_wait3A] : memref<10240x144xf32, #tpu.memory_space<vmem_shared>> -> memref<64x144xf32, #tpu.memory_space<vmem_shared>>
      %dma_wait3A_121 = arith.constant 0 : i32
      %dma_wait3A_122 = tpu.memref_slice %arg10[%add3A_12, %dma_wait3A_121] : memref<10240x144xf32, #tpu.memory_space<vmem_shared>> -> memref<64x144xf32, #tpu.memory_space<vmem_shared>>
      tpu.wait_dma2 semaphore(%run_scoped3A : memref<!tpu.dma_semaphore, #tpu.memory_space<semaphore_mem>>) src(%arg14 : memref<64x144xf32, #tpu.memory_space<vmem>>) dst(%dma_wait3A_122 : memref<64x144xf32, #tpu.memory_space<vmem_shared>>)
      tpu.yield
    }) : () -> ()
    %mul3A_13 = arith.constant 640 : i32
    %mul3A_14 = arith.muli %arg1, %mul3A_13 : i32
    %add3A_15 = arith.constant 128 : i32
    %add3A_16 = arith.addi %mul3A_14, %add3A_15 : i32
    "tpu.region"() ({
      %run_scoped3A = tpu.sem_alloc : memref<!tpu.dma_semaphore, #tpu.memory_space<semaphore_mem>>
      %dma_start3A = arith.constant 0 : i32
      %dma_start3A_117 = tpu.memref_slice %arg10[%add3A_16, %dma_start3A] : memref<10240x144xf32, #tpu.memory_space<vmem_shared>> -> memref<64x144xf32, #tpu.memory_space<vmem_shared>>
      %dma_start3A_118 = arith.constant 0 : i32
      %dma_start3A_119 = tpu.memref_slice %arg10[%add3A_16, %dma_start3A_118] : memref<10240x144xf32, #tpu.memory_space<vmem_shared>> -> memref<64x144xf32, #tpu.memory_space<vmem_shared>>
      tpu.enqueue_dma source(%arg14 : memref<64x144xf32, #tpu.memory_space<vmem>>) target(%dma_start3A_119 : memref<64x144xf32, #tpu.memory_space<vmem_shared>>) target_semaphore(%run_scoped3A : memref<!tpu.dma_semaphore, #tpu.memory_space<semaphore_mem>>)
      %dma_wait3A = arith.constant 0 : i32
      %dma_wait3A_120 = tpu.memref_slice %arg10[%add3A_16, %dma_wait3A] : memref<10240x144xf32, #tpu.memory_space<vmem_shared>> -> memref<64x144xf32, #tpu.memory_space<vmem_shared>>
      %dma_wait3A_121 = arith.constant 0 : i32
      %dma_wait3A_122 = tpu.memref_slice %arg10[%add3A_16, %dma_wait3A_121] : memref<10240x144xf32, #tpu.memory_space<vmem_shared>> -> memref<64x144xf32, #tpu.memory_space<vmem_shared>>
      tpu.wait_dma2 semaphore(%run_scoped3A : memref<!tpu.dma_semaphore, #tpu.memory_space<semaphore_mem>>) src(%arg14 : memref<64x144xf32, #tpu.memory_space<vmem>>) dst(%dma_wait3A_122 : memref<64x144xf32, #tpu.memory_space<vmem_shared>>)
      tpu.yield
    }) : () -> ()
    %mul3A_17 = arith.constant 640 : i32
    %mul3A_18 = arith.muli %arg1, %mul3A_17 : i32
    %add3A_19 = arith.constant 192 : i32
    %add3A_20 = arith.addi %mul3A_18, %add3A_19 : i32
    "tpu.region"() ({
      %run_scoped3A = tpu.sem_alloc : memref<!tpu.dma_semaphore, #tpu.memory_space<semaphore_mem>>
      %dma_start3A = arith.constant 0 : i32
      %dma_start3A_117 = tpu.memref_slice %arg10[%add3A_20, %dma_start3A] : memref<10240x144xf32, #tpu.memory_space<vmem_shared>> -> memref<64x144xf32, #tpu.memory_space<vmem_shared>>
      %dma_start3A_118 = arith.constant 0 : i32
      %dma_start3A_119 = tpu.memref_slice %arg10[%add3A_20, %dma_start3A_118] : memref<10240x144xf32, #tpu.memory_space<vmem_shared>> -> memref<64x144xf32, #tpu.memory_space<vmem_shared>>
      tpu.enqueue_dma source(%arg14 : memref<64x144xf32, #tpu.memory_space<vmem>>) target(%dma_start3A_119 : memref<64x144xf32, #tpu.memory_space<vmem_shared>>) target_semaphore(%run_scoped3A : memref<!tpu.dma_semaphore, #tpu.memory_space<semaphore_mem>>)
      %dma_wait3A = arith.constant 0 : i32
      %dma_wait3A_120 = tpu.memref_slice %arg10[%add3A_20, %dma_wait3A] : memref<10240x144xf32, #tpu.memory_space<vmem_shared>> -> memref<64x144xf32, #tpu.memory_space<vmem_shared>>
      %dma_wait3A_121 = arith.constant 0 : i32
      %dma_wait3A_122 = tpu.memref_slice %arg10[%add3A_20, %dma_wait3A_121] : memref<10240x144xf32, #tpu.memory_space<vmem_shared>> -> memref<64x144xf32, #tpu.memory_space<vmem_shared>>
      tpu.wait_dma2 semaphore(%run_scoped3A : memref<!tpu.dma_semaphore, #tpu.memory_space<semaphore_mem>>) src(%arg14 : memref<64x144xf32, #tpu.memory_space<vmem>>) dst(%dma_wait3A_122 : memref<64x144xf32, #tpu.memory_space<vmem_shared>>)
      tpu.yield
    }) : () -> ()
    %mul3A_21 = arith.constant 640 : i32
    %mul3A_22 = arith.muli %arg1, %mul3A_21 : i32
    %add3A_23 = arith.constant 256 : i32
    %add3A_24 = arith.addi %mul3A_22, %add3A_23 : i32
    "tpu.region"() ({
      %run_scoped3A = tpu.sem_alloc : memref<!tpu.dma_semaphore, #tpu.memory_space<semaphore_mem>>
      %dma_start3A = arith.constant 0 : i32
      %dma_start3A_117 = tpu.memref_slice %arg10[%add3A_24, %dma_start3A] : memref<10240x144xf32, #tpu.memory_space<vmem_shared>> -> memref<64x144xf32, #tpu.memory_space<vmem_shared>>
      %dma_start3A_118 = arith.constant 0 : i32
      %dma_start3A_119 = tpu.memref_slice %arg10[%add3A_24, %dma_start3A_118] : memref<10240x144xf32, #tpu.memory_space<vmem_shared>> -> memref<64x144xf32, #tpu.memory_space<vmem_shared>>
      tpu.enqueue_dma source(%arg14 : memref<64x144xf32, #tpu.memory_space<vmem>>) target(%dma_start3A_119 : memref<64x144xf32, #tpu.memory_space<vmem_shared>>) target_semaphore(%run_scoped3A : memref<!tpu.dma_semaphore, #tpu.memory_space<semaphore_mem>>)
      %dma_wait3A = arith.constant 0 : i32
      %dma_wait3A_120 = tpu.memref_slice %arg10[%add3A_24, %dma_wait3A] : memref<10240x144xf32, #tpu.memory_space<vmem_shared>> -> memref<64x144xf32, #tpu.memory_space<vmem_shared>>
      %dma_wait3A_121 = arith.constant 0 : i32
      %dma_wait3A_122 = tpu.memref_slice %arg10[%add3A_24, %dma_wait3A_121] : memref<10240x144xf32, #tpu.memory_space<vmem_shared>> -> memref<64x144xf32, #tpu.memory_space<vmem_shared>>
      tpu.wait_dma2 semaphore(%run_scoped3A : memref<!tpu.dma_semaphore, #tpu.memory_space<semaphore_mem>>) src(%arg14 : memref<64x144xf32, #tpu.memory_space<vmem>>) dst(%dma_wait3A_122 : memref<64x144xf32, #tpu.memory_space<vmem_shared>>)
      tpu.yield
    }) : () -> ()
    %mul3A_25 = arith.constant 640 : i32
    %mul3A_26 = arith.muli %arg1, %mul3A_25 : i32
    %add3A_27 = arith.constant 320 : i32
    %add3A_28 = arith.addi %mul3A_26, %add3A_27 : i32
    "tpu.region"() ({
      %run_scoped3A = tpu.sem_alloc : memref<!tpu.dma_semaphore, #tpu.memory_space<semaphore_mem>>
      %dma_start3A = arith.constant 0 : i32
      %dma_start3A_117 = tpu.memref_slice %arg10[%add3A_28, %dma_start3A] : memref<10240x144xf32, #tpu.memory_space<vmem_shared>> -> memref<64x144xf32, #tpu.memory_space<vmem_shared>>
      %dma_start3A_118 = arith.constant 0 : i32
      %dma_start3A_119 = tpu.memref_slice %arg10[%add3A_28, %dma_start3A_118] : memref<10240x144xf32, #tpu.memory_space<vmem_shared>> -> memref<64x144xf32, #tpu.memory_space<vmem_shared>>
      tpu.enqueue_dma source(%arg14 : memref<64x144xf32, #tpu.memory_space<vmem>>) target(%dma_start3A_119 : memref<64x144xf32, #tpu.memory_space<vmem_shared>>) target_semaphore(%run_scoped3A : memref<!tpu.dma_semaphore, #tpu.memory_space<semaphore_mem>>)
      %dma_wait3A = arith.constant 0 : i32
      %dma_wait3A_120 = tpu.memref_slice %arg10[%add3A_28, %dma_wait3A] : memref<10240x144xf32, #tpu.memory_space<vmem_shared>> -> memref<64x144xf32, #tpu.memory_space<vmem_shared>>
      %dma_wait3A_121 = arith.constant 0 : i32
      %dma_wait3A_122 = tpu.memref_slice %arg10[%add3A_28, %dma_wait3A_121] : memref<10240x144xf32, #tpu.memory_space<vmem_shared>> -> memref<64x144xf32, #tpu.memory_space<vmem_shared>>
      tpu.wait_dma2 semaphore(%run_scoped3A : memref<!tpu.dma_semaphore, #tpu.memory_space<semaphore_mem>>) src(%arg14 : memref<64x144xf32, #tpu.memory_space<vmem>>) dst(%dma_wait3A_122 : memref<64x144xf32, #tpu.memory_space<vmem_shared>>)
      tpu.yield
    }) : () -> ()
    %mul3A_29 = arith.constant 640 : i32
    %mul3A_30 = arith.muli %arg1, %mul3A_29 : i32
    %add3A_31 = arith.constant 384 : i32
    %add3A_32 = arith.addi %mul3A_30, %add3A_31 : i32
    "tpu.region"() ({
      %run_scoped3A = tpu.sem_alloc : memref<!tpu.dma_semaphore, #tpu.memory_space<semaphore_mem>>
      %dma_start3A = arith.constant 0 : i32
      %dma_start3A_117 = tpu.memref_slice %arg10[%add3A_32, %dma_start3A] : memref<10240x144xf32, #tpu.memory_space<vmem_shared>> -> memref<64x144xf32, #tpu.memory_space<vmem_shared>>
      %dma_start3A_118 = arith.constant 0 : i32
      %dma_start3A_119 = tpu.memref_slice %arg10[%add3A_32, %dma_start3A_118] : memref<10240x144xf32, #tpu.memory_space<vmem_shared>> -> memref<64x144xf32, #tpu.memory_space<vmem_shared>>
      tpu.enqueue_dma source(%arg14 : memref<64x144xf32, #tpu.memory_space<vmem>>) target(%dma_start3A_119 : memref<64x144xf32, #tpu.memory_space<vmem_shared>>) target_semaphore(%run_scoped3A : memref<!tpu.dma_semaphore, #tpu.memory_space<semaphore_mem>>)
      %dma_wait3A = arith.constant 0 : i32
      %dma_wait3A_120 = tpu.memref_slice %arg10[%add3A_32, %dma_wait3A] : memref<10240x144xf32, #tpu.memory_space<vmem_shared>> -> memref<64x144xf32, #tpu.memory_space<vmem_shared>>
      %dma_wait3A_121 = arith.constant 0 : i32
      %dma_wait3A_122 = tpu.memref_slice %arg10[%add3A_32, %dma_wait3A_121] : memref<10240x144xf32, #tpu.memory_space<vmem_shared>> -> memref<64x144xf32, #tpu.memory_space<vmem_shared>>
      tpu.wait_dma2 semaphore(%run_scoped3A : memref<!tpu.dma_semaphore, #tpu.memory_space<semaphore_mem>>) src(%arg14 : memref<64x144xf32, #tpu.memory_space<vmem>>) dst(%dma_wait3A_122 : memref<64x144xf32, #tpu.memory_space<vmem_shared>>)
      tpu.yield
    }) : () -> ()
    %mul3A_33 = arith.constant 640 : i32
    %mul3A_34 = arith.muli %arg1, %mul3A_33 : i32
    %add3A_35 = arith.constant 448 : i32
    %add3A_36 = arith.addi %mul3A_34, %add3A_35 : i32
    "tpu.region"() ({
      %run_scoped3A = tpu.sem_alloc : memref<!tpu.dma_semaphore, #tpu.memory_space<semaphore_mem>>
      %dma_start3A = arith.constant 0 : i32
      %dma_start3A_117 = tpu.memref_slice %arg10[%add3A_36, %dma_start3A] : memref<10240x144xf32, #tpu.memory_space<vmem_shared>> -> memref<64x144xf32, #tpu.memory_space<vmem_shared>>
      %dma_start3A_118 = arith.constant 0 : i32
      %dma_start3A_119 = tpu.memref_slice %arg10[%add3A_36, %dma_start3A_118] : memref<10240x144xf32, #tpu.memory_space<vmem_shared>> -> memref<64x144xf32, #tpu.memory_space<vmem_shared>>
      tpu.enqueue_dma source(%arg14 : memref<64x144xf32, #tpu.memory_space<vmem>>) target(%dma_start3A_119 : memref<64x144xf32, #tpu.memory_space<vmem_shared>>) target_semaphore(%run_scoped3A : memref<!tpu.dma_semaphore, #tpu.memory_space<semaphore_mem>>)
      %dma_wait3A = arith.constant 0 : i32
      %dma_wait3A_120 = tpu.memref_slice %arg10[%add3A_36, %dma_wait3A] : memref<10240x144xf32, #tpu.memory_space<vmem_shared>> -> memref<64x144xf32, #tpu.memory_space<vmem_shared>>
      %dma_wait3A_121 = arith.constant 0 : i32
      %dma_wait3A_122 = tpu.memref_slice %arg10[%add3A_36, %dma_wait3A_121] : memref<10240x144xf32, #tpu.memory_space<vmem_shared>> -> memref<64x144xf32, #tpu.memory_space<vmem_shared>>
      tpu.wait_dma2 semaphore(%run_scoped3A : memref<!tpu.dma_semaphore, #tpu.memory_space<semaphore_mem>>) src(%arg14 : memref<64x144xf32, #tpu.memory_space<vmem>>) dst(%dma_wait3A_122 : memref<64x144xf32, #tpu.memory_space<vmem_shared>>)
      tpu.yield
    }) : () -> ()
    %mul3A_37 = arith.constant 640 : i32
    %mul3A_38 = arith.muli %arg1, %mul3A_37 : i32
    %add3A_39 = arith.constant 512 : i32
    %add3A_40 = arith.addi %mul3A_38, %add3A_39 : i32
    "tpu.region"() ({
      %run_scoped3A = tpu.sem_alloc : memref<!tpu.dma_semaphore, #tpu.memory_space<semaphore_mem>>
      %dma_start3A = arith.constant 0 : i32
      %dma_start3A_117 = tpu.memref_slice %arg10[%add3A_40, %dma_start3A] : memref<10240x144xf32, #tpu.memory_space<vmem_shared>> -> memref<64x144xf32, #tpu.memory_space<vmem_shared>>
      %dma_start3A_118 = arith.constant 0 : i32
      %dma_start3A_119 = tpu.memref_slice %arg10[%add3A_40, %dma_start3A_118] : memref<10240x144xf32, #tpu.memory_space<vmem_shared>> -> memref<64x144xf32, #tpu.memory_space<vmem_shared>>
      tpu.enqueue_dma source(%arg14 : memref<64x144xf32, #tpu.memory_space<vmem>>) target(%dma_start3A_119 : memref<64x144xf32, #tpu.memory_space<vmem_shared>>) target_semaphore(%run_scoped3A : memref<!tpu.dma_semaphore, #tpu.memory_space<semaphore_mem>>)
      %dma_wait3A = arith.constant 0 : i32
      %dma_wait3A_120 = tpu.memref_slice %arg10[%add3A_40, %dma_wait3A] : memref<10240x144xf32, #tpu.memory_space<vmem_shared>> -> memref<64x144xf32, #tpu.memory_space<vmem_shared>>
      %dma_wait3A_121 = arith.constant 0 : i32
      %dma_wait3A_122 = tpu.memref_slice %arg10[%add3A_40, %dma_wait3A_121] : memref<10240x144xf32, #tpu.memory_space<vmem_shared>> -> memref<64x144xf32, #tpu.memory_space<vmem_shared>>
      tpu.wait_dma2 semaphore(%run_scoped3A : memref<!tpu.dma_semaphore, #tpu.memory_space<semaphore_mem>>) src(%arg14 : memref<64x144xf32, #tpu.memory_space<vmem>>) dst(%dma_wait3A_122 : memref<64x144xf32, #tpu.memory_space<vmem_shared>>)
      tpu.yield
    }) : () -> ()
    %mul3A_41 = arith.constant 640 : i32
    %mul3A_42 = arith.muli %arg1, %mul3A_41 : i32
    %add3A_43 = arith.constant 576 : i32
    %add3A_44 = arith.addi %mul3A_42, %add3A_43 : i32
    "tpu.region"() ({
      %run_scoped3A = tpu.sem_alloc : memref<!tpu.dma_semaphore, #tpu.memory_space<semaphore_mem>>
      %dma_start3A = arith.constant 0 : i32
      %dma_start3A_117 = tpu.memref_slice %arg10[%add3A_44, %dma_start3A] : memref<10240x144xf32, #tpu.memory_space<vmem_shared>> -> memref<64x144xf32, #tpu.memory_space<vmem_shared>>
      %dma_start3A_118 = arith.constant 0 : i32
      %dma_start3A_119 = tpu.memref_slice %arg10[%add3A_44, %dma_start3A_118] : memref<10240x144xf32, #tpu.memory_space<vmem_shared>> -> memref<64x144xf32, #tpu.memory_space<vmem_shared>>
      tpu.enqueue_dma source(%arg14 : memref<64x144xf32, #tpu.memory_space<vmem>>) target(%dma_start3A_119 : memref<64x144xf32, #tpu.memory_space<vmem_shared>>) target_semaphore(%run_scoped3A : memref<!tpu.dma_semaphore, #tpu.memory_space<semaphore_mem>>)
      %dma_wait3A = arith.constant 0 : i32
      %dma_wait3A_120 = tpu.memref_slice %arg10[%add3A_44, %dma_wait3A] : memref<10240x144xf32, #tpu.memory_space<vmem_shared>> -> memref<64x144xf32, #tpu.memory_space<vmem_shared>>
      %dma_wait3A_121 = arith.constant 0 : i32
      %dma_wait3A_122 = tpu.memref_slice %arg10[%add3A_44, %dma_wait3A_121] : memref<10240x144xf32, #tpu.memory_space<vmem_shared>> -> memref<64x144xf32, #tpu.memory_space<vmem_shared>>
      tpu.wait_dma2 semaphore(%run_scoped3A : memref<!tpu.dma_semaphore, #tpu.memory_space<semaphore_mem>>) src(%arg14 : memref<64x144xf32, #tpu.memory_space<vmem>>) dst(%dma_wait3A_122 : memref<64x144xf32, #tpu.memory_space<vmem_shared>>)
      tpu.yield
    }) : () -> ()
    "tpu.region"() ({
      %run_scoped3A = tpu.sem_alloc : memref<!tpu.dma_semaphore, #tpu.memory_space<semaphore_mem>>
      tpu.enqueue_dma source(%arg8 : memref<128xf32, #tpu.memory_space<hbm>>) target(%arg16 : memref<128xf32, #tpu.memory_space<vmem>>) target_semaphore(%run_scoped3A : memref<!tpu.dma_semaphore, #tpu.memory_space<semaphore_mem>>)
      tpu.wait_dma2 semaphore(%run_scoped3A : memref<!tpu.dma_semaphore, #tpu.memory_space<semaphore_mem>>) src(%arg8 : memref<128xf32, #tpu.memory_space<hbm>>) dst(%arg16 : memref<128xf32, #tpu.memory_space<vmem>>)
      tpu.yield
    }) : () -> ()
    %mul3A_45 = arith.constant 32 : i32
    %mul3A_46 = arith.muli %arg0, %mul3A_45 : i32
    %get3A = arith.index_cast %mul3A_46 : i32 to index
    %get3A_47 = tpu.vector_load %arg16[%get3A] {strides = array<i32>} : memref<128xf32, #tpu.memory_space<vmem>>, vector<16xf32>,
    %get3A_48 = vector.shape_cast %get3A_47 : vector<16xf32> to vector<16xf32>
    %mul3A_49 = arith.constant 32 : i32
    %mul3A_50 = arith.muli %arg0, %mul3A_49 : i32
    %add3A_51 = arith.constant 16 : i32
    %add3A_52 = arith.addi %mul3A_50, %add3A_51 : i32
    %get3A_53 = arith.index_cast %add3A_52 : i32 to index
    %get3A_54 = tpu.vector_load %arg16[%get3A_53] {strides = array<i32>} : memref<128xf32, #tpu.memory_space<vmem>>, vector<16xf32>,
    %get3A_55 = vector.shape_cast %get3A_54 : vector<16xf32> to vector<16xf32>
    %barrier3A = arith.constant 0 : index
    tpu.barrier barrier_id(%barrier3A)
    %eq3A = arith.constant 0 : i32
    %eq3A_56 = vector.broadcast %eq3A : i32 to vector<16xi32>
    %eq3A_57 = arith.cmpi eq, %iota3A, %eq3A_56 : vector<16xi32>
    %jit3A = arith.constant 1.000000e+00 : f32
    %jit3A_58 = arith.constant 0.000000e+00 : f32
    %broadcast_in_dim3A_59 = vector.broadcast %jit3A : f32 to vector<16xf32>
    %broadcast_in_dim3A_60 = vector.broadcast %jit3A_58 : f32 to vector<16xf32>
    %select_n3A = arith.select %eq3A_57, %broadcast_in_dim3A_59, %broadcast_in_dim3A_60 : vector<16xi1>, vector<16xf32>
    %eq3A_61 = arith.constant 1 : i32
    %eq3A_62 = vector.broadcast %eq3A_61 : i32 to vector<16xi32>
    %eq3A_63 = arith.cmpi eq, %iota3A, %eq3A_62 : vector<16xi32>
    %jit3A_64 = arith.constant 1.000000e+00 : f32
    %jit3A_65 = arith.constant 0.000000e+00 : f32
    %broadcast_in_dim3A_66 = vector.broadcast %jit3A_64 : f32 to vector<16xf32>
    %broadcast_in_dim3A_67 = vector.broadcast %jit3A_65 : f32 to vector<16xf32>
    %select_n3A_68 = arith.select %eq3A_63, %broadcast_in_dim3A_66, %broadcast_in_dim3A_67 : vector<16xi1>, vector<16xf32>
    %scan3A_69 = arith.constant 0 : i32
    %scan3A_70 = arith.constant 0 : i32
    %scan3A_71 = arith.constant 41 : i32
    %scan3A_72 = arith.addi %scan3A_70, %scan3A_71 : i32
    %scan3A_73 = arith.constant 1 : i32
    %scan3A_74 = scf.for %scan3A_117 = %scan3A_70 to %scan3A_72 step %scan3A_73 iter_args(%scan3A_118 = %scan3A_69) -> (i32)  : i32 {
      %mul3A_119 = arith.constant 328 : i32
      %mul3A_120 = arith.muli %arg1, %mul3A_119 : i32
      %mul3A_121 = arith.constant 8 : i32
      %mul3A_122 = arith.muli %scan3A_117, %mul3A_121 : i32
      %add3A_123 = arith.addi %mul3A_120, %mul3A_122 : i32
      "tpu.region"() ({
        %run_scoped3A = tpu.sem_alloc : memref<!tpu.dma_semaphore, #tpu.memory_space<semaphore_mem>>
        %dma_start3A = arith.constant 0 : i32
        %dma_start3A_137 = tpu.memref_slice %arg2[%add3A_123, %dma_start3A] : memref<5248x64xi32, #tpu.memory_space<hbm>> -> memref<8x64xi32, #tpu.memory_space<hbm>>
        %dma_start3A_138 = arith.constant 0 : i32
        %dma_start3A_139 = tpu.memref_slice %arg2[%add3A_123, %dma_start3A_138] : memref<5248x64xi32, #tpu.memory_space<hbm>> -> memref<8x64xi32, #tpu.memory_space<hbm>>
        tpu.enqueue_dma source(%dma_start3A_139 : memref<8x64xi32, #tpu.memory_space<hbm>>) target(%arg11 : memref<8x64xi32, #tpu.memory_space<vmem>>) target_semaphore(%run_scoped3A : memref<!tpu.dma_semaphore, #tpu.memory_space<semaphore_mem>>)
        %dma_wait3A = arith.constant 0 : i32
        %dma_wait3A_140 = tpu.memref_slice %arg2[%add3A_123, %dma_wait3A] : memref<5248x64xi32, #tpu.memory_space<hbm>> -> memref<8x64xi32, #tpu.memory_space<hbm>>
        %dma_wait3A_141 = arith.constant 0 : i32
        %dma_wait3A_142 = tpu.memref_slice %arg2[%add3A_123, %dma_wait3A_141] : memref<5248x64xi32, #tpu.memory_space<hbm>> -> memref<8x64xi32, #tpu.memory_space<hbm>>
        tpu.wait_dma2 semaphore(%run_scoped3A : memref<!tpu.dma_semaphore, #tpu.memory_space<semaphore_mem>>) src(%dma_wait3A_142 : memref<8x64xi32, #tpu.memory_space<hbm>>) dst(%arg11 : memref<8x64xi32, #tpu.memory_space<vmem>>)
        tpu.yield
      }) : () -> ()
      %mul3A_124 = arith.constant 328 : i32
      %mul3A_125 = arith.muli %arg1, %mul3A_124 : i32
      %mul3A_126 = arith.constant 8 : i32
      %mul3A_127 = arith.muli %scan3A_117, %mul3A_126 : i32
      %add3A_128 = arith.addi %mul3A_125, %mul3A_127 : i32
      "tpu.region"() ({
        %run_scoped3A = tpu.sem_alloc : memref<!tpu.dma_semaphore, #tpu.memory_space<semaphore_mem>>
        %dma_start3A = arith.constant 0 : i32
        %dma_start3A_137 = tpu.memref_slice %arg3[%add3A_128, %dma_start3A] : memref<5248x64xi32, #tpu.memory_space<hbm>> -> memref<8x64xi32, #tpu.memory_space<hbm>>
        %dma_start3A_138 = arith.constant 0 : i32
        %dma_start3A_139 = tpu.memref_slice %arg3[%add3A_128, %dma_start3A_138] : memref<5248x64xi32, #tpu.memory_space<hbm>> -> memref<8x64xi32, #tpu.memory_space<hbm>>
        tpu.enqueue_dma source(%dma_start3A_139 : memref<8x64xi32, #tpu.memory_space<hbm>>) target(%arg12 : memref<8x64xi32, #tpu.memory_space<vmem>>) target_semaphore(%run_scoped3A : memref<!tpu.dma_semaphore, #tpu.memory_space<semaphore_mem>>)
        %dma_wait3A = arith.constant 0 : i32
        %dma_wait3A_140 = tpu.memref_slice %arg3[%add3A_128, %dma_wait3A] : memref<5248x64xi32, #tpu.memory_space<hbm>> -> memref<8x64xi32, #tpu.memory_space<hbm>>
        %dma_wait3A_141 = arith.constant 0 : i32
        %dma_wait3A_142 = tpu.memref_slice %arg3[%add3A_128, %dma_wait3A_141] : memref<5248x64xi32, #tpu.memory_space<hbm>> -> memref<8x64xi32, #tpu.memory_space<hbm>>
        tpu.wait_dma2 semaphore(%run_scoped3A : memref<!tpu.dma_semaphore, #tpu.memory_space<semaphore_mem>>) src(%dma_wait3A_142 : memref<8x64xi32, #tpu.memory_space<hbm>>) dst(%arg12 : memref<8x64xi32, #tpu.memory_space<vmem>>)
        tpu.yield
      }) : () -> ()
      %scan3A_129 = arith.constant 0 : i32
      %scan3A_130 = arith.constant 0 : i32
      %scan3A_131 = arith.constant 8 : i32
      %scan3A_132 = arith.addi %scan3A_130, %scan3A_131 : i32
      %scan3A_133 = arith.constant 1 : i32
      %scan3A_134 = scf.for %scan3A_137 = %scan3A_130 to %scan3A_132 step %scan3A_133 iter_args(%scan3A_138 = %scan3A_129) -> (i32)  : i32 {
        %eq3A_139 = arith.constant 0 : i32
        %eq3A_140 = arith.cmpi eq, %arg0, %eq3A_139 : i32
        %convert_element_type3A = arith.extui %eq3A_140 : i1 to i32
        %cond3A = arith.constant 0 : i32
        %cond3A_141 = arith.cmpi ne, %convert_element_type3A, %cond3A : i32
        scf.if %cond3A_141 {
          %dma_start3A = arith.constant 0 : i32
          %dma_start3A_154 = tpu.memref_slice %arg11[%scan3A_137, %dma_start3A] : memref<8x64xi32, #tpu.memory_space<vmem>> -> memref<1x64xi32, #tpu.memory_space<vmem>>
          %dma_start3A_155 = tpu.memref_squeeze %dma_start3A_154 : memref<1x64xi32, #tpu.memory_space<vmem>> -> memref<64xi32, #tpu.memory_space<vmem>>
          %dma_start3A_156 = arith.constant 0 : i32
          %dma_start3A_157 = arith.constant 0 : i32
          %dma_start3A_158 = tpu.memref_slice %arg4[%dma_start3A_156, %dma_start3A_157] : memref<10240x160xf32, #tpu.memory_space<hbm>> -> memref<10240x160xf32, #tpu.memory_space<hbm>>
          tpu.enqueue_indirect_dma source(%dma_start3A_158 : memref<10240x160xf32, #tpu.memory_space<hbm>>) target(%arg13 : memref<64x160xf32, #tpu.memory_space<vmem>>) offsets(%dma_start3A_155 : memref<64xi32, #tpu.memory_space<vmem>>) semaphore(%arg17 : memref<!tpu.dma_semaphore, #tpu.memory_space<semaphore_mem>>)
          %dma_start3A_159 = arith.constant 0 : i32
          %dma_start3A_160 = tpu.memref_slice %arg12[%scan3A_137, %dma_start3A_159] : memref<8x64xi32, #tpu.memory_space<vmem>> -> memref<1x64xi32, #tpu.memory_space<vmem>>
          %dma_start3A_161 = tpu.memref_squeeze %dma_start3A_160 : memref<1x64xi32, #tpu.memory_space<vmem>> -> memref<64xi32, #tpu.memory_space<vmem>>
          %dma_start3A_162 = arith.constant 0 : i32
          %dma_start3A_163 = arith.constant 0 : i32
          %dma_start3A_164 = tpu.memref_slice %arg6[%dma_start3A_162, %dma_start3A_163] : memref<10240x32xf32, #tpu.memory_space<hbm>> -> memref<10240x32xf32, #tpu.memory_space<hbm>>
          tpu.enqueue_indirect_dma source(%dma_start3A_164 : memref<10240x32xf32, #tpu.memory_space<hbm>>) target(%arg15 : memref<64x32xf32, #tpu.memory_space<vmem>>) offsets(%dma_start3A_161 : memref<64xi32, #tpu.memory_space<vmem>>) semaphore(%arg18 : memref<!tpu.dma_semaphore, #tpu.memory_space<semaphore_mem>>)
          %dma_wait3A = arith.constant 0 : i32
          %dma_wait3A_165 = tpu.memref_slice %arg11[%scan3A_137, %dma_wait3A] : memref<8x64xi32, #tpu.memory_space<vmem>> -> memref<1x64xi32, #tpu.memory_space<vmem>>
          %dma_wait3A_166 = tpu.memref_squeeze %dma_wait3A_165 : memref<1x64xi32, #tpu.memory_space<vmem>> -> memref<64xi32, #tpu.memory_space<vmem>>
          %dma_wait3A_167 = arith.constant 0 : i32
          %dma_wait3A_168 = arith.constant 0 : i32
          %dma_wait3A_169 = tpu.memref_slice %arg4[%dma_wait3A_167, %dma_wait3A_168] : memref<10240x160xf32, #tpu.memory_space<hbm>> -> memref<10240x160xf32, #tpu.memory_space<hbm>>
          tpu.wait_indirect_dma semaphore(%arg17 : memref<!tpu.dma_semaphore, #tpu.memory_space<semaphore_mem>>) src(%dma_wait3A_169 : memref<10240x160xf32, #tpu.memory_space<hbm>>) dst(%arg13 : memref<64x160xf32, #tpu.memory_space<vmem>>)
          %dma_wait3A_170 = arith.constant 0 : i32
          %dma_wait3A_171 = tpu.memref_slice %arg12[%scan3A_137, %dma_wait3A_170] : memref<8x64xi32, #tpu.memory_space<vmem>> -> memref<1x64xi32, #tpu.memory_space<vmem>>
          %dma_wait3A_172 = tpu.memref_squeeze %dma_wait3A_171 : memref<1x64xi32, #tpu.memory_space<vmem>> -> memref<64xi32, #tpu.memory_space<vmem>>
          %dma_wait3A_173 = arith.constant 0 : i32
          %dma_wait3A_174 = arith.constant 0 : i32
          %dma_wait3A_175 = tpu.memref_slice %arg6[%dma_wait3A_173, %dma_wait3A_174] : memref<10240x32xf32, #tpu.memory_space<hbm>> -> memref<10240x32xf32, #tpu.memory_space<hbm>>
          tpu.wait_indirect_dma semaphore(%arg18 : memref<!tpu.dma_semaphore, #tpu.memory_space<semaphore_mem>>) src(%dma_wait3A_175 : memref<10240x32xf32, #tpu.memory_space<hbm>>) dst(%arg15 : memref<64x32xf32, #tpu.memory_space<vmem>>)
        } else {
        }
        %ne3A = arith.constant 0 : i32
        %ne3A_142 = arith.cmpi ne, %arg0, %ne3A : i32
        %convert_element_type3A_143 = arith.extui %ne3A_142 : i1 to i32
        %cond3A_144 = arith.constant 0 : i32
        %cond3A_145 = arith.cmpi ne, %convert_element_type3A_143, %cond3A_144 : i32
        scf.if %cond3A_145 {
          %dma_start3A = arith.constant 0 : i32
          %dma_start3A_154 = tpu.memref_slice %arg11[%scan3A_137, %dma_start3A] : memref<8x64xi32, #tpu.memory_space<vmem>> -> memref<1x64xi32, #tpu.memory_space<vmem>>
          %dma_start3A_155 = tpu.memref_squeeze %dma_start3A_154 : memref<1x64xi32, #tpu.memory_space<vmem>> -> memref<64xi32, #tpu.memory_space<vmem>>
          %dma_start3A_156 = arith.constant 0 : i32
          %dma_start3A_157 = arith.constant 0 : i32
          %dma_start3A_158 = tpu.memref_slice %arg5[%dma_start3A_156, %dma_start3A_157] : memref<10240x160xf32, #tpu.memory_space<hbm>> -> memref<10240x160xf32, #tpu.memory_space<hbm>>
          tpu.enqueue_indirect_dma source(%dma_start3A_158 : memref<10240x160xf32, #tpu.memory_space<hbm>>) target(%arg13 : memref<64x160xf32, #tpu.memory_space<vmem>>) offsets(%dma_start3A_155 : memref<64xi32, #tpu.memory_space<vmem>>) semaphore(%arg17 : memref<!tpu.dma_semaphore, #tpu.memory_space<semaphore_mem>>)
          %dma_start3A_159 = arith.constant 0 : i32
          %dma_start3A_160 = tpu.memref_slice %arg12[%scan3A_137, %dma_start3A_159] : memref<8x64xi32, #tpu.memory_space<vmem>> -> memref<1x64xi32, #tpu.memory_space<vmem>>
          %dma_start3A_161 = tpu.memref_squeeze %dma_start3A_160 : memref<1x64xi32, #tpu.memory_space<vmem>> -> memref<64xi32, #tpu.memory_space<vmem>>
          %dma_start3A_162 = arith.constant 0 : i32
          %dma_start3A_163 = arith.constant 0 : i32
          %dma_start3A_164 = tpu.memref_slice %arg7[%dma_start3A_162, %dma_start3A_163] : memref<10240x32xf32, #tpu.memory_space<hbm>> -> memref<10240x32xf32, #tpu.memory_space<hbm>>
          tpu.enqueue_indirect_dma source(%dma_start3A_164 : memref<10240x32xf32, #tpu.memory_space<hbm>>) target(%arg15 : memref<64x32xf32, #tpu.memory_space<vmem>>) offsets(%dma_start3A_161 : memref<64xi32, #tpu.memory_space<vmem>>) semaphore(%arg18 : memref<!tpu.dma_semaphore, #tpu.memory_space<semaphore_mem>>)
          %dma_wait3A = arith.constant 0 : i32
          %dma_wait3A_165 = tpu.memref_slice %arg11[%scan3A_137, %dma_wait3A] : memref<8x64xi32, #tpu.memory_space<vmem>> -> memref<1x64xi32, #tpu.memory_space<vmem>>
          %dma_wait3A_166 = tpu.memref_squeeze %dma_wait3A_165 : memref<1x64xi32, #tpu.memory_space<vmem>> -> memref<64xi32, #tpu.memory_space<vmem>>
          %dma_wait3A_167 = arith.constant 0 : i32
          %dma_wait3A_168 = arith.constant 0 : i32
          %dma_wait3A_169 = tpu.memref_slice %arg5[%dma_wait3A_167, %dma_wait3A_168] : memref<10240x160xf32, #tpu.memory_space<hbm>> -> memref<10240x160xf32, #tpu.memory_space<hbm>>
          tpu.wait_indirect_dma semaphore(%arg17 : memref<!tpu.dma_semaphore, #tpu.memory_space<semaphore_mem>>) src(%dma_wait3A_169 : memref<10240x160xf32, #tpu.memory_space<hbm>>) dst(%arg13 : memref<64x160xf32, #tpu.memory_space<vmem>>)
          %dma_wait3A_170 = arith.constant 0 : i32
          %dma_wait3A_171 = tpu.memref_slice %arg12[%scan3A_137, %dma_wait3A_170] : memref<8x64xi32, #tpu.memory_space<vmem>> -> memref<1x64xi32, #tpu.memory_space<vmem>>
          %dma_wait3A_172 = tpu.memref_squeeze %dma_wait3A_171 : memref<1x64xi32, #tpu.memory_space<vmem>> -> memref<64xi32, #tpu.memory_space<vmem>>
          %dma_wait3A_173 = arith.constant 0 : i32
          %dma_wait3A_174 = arith.constant 0 : i32
          %dma_wait3A_175 = tpu.memref_slice %arg7[%dma_wait3A_173, %dma_wait3A_174] : memref<10240x32xf32, #tpu.memory_space<hbm>> -> memref<10240x32xf32, #tpu.memory_space<hbm>>
          tpu.wait_indirect_dma semaphore(%arg18 : memref<!tpu.dma_semaphore, #tpu.memory_space<semaphore_mem>>) src(%dma_wait3A_175 : memref<10240x32xf32, #tpu.memory_space<hbm>>) dst(%arg15 : memref<64x32xf32, #tpu.memory_space<vmem>>)
        } else {
        }
        %scan3A_146 = arith.constant 0 : i32
        %scan3A_147 = arith.constant 0 : i32
        %scan3A_148 = arith.constant 64 : i32
        %scan3A_149 = arith.addi %scan3A_147, %scan3A_148 : i32
        %scan3A_150 = arith.constant 1 : i32
        %scan3A_151 = scf.for %scan3A_154 = %scan3A_147 to %scan3A_149 step %scan3A_150 iter_args(%scan3A_155 = %scan3A_146) -> (i32)  : i32 {
          %get3A_156 = arith.index_cast %scan3A_154 : i32 to index
          %get3A_157 = arith.constant 128 : index
          %get3A_158 = tpu.vector_load %arg13[%get3A_156, %get3A_157] {strides = array<i32>} : memref<64x160xf32, #tpu.memory_space<vmem>>, vector<1x16xf32>,
          %get3A_159 = vector.shape_cast %get3A_158 : vector<1x16xf32> to vector<16xf32>
          %get3A_160 = arith.index_cast %scan3A_154 : i32 to index
          %get3A_161 = arith.constant 144 : index
          %get3A_162 = tpu.vector_load %arg13[%get3A_160, %get3A_161] {strides = array<i32>} : memref<64x160xf32, #tpu.memory_space<vmem>>, vector<1x16xf32>,
          %get3A_163 = vector.shape_cast %get3A_162 : vector<1x16xf32> to vector<16xf32>
          %get3A_164 = arith.index_cast %scan3A_154 : i32 to index
          %get3A_165 = arith.constant 0 : index
          %get3A_166 = tpu.vector_load %arg15[%get3A_164, %get3A_165] {strides = array<i32>} : memref<64x32xf32, #tpu.memory_space<vmem>>, vector<1x16xf32>,
          %get3A_167 = vector.shape_cast %get3A_166 : vector<1x16xf32> to vector<16xf32>
          %get3A_168 = arith.index_cast %scan3A_154 : i32 to index
          %get3A_169 = arith.constant 16 : index
          %get3A_170 = tpu.vector_load %arg15[%get3A_168, %get3A_169] {strides = array<i32>} : memref<64x32xf32, #tpu.memory_space<vmem>>, vector<1x16xf32>,
          %get3A_171 = vector.shape_cast %get3A_170 : vector<1x16xf32> to vector<16xf32>
          %add3A_172 = arith.addf %get3A_159, %get3A_167 : vector<16xf32>
          %mul3A_173 = arith.constant 2.000000e-01 : f32
          %mul3A_174 = vector.broadcast %mul3A_173 : f32 to vector<16xf32>
          %mul3A_175 = arith.mulf %mul3A_174, %add3A_172 : vector<16xf32>
          %max3A = arith.maximumf %add3A_172, %mul3A_175 : vector<16xf32>
          %sub3A = arith.subf %max3A, %get3A_48 : vector<16xf32>
          %exp3A = math.exp %sub3A : vector<16xf32>
          %add3A_176 = arith.addf %get3A_163, %get3A_171 : vector<16xf32>
          %mul3A_177 = arith.constant 2.000000e-01 : f32
          %mul3A_178 = vector.broadcast %mul3A_177 : f32 to vector<16xf32>
          %mul3A_179 = arith.mulf %mul3A_178, %add3A_176 : vector<16xf32>
          %max3A_180 = arith.maximumf %add3A_176, %mul3A_179 : vector<16xf32>
          %sub3A_181 = arith.subf %max3A_180, %get3A_55 : vector<16xf32>
          %exp3A_182 = math.exp %sub3A_181 : vector<16xf32>
          %get3A_183 = arith.index_cast %scan3A_154 : i32 to index
          %get3A_184 = arith.constant 0 : index
          %get3A_185 = tpu.vector_load %arg13[%get3A_183, %get3A_184] {strides = array<i32>} : memref<64x160xf32, #tpu.memory_space<vmem>>, vector<1x16xf32>,
          %get3A_186 = vector.shape_cast %get3A_185 : vector<1x16xf32> to vector<16xf32>
          %mul3A_187 = arith.mulf %get3A_186, %exp3A : vector<16xf32>
          %swap3A = arith.index_cast %scan3A_154 : i32 to index
          %swap3A_188 = arith.constant 0 : index
          %swap3A_189 = tpu.vector_load %arg14[%swap3A, %swap3A_188] {strides = array<i32>} : memref<64x144xf32, #tpu.memory_space<vmem>>, vector<1x16xf32>,
          %swap3A_190 = vector.shape_cast %swap3A_189 : vector<1x16xf32> to vector<16xf32>
          %swap3A_191 = vector.shape_cast %mul3A_187 : vector<16xf32> to vector<1x16xf32>
          tpu.vector_store %arg14[%swap3A, %swap3A_188], %swap3A_191 {strides = array<i32>} : memref<64x144xf32, #tpu.memory_space<vmem>>, vector<1x16xf32>,
          %get3A_192 = arith.index_cast %scan3A_154 : i32 to index
          %get3A_193 = arith.constant 16 : index
          %get3A_194 = tpu.vector_load %arg13[%get3A_192, %get3A_193] {strides = array<i32>} : memref<64x160xf32, #tpu.memory_space<vmem>>, vector<1x16xf32>,
          %get3A_195 = vector.shape_cast %get3A_194 : vector<1x16xf32> to vector<16xf32>
          %mul3A_196 = arith.mulf %get3A_195, %exp3A : vector<16xf32>
          %swap3A_197 = arith.index_cast %scan3A_154 : i32 to index
          %swap3A_198 = arith.constant 16 : index
          %swap3A_199 = tpu.vector_load %arg14[%swap3A_197, %swap3A_198] {strides = array<i32>} : memref<64x144xf32, #tpu.memory_space<vmem>>, vector<1x16xf32>,
          %swap3A_200 = vector.shape_cast %swap3A_199 : vector<1x16xf32> to vector<16xf32>
          %swap3A_201 = vector.shape_cast %mul3A_196 : vector<16xf32> to vector<1x16xf32>
          tpu.vector_store %arg14[%swap3A_197, %swap3A_198], %swap3A_201 {strides = array<i32>} : memref<64x144xf32, #tpu.memory_space<vmem>>, vector<1x16xf32>,
          %get3A_202 = arith.index_cast %scan3A_154 : i32 to index
          %get3A_203 = arith.constant 32 : index
          %get3A_204 = tpu.vector_load %arg13[%get3A_202, %get3A_203] {strides = array<i32>} : memref<64x160xf32, #tpu.memory_space<vmem>>, vector<1x16xf32>,
          %get3A_205 = vector.shape_cast %get3A_204 : vector<1x16xf32> to vector<16xf32>
          %mul3A_206 = arith.mulf %get3A_205, %exp3A : vector<16xf32>
          %swap3A_207 = arith.index_cast %scan3A_154 : i32 to index
          %swap3A_208 = arith.constant 32 : index
          %swap3A_209 = tpu.vector_load %arg14[%swap3A_207, %swap3A_208] {strides = array<i32>} : memref<64x144xf32, #tpu.memory_space<vmem>>, vector<1x16xf32>,
          %swap3A_210 = vector.shape_cast %swap3A_209 : vector<1x16xf32> to vector<16xf32>
          %swap3A_211 = vector.shape_cast %mul3A_206 : vector<16xf32> to vector<1x16xf32>
          tpu.vector_store %arg14[%swap3A_207, %swap3A_208], %swap3A_211 {strides = array<i32>} : memref<64x144xf32, #tpu.memory_space<vmem>>, vector<1x16xf32>,
          %get3A_212 = arith.index_cast %scan3A_154 : i32 to index
          %get3A_213 = arith.constant 48 : index
          %get3A_214 = tpu.vector_load %arg13[%get3A_212, %get3A_213] {strides = array<i32>} : memref<64x160xf32, #tpu.memory_space<vmem>>, vector<1x16xf32>,
          %get3A_215 = vector.shape_cast %get3A_214 : vector<1x16xf32> to vector<16xf32>
          %mul3A_216 = arith.mulf %get3A_215, %exp3A : vector<16xf32>
          %swap3A_217 = arith.index_cast %scan3A_154 : i32 to index
          %swap3A_218 = arith.constant 48 : index
          %swap3A_219 = tpu.vector_load %arg14[%swap3A_217, %swap3A_218] {strides = array<i32>} : memref<64x144xf32, #tpu.memory_space<vmem>>, vector<1x16xf32>,
          %swap3A_220 = vector.shape_cast %swap3A_219 : vector<1x16xf32> to vector<16xf32>
          %swap3A_221 = vector.shape_cast %mul3A_216 : vector<16xf32> to vector<1x16xf32>
          tpu.vector_store %arg14[%swap3A_217, %swap3A_218], %swap3A_221 {strides = array<i32>} : memref<64x144xf32, #tpu.memory_space<vmem>>, vector<1x16xf32>,
          %get3A_222 = arith.index_cast %scan3A_154 : i32 to index
          %get3A_223 = arith.constant 64 : index
          %get3A_224 = tpu.vector_load %arg13[%get3A_222, %get3A_223] {strides = array<i32>} : memref<64x160xf32, #tpu.memory_space<vmem>>, vector<1x16xf32>,
          %get3A_225 = vector.shape_cast %get3A_224 : vector<1x16xf32> to vector<16xf32>
          %mul3A_226 = arith.mulf %get3A_225, %exp3A_182 : vector<16xf32>
          %swap3A_227 = arith.index_cast %scan3A_154 : i32 to index
          %swap3A_228 = arith.constant 64 : index
          %swap3A_229 = tpu.vector_load %arg14[%swap3A_227, %swap3A_228] {strides = array<i32>} : memref<64x144xf32, #tpu.memory_space<vmem>>, vector<1x16xf32>,
          %swap3A_230 = vector.shape_cast %swap3A_229 : vector<1x16xf32> to vector<16xf32>
          %swap3A_231 = vector.shape_cast %mul3A_226 : vector<16xf32> to vector<1x16xf32>
          tpu.vector_store %arg14[%swap3A_227, %swap3A_228], %swap3A_231 {strides = array<i32>} : memref<64x144xf32, #tpu.memory_space<vmem>>, vector<1x16xf32>,
          %get3A_232 = arith.index_cast %scan3A_154 : i32 to index
          %get3A_233 = arith.constant 80 : index
          %get3A_234 = tpu.vector_load %arg13[%get3A_232, %get3A_233] {strides = array<i32>} : memref<64x160xf32, #tpu.memory_space<vmem>>, vector<1x16xf32>,
          %get3A_235 = vector.shape_cast %get3A_234 : vector<1x16xf32> to vector<16xf32>
          %mul3A_236 = arith.mulf %get3A_235, %exp3A_182 : vector<16xf32>
          %swap3A_237 = arith.index_cast %scan3A_154 : i32 to index
          %swap3A_238 = arith.constant 80 : index
          %swap3A_239 = tpu.vector_load %arg14[%swap3A_237, %swap3A_238] {strides = array<i32>} : memref<64x144xf32, #tpu.memory_space<vmem>>, vector<1x16xf32>,
          %swap3A_240 = vector.shape_cast %swap3A_239 : vector<1x16xf32> to vector<16xf32>
          %swap3A_241 = vector.shape_cast %mul3A_236 : vector<16xf32> to vector<1x16xf32>
          tpu.vector_store %arg14[%swap3A_237, %swap3A_238], %swap3A_241 {strides = array<i32>} : memref<64x144xf32, #tpu.memory_space<vmem>>, vector<1x16xf32>,
          %get3A_242 = arith.index_cast %scan3A_154 : i32 to index
          %get3A_243 = arith.constant 96 : index
          %get3A_244 = tpu.vector_load %arg13[%get3A_242, %get3A_243] {strides = array<i32>} : memref<64x160xf32, #tpu.memory_space<vmem>>, vector<1x16xf32>,
          %get3A_245 = vector.shape_cast %get3A_244 : vector<1x16xf32> to vector<16xf32>
          %mul3A_246 = arith.mulf %get3A_245, %exp3A_182 : vector<16xf32>
          %swap3A_247 = arith.index_cast %scan3A_154 : i32 to index
          %swap3A_248 = arith.constant 96 : index
          %swap3A_249 = tpu.vector_load %arg14[%swap3A_247, %swap3A_248] {strides = array<i32>} : memref<64x144xf32, #tpu.memory_space<vmem>>, vector<1x16xf32>,
          %swap3A_250 = vector.shape_cast %swap3A_249 : vector<1x16xf32> to vector<16xf32>
          %swap3A_251 = vector.shape_cast %mul3A_246 : vector<16xf32> to vector<1x16xf32>
          tpu.vector_store %arg14[%swap3A_247, %swap3A_248], %swap3A_251 {strides = array<i32>} : memref<64x144xf32, #tpu.memory_space<vmem>>, vector<1x16xf32>,
          %get3A_252 = arith.index_cast %scan3A_154 : i32 to index
          %get3A_253 = arith.constant 112 : index
          %get3A_254 = tpu.vector_load %arg13[%get3A_252, %get3A_253] {strides = array<i32>} : memref<64x160xf32, #tpu.memory_space<vmem>>, vector<1x16xf32>,
          %get3A_255 = vector.shape_cast %get3A_254 : vector<1x16xf32> to vector<16xf32>
          %mul3A_256 = arith.mulf %get3A_255, %exp3A_182 : vector<16xf32>
          %swap3A_257 = arith.index_cast %scan3A_154 : i32 to index
          %swap3A_258 = arith.constant 112 : index
          %swap3A_259 = tpu.vector_load %arg14[%swap3A_257, %swap3A_258] {strides = array<i32>} : memref<64x144xf32, #tpu.memory_space<vmem>>, vector<1x16xf32>,
          %swap3A_260 = vector.shape_cast %swap3A_259 : vector<1x16xf32> to vector<16xf32>
          %swap3A_261 = vector.shape_cast %mul3A_256 : vector<16xf32> to vector<1x16xf32>
          tpu.vector_store %arg14[%swap3A_257, %swap3A_258], %swap3A_261 {strides = array<i32>} : memref<64x144xf32, #tpu.memory_space<vmem>>, vector<1x16xf32>,
          %mul3A_262 = arith.mulf %exp3A, %select_n3A : vector<16xf32>
          %mul3A_263 = arith.mulf %exp3A_182, %select_n3A_68 : vector<16xf32>
          %add3A_264 = arith.addf %mul3A_262, %mul3A_263 : vector<16xf32>
          %swap3A_265 = arith.index_cast %scan3A_154 : i32 to index
          %swap3A_266 = arith.constant 128 : index
          %swap3A_267 = tpu.vector_load %arg14[%swap3A_265, %swap3A_266] {strides = array<i32>} : memref<64x144xf32, #tpu.memory_space<vmem>>, vector<1x16xf32>,
          %swap3A_268 = vector.shape_cast %swap3A_267 : vector<1x16xf32> to vector<16xf32>
          %swap3A_269 = vector.shape_cast %add3A_264 : vector<16xf32> to vector<1x16xf32>
          tpu.vector_store %arg14[%swap3A_265, %swap3A_266], %swap3A_269 {strides = array<i32>} : memref<64x144xf32, #tpu.memory_space<vmem>>, vector<1x16xf32>,
          %scan3A_270 = arith.constant 0 : i32
          scf.yield %scan3A_270 : i32
        }
        %scan3A_152 = arith.constant 64 : i32
        "tpu.region"() ({
          %run_scoped3A = tpu.sem_alloc : memref<!tpu.dma_semaphore, #tpu.memory_space<semaphore_mem>>
          %dma_start3A = arith.constant 0 : i32
          %dma_start3A_154 = tpu.memref_slice %arg12[%scan3A_137, %dma_start3A] : memref<8x64xi32, #tpu.memory_space<vmem>> -> memref<1x64xi32, #tpu.memory_space<vmem>>
          %dma_start3A_155 = tpu.memref_squeeze %dma_start3A_154 : memref<1x64xi32, #tpu.memory_space<vmem>> -> memref<64xi32, #tpu.memory_space<vmem>>
          %dma_start3A_156 = arith.constant 0 : i32
          %dma_start3A_157 = arith.constant 0 : i32
          %dma_start3A_158 = tpu.memref_slice %arg10[%dma_start3A_156, %dma_start3A_157] : memref<10240x144xf32, #tpu.memory_space<vmem_shared>> -> memref<10240x144xf32, #tpu.memory_space<vmem_shared>>
          tpu.enqueue_indirect_dma source(%arg14 : memref<64x144xf32, #tpu.memory_space<vmem>>) target(%dma_start3A_158 : memref<10240x144xf32, #tpu.memory_space<vmem_shared>>) offsets(%dma_start3A_155 : memref<64xi32, #tpu.memory_space<vmem>>) semaphore(%run_scoped3A : memref<!tpu.dma_semaphore, #tpu.memory_space<semaphore_mem>>) {add = true}
          %dma_wait3A = arith.constant 0 : i32
          %dma_wait3A_159 = tpu.memref_slice %arg12[%scan3A_137, %dma_wait3A] : memref<8x64xi32, #tpu.memory_space<vmem>> -> memref<1x64xi32, #tpu.memory_space<vmem>>
          %dma_wait3A_160 = tpu.memref_squeeze %dma_wait3A_159 : memref<1x64xi32, #tpu.memory_space<vmem>> -> memref<64xi32, #tpu.memory_space<vmem>>
          %dma_wait3A_161 = arith.constant 0 : i32
          %dma_wait3A_162 = arith.constant 0 : i32
          %dma_wait3A_163 = tpu.memref_slice %arg10[%dma_wait3A_161, %dma_wait3A_162] : memref<10240x144xf32, #tpu.memory_space<vmem_shared>> -> memref<10240x144xf32, #tpu.memory_space<vmem_shared>>
          tpu.wait_indirect_dma semaphore(%run_scoped3A : memref<!tpu.dma_semaphore, #tpu.memory_space<semaphore_mem>>) src(%arg14 : memref<64x144xf32, #tpu.memory_space<vmem>>) dst(%dma_wait3A_163 : memref<10240x144xf32, #tpu.memory_space<vmem_shared>>)
          tpu.yield
        }) : () -> ()
        %scan3A_153 = arith.constant 0 : i32
        scf.yield %scan3A_153 : i32
      }
      %scan3A_135 = arith.constant 8 : i32
      %scan3A_136 = arith.constant 0 : i32
      scf.yield %scan3A_136 : i32
    }
    %scan3A_75 = arith.constant 41 : i32
    %barrier3A_76 = arith.constant 0 : index
    tpu.barrier barrier_id(%barrier3A_76)
    %mul3A_77 = arith.constant 640 : i32
    %mul3A_78 = arith.muli %arg1, %mul3A_77 : i32
    %add3A_79 = arith.constant 0 : i32
    %add3A_80 = arith.addi %mul3A_78, %add3A_79 : i32
    "tpu.region"() ({
      %run_scoped3A = tpu.sem_alloc : memref<!tpu.dma_semaphore, #tpu.memory_space<semaphore_mem>>
      %dma_start3A = arith.constant 0 : i32
      %dma_start3A_117 = tpu.memref_slice %arg9[%arg0, %add3A_80, %dma_start3A] : memref<2x10240x144xf32, #tpu.memory_space<hbm>> -> memref<1x64x144xf32, #tpu.memory_space<hbm>>
      %dma_start3A_118 = tpu.memref_squeeze %dma_start3A_117 : memref<1x64x144xf32, #tpu.memory_space<hbm>> -> memref<64x144xf32, #tpu.memory_space<hbm>>
      %dma_start3A_119 = arith.constant 0 : i32
      %dma_start3A_120 = tpu.memref_slice %arg10[%add3A_80, %dma_start3A_119] : memref<10240x144xf32, #tpu.memory_space<vmem_shared>> -> memref<64x144xf32, #tpu.memory_space<vmem_shared>>
      tpu.enqueue_dma source(%dma_start3A_120 : memref<64x144xf32, #tpu.memory_space<vmem_shared>>) target(%dma_start3A_118 : memref<64x144xf32, #tpu.memory_space<hbm>>) target_semaphore(%run_scoped3A : memref<!tpu.dma_semaphore, #tpu.memory_space<semaphore_mem>>)
      %dma_wait3A = arith.constant 0 : i32
      %dma_wait3A_121 = tpu.memref_slice %arg9[%arg0, %add3A_80, %dma_wait3A] : memref<2x10240x144xf32, #tpu.memory_space<hbm>> -> memref<1x64x144xf32, #tpu.memory_space<hbm>>
      %dma_wait3A_122 = tpu.memref_squeeze %dma_wait3A_121 : memref<1x64x144xf32, #tpu.memory_space<hbm>> -> memref<64x144xf32, #tpu.memory_space<hbm>>
      %dma_wait3A_123 = arith.constant 0 : i32
      %dma_wait3A_124 = tpu.memref_slice %arg10[%add3A_80, %dma_wait3A_123] : memref<10240x144xf32, #tpu.memory_space<vmem_shared>> -> memref<64x144xf32, #tpu.memory_space<vmem_shared>>
      tpu.wait_dma2 semaphore(%run_scoped3A : memref<!tpu.dma_semaphore, #tpu.memory_space<semaphore_mem>>) src(%dma_wait3A_124 : memref<64x144xf32, #tpu.memory_space<vmem_shared>>) dst(%dma_wait3A_122 : memref<64x144xf32, #tpu.memory_space<hbm>>)
      tpu.yield
    }) : () -> ()
    %mul3A_81 = arith.constant 640 : i32
    %mul3A_82 = arith.muli %arg1, %mul3A_81 : i32
    %add3A_83 = arith.constant 64 : i32
    %add3A_84 = arith.addi %mul3A_82, %add3A_83 : i32
    "tpu.region"() ({
      %run_scoped3A = tpu.sem_alloc : memref<!tpu.dma_semaphore, #tpu.memory_space<semaphore_mem>>
      %dma_start3A = arith.constant 0 : i32
      %dma_start3A_117 = tpu.memref_slice %arg9[%arg0, %add3A_84, %dma_start3A] : memref<2x10240x144xf32, #tpu.memory_space<hbm>> -> memref<1x64x144xf32, #tpu.memory_space<hbm>>
      %dma_start3A_118 = tpu.memref_squeeze %dma_start3A_117 : memref<1x64x144xf32, #tpu.memory_space<hbm>> -> memref<64x144xf32, #tpu.memory_space<hbm>>
      %dma_start3A_119 = arith.constant 0 : i32
      %dma_start3A_120 = tpu.memref_slice %arg10[%add3A_84, %dma_start3A_119] : memref<10240x144xf32, #tpu.memory_space<vmem_shared>> -> memref<64x144xf32, #tpu.memory_space<vmem_shared>>
      tpu.enqueue_dma source(%dma_start3A_120 : memref<64x144xf32, #tpu.memory_space<vmem_shared>>) target(%dma_start3A_118 : memref<64x144xf32, #tpu.memory_space<hbm>>) target_semaphore(%run_scoped3A : memref<!tpu.dma_semaphore, #tpu.memory_space<semaphore_mem>>)
      %dma_wait3A = arith.constant 0 : i32
      %dma_wait3A_121 = tpu.memref_slice %arg9[%arg0, %add3A_84, %dma_wait3A] : memref<2x10240x144xf32, #tpu.memory_space<hbm>> -> memref<1x64x144xf32, #tpu.memory_space<hbm>>
      %dma_wait3A_122 = tpu.memref_squeeze %dma_wait3A_121 : memref<1x64x144xf32, #tpu.memory_space<hbm>> -> memref<64x144xf32, #tpu.memory_space<hbm>>
      %dma_wait3A_123 = arith.constant 0 : i32
      %dma_wait3A_124 = tpu.memref_slice %arg10[%add3A_84, %dma_wait3A_123] : memref<10240x144xf32, #tpu.memory_space<vmem_shared>> -> memref<64x144xf32, #tpu.memory_space<vmem_shared>>
      tpu.wait_dma2 semaphore(%run_scoped3A : memref<!tpu.dma_semaphore, #tpu.memory_space<semaphore_mem>>) src(%dma_wait3A_124 : memref<64x144xf32, #tpu.memory_space<vmem_shared>>) dst(%dma_wait3A_122 : memref<64x144xf32, #tpu.memory_space<hbm>>)
      tpu.yield
    }) : () -> ()
    %mul3A_85 = arith.constant 640 : i32
    %mul3A_86 = arith.muli %arg1, %mul3A_85 : i32
    %add3A_87 = arith.constant 128 : i32
    %add3A_88 = arith.addi %mul3A_86, %add3A_87 : i32
    "tpu.region"() ({
      %run_scoped3A = tpu.sem_alloc : memref<!tpu.dma_semaphore, #tpu.memory_space<semaphore_mem>>
      %dma_start3A = arith.constant 0 : i32
      %dma_start3A_117 = tpu.memref_slice %arg9[%arg0, %add3A_88, %dma_start3A] : memref<2x10240x144xf32, #tpu.memory_space<hbm>> -> memref<1x64x144xf32, #tpu.memory_space<hbm>>
      %dma_start3A_118 = tpu.memref_squeeze %dma_start3A_117 : memref<1x64x144xf32, #tpu.memory_space<hbm>> -> memref<64x144xf32, #tpu.memory_space<hbm>>
      %dma_start3A_119 = arith.constant 0 : i32
      %dma_start3A_120 = tpu.memref_slice %arg10[%add3A_88, %dma_start3A_119] : memref<10240x144xf32, #tpu.memory_space<vmem_shared>> -> memref<64x144xf32, #tpu.memory_space<vmem_shared>>
      tpu.enqueue_dma source(%dma_start3A_120 : memref<64x144xf32, #tpu.memory_space<vmem_shared>>) target(%dma_start3A_118 : memref<64x144xf32, #tpu.memory_space<hbm>>) target_semaphore(%run_scoped3A : memref<!tpu.dma_semaphore, #tpu.memory_space<semaphore_mem>>)
      %dma_wait3A = arith.constant 0 : i32
      %dma_wait3A_121 = tpu.memref_slice %arg9[%arg0, %add3A_88, %dma_wait3A] : memref<2x10240x144xf32, #tpu.memory_space<hbm>> -> memref<1x64x144xf32, #tpu.memory_space<hbm>>
      %dma_wait3A_122 = tpu.memref_squeeze %dma_wait3A_121 : memref<1x64x144xf32, #tpu.memory_space<hbm>> -> memref<64x144xf32, #tpu.memory_space<hbm>>
      %dma_wait3A_123 = arith.constant 0 : i32
      %dma_wait3A_124 = tpu.memref_slice %arg10[%add3A_88, %dma_wait3A_123] : memref<10240x144xf32, #tpu.memory_space<vmem_shared>> -> memref<64x144xf32, #tpu.memory_space<vmem_shared>>
      tpu.wait_dma2 semaphore(%run_scoped3A : memref<!tpu.dma_semaphore, #tpu.memory_space<semaphore_mem>>) src(%dma_wait3A_124 : memref<64x144xf32, #tpu.memory_space<vmem_shared>>) dst(%dma_wait3A_122 : memref<64x144xf32, #tpu.memory_space<hbm>>)
      tpu.yield
    }) : () -> ()
    %mul3A_89 = arith.constant 640 : i32
    %mul3A_90 = arith.muli %arg1, %mul3A_89 : i32
    %add3A_91 = arith.constant 192 : i32
    %add3A_92 = arith.addi %mul3A_90, %add3A_91 : i32
    "tpu.region"() ({
      %run_scoped3A = tpu.sem_alloc : memref<!tpu.dma_semaphore, #tpu.memory_space<semaphore_mem>>
      %dma_start3A = arith.constant 0 : i32
      %dma_start3A_117 = tpu.memref_slice %arg9[%arg0, %add3A_92, %dma_start3A] : memref<2x10240x144xf32, #tpu.memory_space<hbm>> -> memref<1x64x144xf32, #tpu.memory_space<hbm>>
      %dma_start3A_118 = tpu.memref_squeeze %dma_start3A_117 : memref<1x64x144xf32, #tpu.memory_space<hbm>> -> memref<64x144xf32, #tpu.memory_space<hbm>>
      %dma_start3A_119 = arith.constant 0 : i32
      %dma_start3A_120 = tpu.memref_slice %arg10[%add3A_92, %dma_start3A_119] : memref<10240x144xf32, #tpu.memory_space<vmem_shared>> -> memref<64x144xf32, #tpu.memory_space<vmem_shared>>
      tpu.enqueue_dma source(%dma_start3A_120 : memref<64x144xf32, #tpu.memory_space<vmem_shared>>) target(%dma_start3A_118 : memref<64x144xf32, #tpu.memory_space<hbm>>) target_semaphore(%run_scoped3A : memref<!tpu.dma_semaphore, #tpu.memory_space<semaphore_mem>>)
      %dma_wait3A = arith.constant 0 : i32
      %dma_wait3A_121 = tpu.memref_slice %arg9[%arg0, %add3A_92, %dma_wait3A] : memref<2x10240x144xf32, #tpu.memory_space<hbm>> -> memref<1x64x144xf32, #tpu.memory_space<hbm>>
      %dma_wait3A_122 = tpu.memref_squeeze %dma_wait3A_121 : memref<1x64x144xf32, #tpu.memory_space<hbm>> -> memref<64x144xf32, #tpu.memory_space<hbm>>
      %dma_wait3A_123 = arith.constant 0 : i32
      %dma_wait3A_124 = tpu.memref_slice %arg10[%add3A_92, %dma_wait3A_123] : memref<10240x144xf32, #tpu.memory_space<vmem_shared>> -> memref<64x144xf32, #tpu.memory_space<vmem_shared>>
      tpu.wait_dma2 semaphore(%run_scoped3A : memref<!tpu.dma_semaphore, #tpu.memory_space<semaphore_mem>>) src(%dma_wait3A_124 : memref<64x144xf32, #tpu.memory_space<vmem_shared>>) dst(%dma_wait3A_122 : memref<64x144xf32, #tpu.memory_space<hbm>>)
      tpu.yield
    }) : () -> ()
    %mul3A_93 = arith.constant 640 : i32
    %mul3A_94 = arith.muli %arg1, %mul3A_93 : i32
    %add3A_95 = arith.constant 256 : i32
    %add3A_96 = arith.addi %mul3A_94, %add3A_95 : i32
    "tpu.region"() ({
      %run_scoped3A = tpu.sem_alloc : memref<!tpu.dma_semaphore, #tpu.memory_space<semaphore_mem>>
      %dma_start3A = arith.constant 0 : i32
      %dma_start3A_117 = tpu.memref_slice %arg9[%arg0, %add3A_96, %dma_start3A] : memref<2x10240x144xf32, #tpu.memory_space<hbm>> -> memref<1x64x144xf32, #tpu.memory_space<hbm>>
      %dma_start3A_118 = tpu.memref_squeeze %dma_start3A_117 : memref<1x64x144xf32, #tpu.memory_space<hbm>> -> memref<64x144xf32, #tpu.memory_space<hbm>>
      %dma_start3A_119 = arith.constant 0 : i32
      %dma_start3A_120 = tpu.memref_slice %arg10[%add3A_96, %dma_start3A_119] : memref<10240x144xf32, #tpu.memory_space<vmem_shared>> -> memref<64x144xf32, #tpu.memory_space<vmem_shared>>
      tpu.enqueue_dma source(%dma_start3A_120 : memref<64x144xf32, #tpu.memory_space<vmem_shared>>) target(%dma_start3A_118 : memref<64x144xf32, #tpu.memory_space<hbm>>) target_semaphore(%run_scoped3A : memref<!tpu.dma_semaphore, #tpu.memory_space<semaphore_mem>>)
      %dma_wait3A = arith.constant 0 : i32
      %dma_wait3A_121 = tpu.memref_slice %arg9[%arg0, %add3A_96, %dma_wait3A] : memref<2x10240x144xf32, #tpu.memory_space<hbm>> -> memref<1x64x144xf32, #tpu.memory_space<hbm>>
      %dma_wait3A_122 = tpu.memref_squeeze %dma_wait3A_121 : memref<1x64x144xf32, #tpu.memory_space<hbm>> -> memref<64x144xf32, #tpu.memory_space<hbm>>
      %dma_wait3A_123 = arith.constant 0 : i32
      %dma_wait3A_124 = tpu.memref_slice %arg10[%add3A_96, %dma_wait3A_123] : memref<10240x144xf32, #tpu.memory_space<vmem_shared>> -> memref<64x144xf32, #tpu.memory_space<vmem_shared>>
      tpu.wait_dma2 semaphore(%run_scoped3A : memref<!tpu.dma_semaphore, #tpu.memory_space<semaphore_mem>>) src(%dma_wait3A_124 : memref<64x144xf32, #tpu.memory_space<vmem_shared>>) dst(%dma_wait3A_122 : memref<64x144xf32, #tpu.memory_space<hbm>>)
      tpu.yield
    }) : () -> ()
    %mul3A_97 = arith.constant 640 : i32
    %mul3A_98 = arith.muli %arg1, %mul3A_97 : i32
    %add3A_99 = arith.constant 320 : i32
    %add3A_100 = arith.addi %mul3A_98, %add3A_99 : i32
    "tpu.region"() ({
      %run_scoped3A = tpu.sem_alloc : memref<!tpu.dma_semaphore, #tpu.memory_space<semaphore_mem>>
      %dma_start3A = arith.constant 0 : i32
      %dma_start3A_117 = tpu.memref_slice %arg9[%arg0, %add3A_100, %dma_start3A] : memref<2x10240x144xf32, #tpu.memory_space<hbm>> -> memref<1x64x144xf32, #tpu.memory_space<hbm>>
      %dma_start3A_118 = tpu.memref_squeeze %dma_start3A_117 : memref<1x64x144xf32, #tpu.memory_space<hbm>> -> memref<64x144xf32, #tpu.memory_space<hbm>>
      %dma_start3A_119 = arith.constant 0 : i32
      %dma_start3A_120 = tpu.memref_slice %arg10[%add3A_100, %dma_start3A_119] : memref<10240x144xf32, #tpu.memory_space<vmem_shared>> -> memref<64x144xf32, #tpu.memory_space<vmem_shared>>
      tpu.enqueue_dma source(%dma_start3A_120 : memref<64x144xf32, #tpu.memory_space<vmem_shared>>) target(%dma_start3A_118 : memref<64x144xf32, #tpu.memory_space<hbm>>) target_semaphore(%run_scoped3A : memref<!tpu.dma_semaphore, #tpu.memory_space<semaphore_mem>>)
      %dma_wait3A = arith.constant 0 : i32
      %dma_wait3A_121 = tpu.memref_slice %arg9[%arg0, %add3A_100, %dma_wait3A] : memref<2x10240x144xf32, #tpu.memory_space<hbm>> -> memref<1x64x144xf32, #tpu.memory_space<hbm>>
      %dma_wait3A_122 = tpu.memref_squeeze %dma_wait3A_121 : memref<1x64x144xf32, #tpu.memory_space<hbm>> -> memref<64x144xf32, #tpu.memory_space<hbm>>
      %dma_wait3A_123 = arith.constant 0 : i32
      %dma_wait3A_124 = tpu.memref_slice %arg10[%add3A_100, %dma_wait3A_123] : memref<10240x144xf32, #tpu.memory_space<vmem_shared>> -> memref<64x144xf32, #tpu.memory_space<vmem_shared>>
      tpu.wait_dma2 semaphore(%run_scoped3A : memref<!tpu.dma_semaphore, #tpu.memory_space<semaphore_mem>>) src(%dma_wait3A_124 : memref<64x144xf32, #tpu.memory_space<vmem_shared>>) dst(%dma_wait3A_122 : memref<64x144xf32, #tpu.memory_space<hbm>>)
      tpu.yield
    }) : () -> ()
    %mul3A_101 = arith.constant 640 : i32
    %mul3A_102 = arith.muli %arg1, %mul3A_101 : i32
    %add3A_103 = arith.constant 384 : i32
    %add3A_104 = arith.addi %mul3A_102, %add3A_103 : i32
    "tpu.region"() ({
      %run_scoped3A = tpu.sem_alloc : memref<!tpu.dma_semaphore, #tpu.memory_space<semaphore_mem>>
      %dma_start3A = arith.constant 0 : i32
      %dma_start3A_117 = tpu.memref_slice %arg9[%arg0, %add3A_104, %dma_start3A] : memref<2x10240x144xf32, #tpu.memory_space<hbm>> -> memref<1x64x144xf32, #tpu.memory_space<hbm>>
      %dma_start3A_118 = tpu.memref_squeeze %dma_start3A_117 : memref<1x64x144xf32, #tpu.memory_space<hbm>> -> memref<64x144xf32, #tpu.memory_space<hbm>>
      %dma_start3A_119 = arith.constant 0 : i32
      %dma_start3A_120 = tpu.memref_slice %arg10[%add3A_104, %dma_start3A_119] : memref<10240x144xf32, #tpu.memory_space<vmem_shared>> -> memref<64x144xf32, #tpu.memory_space<vmem_shared>>
      tpu.enqueue_dma source(%dma_start3A_120 : memref<64x144xf32, #tpu.memory_space<vmem_shared>>) target(%dma_start3A_118 : memref<64x144xf32, #tpu.memory_space<hbm>>) target_semaphore(%run_scoped3A : memref<!tpu.dma_semaphore, #tpu.memory_space<semaphore_mem>>)
      %dma_wait3A = arith.constant 0 : i32
      %dma_wait3A_121 = tpu.memref_slice %arg9[%arg0, %add3A_104, %dma_wait3A] : memref<2x10240x144xf32, #tpu.memory_space<hbm>> -> memref<1x64x144xf32, #tpu.memory_space<hbm>>
      %dma_wait3A_122 = tpu.memref_squeeze %dma_wait3A_121 : memref<1x64x144xf32, #tpu.memory_space<hbm>> -> memref<64x144xf32, #tpu.memory_space<hbm>>
      %dma_wait3A_123 = arith.constant 0 : i32
      %dma_wait3A_124 = tpu.memref_slice %arg10[%add3A_104, %dma_wait3A_123] : memref<10240x144xf32, #tpu.memory_space<vmem_shared>> -> memref<64x144xf32, #tpu.memory_space<vmem_shared>>
      tpu.wait_dma2 semaphore(%run_scoped3A : memref<!tpu.dma_semaphore, #tpu.memory_space<semaphore_mem>>) src(%dma_wait3A_124 : memref<64x144xf32, #tpu.memory_space<vmem_shared>>) dst(%dma_wait3A_122 : memref<64x144xf32, #tpu.memory_space<hbm>>)
      tpu.yield
    }) : () -> ()
    %mul3A_105 = arith.constant 640 : i32
    %mul3A_106 = arith.muli %arg1, %mul3A_105 : i32
    %add3A_107 = arith.constant 448 : i32
    %add3A_108 = arith.addi %mul3A_106, %add3A_107 : i32
    "tpu.region"() ({
      %run_scoped3A = tpu.sem_alloc : memref<!tpu.dma_semaphore, #tpu.memory_space<semaphore_mem>>
      %dma_start3A = arith.constant 0 : i32
      %dma_start3A_117 = tpu.memref_slice %arg9[%arg0, %add3A_108, %dma_start3A] : memref<2x10240x144xf32, #tpu.memory_space<hbm>> -> memref<1x64x144xf32, #tpu.memory_space<hbm>>
      %dma_start3A_118 = tpu.memref_squeeze %dma_start3A_117 : memref<1x64x144xf32, #tpu.memory_space<hbm>> -> memref<64x144xf32, #tpu.memory_space<hbm>>
      %dma_start3A_119 = arith.constant 0 : i32
      %dma_start3A_120 = tpu.memref_slice %arg10[%add3A_108, %dma_start3A_119] : memref<10240x144xf32, #tpu.memory_space<vmem_shared>> -> memref<64x144xf32, #tpu.memory_space<vmem_shared>>
      tpu.enqueue_dma source(%dma_start3A_120 : memref<64x144xf32, #tpu.memory_space<vmem_shared>>) target(%dma_start3A_118 : memref<64x144xf32, #tpu.memory_space<hbm>>) target_semaphore(%run_scoped3A : memref<!tpu.dma_semaphore, #tpu.memory_space<semaphore_mem>>)
      %dma_wait3A = arith.constant 0 : i32
      %dma_wait3A_121 = tpu.memref_slice %arg9[%arg0, %add3A_108, %dma_wait3A] : memref<2x10240x144xf32, #tpu.memory_space<hbm>> -> memref<1x64x144xf32, #tpu.memory_space<hbm>>
      %dma_wait3A_122 = tpu.memref_squeeze %dma_wait3A_121 : memref<1x64x144xf32, #tpu.memory_space<hbm>> -> memref<64x144xf32, #tpu.memory_space<hbm>>
      %dma_wait3A_123 = arith.constant 0 : i32
      %dma_wait3A_124 = tpu.memref_slice %arg10[%add3A_108, %dma_wait3A_123] : memref<10240x144xf32, #tpu.memory_space<vmem_shared>> -> memref<64x144xf32, #tpu.memory_space<vmem_shared>>
      tpu.wait_dma2 semaphore(%run_scoped3A : memref<!tpu.dma_semaphore, #tpu.memory_space<semaphore_mem>>) src(%dma_wait3A_124 : memref<64x144xf32, #tpu.memory_space<vmem_shared>>) dst(%dma_wait3A_122 : memref<64x144xf32, #tpu.memory_space<hbm>>)
      tpu.yield
    }) : () -> ()
    %mul3A_109 = arith.constant 640 : i32
    %mul3A_110 = arith.muli %arg1, %mul3A_109 : i32
    %add3A_111 = arith.constant 512 : i32
    %add3A_112 = arith.addi %mul3A_110, %add3A_111 : i32
    "tpu.region"() ({
      %run_scoped3A = tpu.sem_alloc : memref<!tpu.dma_semaphore, #tpu.memory_space<semaphore_mem>>
      %dma_start3A = arith.constant 0 : i32
      %dma_start3A_117 = tpu.memref_slice %arg9[%arg0, %add3A_112, %dma_start3A] : memref<2x10240x144xf32, #tpu.memory_space<hbm>> -> memref<1x64x144xf32, #tpu.memory_space<hbm>>
      %dma_start3A_118 = tpu.memref_squeeze %dma_start3A_117 : memref<1x64x144xf32, #tpu.memory_space<hbm>> -> memref<64x144xf32, #tpu.memory_space<hbm>>
      %dma_start3A_119 = arith.constant 0 : i32
      %dma_start3A_120 = tpu.memref_slice %arg10[%add3A_112, %dma_start3A_119] : memref<10240x144xf32, #tpu.memory_space<vmem_shared>> -> memref<64x144xf32, #tpu.memory_space<vmem_shared>>
      tpu.enqueue_dma source(%dma_start3A_120 : memref<64x144xf32, #tpu.memory_space<vmem_shared>>) target(%dma_start3A_118 : memref<64x144xf32, #tpu.memory_space<hbm>>) target_semaphore(%run_scoped3A : memref<!tpu.dma_semaphore, #tpu.memory_space<semaphore_mem>>)
      %dma_wait3A = arith.constant 0 : i32
      %dma_wait3A_121 = tpu.memref_slice %arg9[%arg0, %add3A_112, %dma_wait3A] : memref<2x10240x144xf32, #tpu.memory_space<hbm>> -> memref<1x64x144xf32, #tpu.memory_space<hbm>>
      %dma_wait3A_122 = tpu.memref_squeeze %dma_wait3A_121 : memref<1x64x144xf32, #tpu.memory_space<hbm>> -> memref<64x144xf32, #tpu.memory_space<hbm>>
      %dma_wait3A_123 = arith.constant 0 : i32
      %dma_wait3A_124 = tpu.memref_slice %arg10[%add3A_112, %dma_wait3A_123] : memref<10240x144xf32, #tpu.memory_space<vmem_shared>> -> memref<64x144xf32, #tpu.memory_space<vmem_shared>>
      tpu.wait_dma2 semaphore(%run_scoped3A : memref<!tpu.dma_semaphore, #tpu.memory_space<semaphore_mem>>) src(%dma_wait3A_124 : memref<64x144xf32, #tpu.memory_space<vmem_shared>>) dst(%dma_wait3A_122 : memref<64x144xf32, #tpu.memory_space<hbm>>)
      tpu.yield
    }) : () -> ()
    %mul3A_113 = arith.constant 640 : i32
    %mul3A_114 = arith.muli %arg1, %mul3A_113 : i32
    %add3A_115 = arith.constant 576 : i32
    %add3A_116 = arith.addi %mul3A_114, %add3A_115 : i32
    "tpu.region"() ({
      %run_scoped3A = tpu.sem_alloc : memref<!tpu.dma_semaphore, #tpu.memory_space<semaphore_mem>>
      %dma_start3A = arith.constant 0 : i32
      %dma_start3A_117 = tpu.memref_slice %arg9[%arg0, %add3A_116, %dma_start3A] : memref<2x10240x144xf32, #tpu.memory_space<hbm>> -> memref<1x64x144xf32, #tpu.memory_space<hbm>>
      %dma_start3A_118 = tpu.memref_squeeze %dma_start3A_117 : memref<1x64x144xf32, #tpu.memory_space<hbm>> -> memref<64x144xf32, #tpu.memory_space<hbm>>
      %dma_start3A_119 = arith.constant 0 : i32
      %dma_start3A_120 = tpu.memref_slice %arg10[%add3A_116, %dma_start3A_119] : memref<10240x144xf32, #tpu.memory_space<vmem_shared>> -> memref<64x144xf32, #tpu.memory_space<vmem_shared>>
      tpu.enqueue_dma source(%dma_start3A_120 : memref<64x144xf32, #tpu.memory_space<vmem_shared>>) target(%dma_start3A_118 : memref<64x144xf32, #tpu.memory_space<hbm>>) target_semaphore(%run_scoped3A : memref<!tpu.dma_semaphore, #tpu.memory_space<semaphore_mem>>)
      %dma_wait3A = arith.constant 0 : i32
      %dma_wait3A_121 = tpu.memref_slice %arg9[%arg0, %add3A_116, %dma_wait3A] : memref<2x10240x144xf32, #tpu.memory_space<hbm>> -> memref<1x64x144xf32, #tpu.memory_space<hbm>>
      %dma_wait3A_122 = tpu.memref_squeeze %dma_wait3A_121 : memref<1x64x144xf32, #tpu.memory_space<hbm>> -> memref<64x144xf32, #tpu.memory_space<hbm>>
      %dma_wait3A_123 = arith.constant 0 : i32
      %dma_wait3A_124 = tpu.memref_slice %arg10[%add3A_116, %dma_wait3A_123] : memref<10240x144xf32, #tpu.memory_space<vmem_shared>> -> memref<64x144xf32, #tpu.memory_space<vmem_shared>>
      tpu.wait_dma2 semaphore(%run_scoped3A : memref<!tpu.dma_semaphore, #tpu.memory_space<semaphore_mem>>) src(%dma_wait3A_124 : memref<64x144xf32, #tpu.memory_space<vmem_shared>>) dst(%dma_wait3A_122 : memref<64x144xf32, #tpu.memory_space<hbm>>)
      tpu.yield
    }) : () -> ()
    return
  }
}

module attributes {stable_mosaic.version = 14 : i64} {
  func.func @_prep1_body(%arg0: i32, %arg1: memref<512x128xf32, #tpu.memory_space<vmem>>, %arg2: memref<128x256xf32, #tpu.memory_space<vmem>>, %arg3: memref<256x128xf32, #tpu.memory_space<vmem>>, %arg4: memref<2x512x160xf32, #tpu.memory_space<vmem>>, %arg5: memref<2x512x32xf32, #tpu.memory_space<vmem>>, %arg6: memref<8x128xf32, #tpu.memory_space<vmem>>) attributes {dimension_semantics = [#tpu.dimension_semantics<arbitrary>], iteration_bounds = array<i64: 20>, scalar_prefetch = 0 : i64, scratch_operands = 0 : i64, tpu.core_type = #tpu.core_type<tc>, window_params = [{transform_indices = @transform_0, window_bounds = array<i64: 512, 128>}, {pipeline_mode = #tpu.pipeline_mode<synchronous>, transform_indices = @transform_1, window_bounds = array<i64: 128, 256>}, {pipeline_mode = #tpu.pipeline_mode<synchronous>, transform_indices = @transform_2, window_bounds = array<i64: 256, 128>}, {transform_indices = @transform_3, window_bounds = array<i64: 2, 512, 160>}, {transform_indices = @transform_4, window_bounds = array<i64: 2, 512, 32>}, {pipeline_mode = #tpu.pipeline_mode<synchronous>, transform_indices = @transform_5, window_bounds = array<i64: 8, 128>}]} {
    %get3A = arith.constant 0 : index
    %get3A_0 = arith.constant 0 : index
    %get3A_1 = vector.load %arg1[%get3A, %get3A_0] : memref<512x128xf32, #tpu.memory_space<vmem>>, vector<512x128xf32>
    %get3A_2 = arith.constant 0 : index
    %get3A_3 = arith.constant 0 : index
    %get3A_4 = vector.load %arg2[%get3A_2, %get3A_3] : memref<128x256xf32, #tpu.memory_space<vmem>>, vector<128x256xf32>
    %dot_general3A = arith.constant dense<0.000000e+00> : vector<512x256xf32>
    %dot_general3A_5 = tpu.matmul %get3A_1, %get3A_4, %dot_general3A {dimension_numbers = #tpu.dot_dimension_numbers<[1], [0], [0], [1], [0, 0, 1, 1], [], []>, transpose_lhs_hint = false} : vector<512x128xf32>, vector<128x256xf32>, vector<512x256xf32> -> vector<512x256xf32>
    %get3A_6 = arith.constant 0 : index
    %get3A_7 = arith.constant 0 : index
    %get3A_8 = vector.load %arg3[%get3A_6, %get3A_7] : memref<256x128xf32, #tpu.memory_space<vmem>>, vector<256x128xf32>
    %dot_general3A_9 = arith.constant dense<0.000000e+00> : vector<512x128xf32>
    %dot_general3A_10 = tpu.matmul %dot_general3A_5, %get3A_8, %dot_general3A_9 {dimension_numbers = #tpu.dot_dimension_numbers<[1], [0], [0], [1], [0, 0, 1, 1], [], []>, transpose_lhs_hint = false} : vector<512x256xf32>, vector<256x128xf32>, vector<512x128xf32> -> vector<512x128xf32>
    %slice3A = vector.extract_strided_slice %dot_general3A_5 {offsets = [0, 0], sizes = [512, 128], strides = [1, 1]} : vector<512x256xf32> to vector<512x128xf32>
    %swap3A = arith.constant 0 : index
    %swap3A_11 = arith.constant 0 : index
    %swap3A_12 = arith.constant 0 : index
    %swap3A_13 = vector.load %arg4[%swap3A, %swap3A_11, %swap3A_12] : memref<2x512x160xf32, #tpu.memory_space<vmem>>, vector<1x512x128xf32>
    %swap3A_14 = vector.shape_cast %swap3A_13 : vector<1x512x128xf32> to vector<512x128xf32>
    %swap3A_15 = vector.shape_cast %slice3A : vector<512x128xf32> to vector<1x512x128xf32>
    tpu.vector_store %arg4[%swap3A, %swap3A_11, %swap3A_12], %swap3A_15 {strides = array<i32>} : memref<2x512x160xf32, #tpu.memory_space<vmem>>, vector<1x512x128xf32>,
    %slice3A_16 = vector.extract_strided_slice %dot_general3A_10 {offsets = [0, 0], sizes = [512, 1], strides = [1, 1]} : vector<512x128xf32> to vector<512x1xf32>
    %broadcast_in_dim3A = vector.shape_cast %slice3A_16 : vector<512x1xf32> to vector<512x1xf32>
    %broadcast_in_dim3A_17 = vector.broadcast %broadcast_in_dim3A : vector<512x1xf32> to vector<512x16xf32>
    %swap3A_18 = arith.constant 0 : index
    %swap3A_19 = arith.constant 0 : index
    %swap3A_20 = arith.constant 128 : index
    %swap3A_21 = vector.load %arg4[%swap3A_18, %swap3A_19, %swap3A_20] : memref<2x512x160xf32, #tpu.memory_space<vmem>>, vector<1x512x16xf32>
    %swap3A_22 = vector.shape_cast %swap3A_21 : vector<1x512x16xf32> to vector<512x16xf32>
    %swap3A_23 = vector.shape_cast %broadcast_in_dim3A_17 : vector<512x16xf32> to vector<1x512x16xf32>
    tpu.vector_store %arg4[%swap3A_18, %swap3A_19, %swap3A_20], %swap3A_23 {strides = array<i32>} : memref<2x512x160xf32, #tpu.memory_space<vmem>>, vector<1x512x16xf32>,
    %slice3A_24 = vector.extract_strided_slice %dot_general3A_10 {offsets = [0, 1], sizes = [512, 1], strides = [1, 1]} : vector<512x128xf32> to vector<512x1xf32>
    %broadcast_in_dim3A_25 = vector.shape_cast %slice3A_24 : vector<512x1xf32> to vector<512x1xf32>
    %broadcast_in_dim3A_26 = vector.broadcast %broadcast_in_dim3A_25 : vector<512x1xf32> to vector<512x16xf32>
    %swap3A_27 = arith.constant 0 : index
    %swap3A_28 = arith.constant 0 : index
    %swap3A_29 = arith.constant 144 : index
    %swap3A_30 = vector.load %arg4[%swap3A_27, %swap3A_28, %swap3A_29] : memref<2x512x160xf32, #tpu.memory_space<vmem>>, vector<1x512x16xf32>
    %swap3A_31 = vector.shape_cast %swap3A_30 : vector<1x512x16xf32> to vector<512x16xf32>
    %swap3A_32 = vector.shape_cast %broadcast_in_dim3A_26 : vector<512x16xf32> to vector<1x512x16xf32>
    tpu.vector_store %arg4[%swap3A_27, %swap3A_28, %swap3A_29], %swap3A_32 {strides = array<i32>} : memref<2x512x160xf32, #tpu.memory_space<vmem>>, vector<1x512x16xf32>,
    %slice3A_33 = vector.extract_strided_slice %dot_general3A_10 {offsets = [0, 16], sizes = [512, 1], strides = [1, 1]} : vector<512x128xf32> to vector<512x1xf32>
    %broadcast_in_dim3A_34 = vector.shape_cast %slice3A_33 : vector<512x1xf32> to vector<512x1xf32>
    %broadcast_in_dim3A_35 = vector.broadcast %broadcast_in_dim3A_34 : vector<512x1xf32> to vector<512x16xf32>
    %swap3A_36 = arith.constant 0 : index
    %swap3A_37 = arith.constant 0 : index
    %swap3A_38 = arith.constant 0 : index
    %swap3A_39 = vector.load %arg5[%swap3A_36, %swap3A_37, %swap3A_38] : memref<2x512x32xf32, #tpu.memory_space<vmem>>, vector<1x512x16xf32>
    %swap3A_40 = vector.shape_cast %swap3A_39 : vector<1x512x16xf32> to vector<512x16xf32>
    %swap3A_41 = vector.shape_cast %broadcast_in_dim3A_35 : vector<512x16xf32> to vector<1x512x16xf32>
    tpu.vector_store %arg5[%swap3A_36, %swap3A_37, %swap3A_38], %swap3A_41 {strides = array<i32>} : memref<2x512x32xf32, #tpu.memory_space<vmem>>, vector<1x512x16xf32>,
    %slice3A_42 = vector.extract_strided_slice %dot_general3A_10 {offsets = [0, 17], sizes = [512, 1], strides = [1, 1]} : vector<512x128xf32> to vector<512x1xf32>
    %broadcast_in_dim3A_43 = vector.shape_cast %slice3A_42 : vector<512x1xf32> to vector<512x1xf32>
    %broadcast_in_dim3A_44 = vector.broadcast %broadcast_in_dim3A_43 : vector<512x1xf32> to vector<512x16xf32>
    %swap3A_45 = arith.constant 0 : index
    %swap3A_46 = arith.constant 0 : index
    %swap3A_47 = arith.constant 16 : index
    %swap3A_48 = vector.load %arg5[%swap3A_45, %swap3A_46, %swap3A_47] : memref<2x512x32xf32, #tpu.memory_space<vmem>>, vector<1x512x16xf32>
    %swap3A_49 = vector.shape_cast %swap3A_48 : vector<1x512x16xf32> to vector<512x16xf32>
    %swap3A_50 = vector.shape_cast %broadcast_in_dim3A_44 : vector<512x16xf32> to vector<1x512x16xf32>
    tpu.vector_store %arg5[%swap3A_45, %swap3A_46, %swap3A_47], %swap3A_50 {strides = array<i32>} : memref<2x512x32xf32, #tpu.memory_space<vmem>>, vector<1x512x16xf32>,
    %slice3A_51 = vector.extract_strided_slice %dot_general3A_5 {offsets = [0, 128], sizes = [512, 128], strides = [1, 1]} : vector<512x256xf32> to vector<512x128xf32>
    %swap3A_52 = arith.constant 1 : index
    %swap3A_53 = arith.constant 0 : index
    %swap3A_54 = arith.constant 0 : index
    %swap3A_55 = vector.load %arg4[%swap3A_52, %swap3A_53, %swap3A_54] : memref<2x512x160xf32, #tpu.memory_space<vmem>>, vector<1x512x128xf32>
    %swap3A_56 = vector.shape_cast %swap3A_55 : vector<1x512x128xf32> to vector<512x128xf32>
    %swap3A_57 = vector.shape_cast %slice3A_51 : vector<512x128xf32> to vector<1x512x128xf32>
    tpu.vector_store %arg4[%swap3A_52, %swap3A_53, %swap3A_54], %swap3A_57 {strides = array<i32>} : memref<2x512x160xf32, #tpu.memory_space<vmem>>, vector<1x512x128xf32>,
    %slice3A_58 = vector.extract_strided_slice %dot_general3A_10 {offsets = [0, 2], sizes = [512, 1], strides = [1, 1]} : vector<512x128xf32> to vector<512x1xf32>
    %broadcast_in_dim3A_59 = vector.shape_cast %slice3A_58 : vector<512x1xf32> to vector<512x1xf32>
    %broadcast_in_dim3A_60 = vector.broadcast %broadcast_in_dim3A_59 : vector<512x1xf32> to vector<512x16xf32>
    %swap3A_61 = arith.constant 1 : index
    %swap3A_62 = arith.constant 0 : index
    %swap3A_63 = arith.constant 128 : index
    %swap3A_64 = vector.load %arg4[%swap3A_61, %swap3A_62, %swap3A_63] : memref<2x512x160xf32, #tpu.memory_space<vmem>>, vector<1x512x16xf32>
    %swap3A_65 = vector.shape_cast %swap3A_64 : vector<1x512x16xf32> to vector<512x16xf32>
    %swap3A_66 = vector.shape_cast %broadcast_in_dim3A_60 : vector<512x16xf32> to vector<1x512x16xf32>
    tpu.vector_store %arg4[%swap3A_61, %swap3A_62, %swap3A_63], %swap3A_66 {strides = array<i32>} : memref<2x512x160xf32, #tpu.memory_space<vmem>>, vector<1x512x16xf32>,
    %slice3A_67 = vector.extract_strided_slice %dot_general3A_10 {offsets = [0, 3], sizes = [512, 1], strides = [1, 1]} : vector<512x128xf32> to vector<512x1xf32>
    %broadcast_in_dim3A_68 = vector.shape_cast %slice3A_67 : vector<512x1xf32> to vector<512x1xf32>
    %broadcast_in_dim3A_69 = vector.broadcast %broadcast_in_dim3A_68 : vector<512x1xf32> to vector<512x16xf32>
    %swap3A_70 = arith.constant 1 : index
    %swap3A_71 = arith.constant 0 : index
    %swap3A_72 = arith.constant 144 : index
    %swap3A_73 = vector.load %arg4[%swap3A_70, %swap3A_71, %swap3A_72] : memref<2x512x160xf32, #tpu.memory_space<vmem>>, vector<1x512x16xf32>
    %swap3A_74 = vector.shape_cast %swap3A_73 : vector<1x512x16xf32> to vector<512x16xf32>
    %swap3A_75 = vector.shape_cast %broadcast_in_dim3A_69 : vector<512x16xf32> to vector<1x512x16xf32>
    tpu.vector_store %arg4[%swap3A_70, %swap3A_71, %swap3A_72], %swap3A_75 {strides = array<i32>} : memref<2x512x160xf32, #tpu.memory_space<vmem>>, vector<1x512x16xf32>,
    %slice3A_76 = vector.extract_strided_slice %dot_general3A_10 {offsets = [0, 18], sizes = [512, 1], strides = [1, 1]} : vector<512x128xf32> to vector<512x1xf32>
    %broadcast_in_dim3A_77 = vector.shape_cast %slice3A_76 : vector<512x1xf32> to vector<512x1xf32>
    %broadcast_in_dim3A_78 = vector.broadcast %broadcast_in_dim3A_77 : vector<512x1xf32> to vector<512x16xf32>
    %swap3A_79 = arith.constant 1 : index
    %swap3A_80 = arith.constant 0 : index
    %swap3A_81 = arith.constant 0 : index
    %swap3A_82 = vector.load %arg5[%swap3A_79, %swap3A_80, %swap3A_81] : memref<2x512x32xf32, #tpu.memory_space<vmem>>, vector<1x512x16xf32>
    %swap3A_83 = vector.shape_cast %swap3A_82 : vector<1x512x16xf32> to vector<512x16xf32>
    %swap3A_84 = vector.shape_cast %broadcast_in_dim3A_78 : vector<512x16xf32> to vector<1x512x16xf32>
    tpu.vector_store %arg5[%swap3A_79, %swap3A_80, %swap3A_81], %swap3A_84 {strides = array<i32>} : memref<2x512x32xf32, #tpu.memory_space<vmem>>, vector<1x512x16xf32>,
    %slice3A_85 = vector.extract_strided_slice %dot_general3A_10 {offsets = [0, 19], sizes = [512, 1], strides = [1, 1]} : vector<512x128xf32> to vector<512x1xf32>
    %broadcast_in_dim3A_86 = vector.shape_cast %slice3A_85 : vector<512x1xf32> to vector<512x1xf32>
    %broadcast_in_dim3A_87 = vector.broadcast %broadcast_in_dim3A_86 : vector<512x1xf32> to vector<512x16xf32>
    %swap3A_88 = arith.constant 1 : index
    %swap3A_89 = arith.constant 0 : index
    %swap3A_90 = arith.constant 16 : index
    %swap3A_91 = vector.load %arg5[%swap3A_88, %swap3A_89, %swap3A_90] : memref<2x512x32xf32, #tpu.memory_space<vmem>>, vector<1x512x16xf32>
    %swap3A_92 = vector.shape_cast %swap3A_91 : vector<1x512x16xf32> to vector<512x16xf32>
    %swap3A_93 = vector.shape_cast %broadcast_in_dim3A_87 : vector<512x16xf32> to vector<1x512x16xf32>
    tpu.vector_store %arg5[%swap3A_88, %swap3A_89, %swap3A_90], %swap3A_93 {strides = array<i32>} : memref<2x512x32xf32, #tpu.memory_space<vmem>>, vector<1x512x16xf32>,
    %reduce_max3A = arith.constant dense<0xFF800000> : vector<128xf32>
    %reduce_max3A_94 = vector.multi_reduction <maximumf>, %dot_general3A_10, %reduce_max3A [0] : vector<512x128xf32> to vector<128xf32>
    %broadcast_in_dim3A_95 = vector.shape_cast %reduce_max3A_94 : vector<128xf32> to vector<1x128xf32>
    %broadcast_in_dim3A_96 = vector.shape_cast %broadcast_in_dim3A_95 : vector<1x128xf32> to vector<1x128xf32>
    %broadcast_in_dim3A_97 = vector.broadcast %broadcast_in_dim3A_96 : vector<1x128xf32> to vector<8x128xf32>
    %eq3A = arith.constant 0 : i32
    %eq3A_98 = arith.cmpi eq, %arg0, %eq3A : i32
    %convert_element_type3A = arith.extui %eq3A_98 : i1 to i32
    %cond3A = arith.constant 0 : i32
    %cond3A_99 = arith.cmpi ne, %convert_element_type3A, %cond3A : i32
    scf.if %cond3A_99 {
      %swap3A_109 = arith.constant 0 : index
      %swap3A_110 = arith.constant 0 : index
      %swap3A_111 = vector.load %arg6[%swap3A_109, %swap3A_110] : memref<8x128xf32, #tpu.memory_space<vmem>>, vector<8x128xf32>
      tpu.vector_store %arg6[%swap3A_109, %swap3A_110], %broadcast_in_dim3A_97 {strides = array<i32>} : memref<8x128xf32, #tpu.memory_space<vmem>>, vector<8x128xf32>,
    } else {
    }
    %gt3A = arith.constant 0 : i32
    %gt3A_100 = arith.cmpi sgt, %arg0, %gt3A : i32
    %convert_element_type3A_101 = arith.extui %gt3A_100 : i1 to i32
    %cond3A_102 = arith.constant 0 : i32
    %cond3A_103 = arith.cmpi ne, %convert_element_type3A_101, %cond3A_102 : i32
    scf.if %cond3A_103 {
      %get3A_109 = arith.constant 0 : index
      %get3A_110 = arith.constant 0 : index
      %get3A_111 = vector.load %arg6[%get3A_109, %get3A_110] : memref<8x128xf32, #tpu.memory_space<vmem>>, vector<8x128xf32>
      %max3A = arith.maximumf %get3A_111, %broadcast_in_dim3A_97 : vector<8x128xf32>
      %swap3A_112 = arith.constant 0 : index
      %swap3A_113 = arith.constant 0 : index
      %swap3A_114 = vector.load %arg6[%swap3A_112, %swap3A_113] : memref<8x128xf32, #tpu.memory_space<vmem>>, vector<8x128xf32>
      tpu.vector_store %arg6[%swap3A_112, %swap3A_113], %max3A {strides = array<i32>} : memref<8x128xf32, #tpu.memory_space<vmem>>, vector<8x128xf32>,
    } else {
    }
    %eq3A_104 = arith.constant 19 : i32
    %eq3A_105 = arith.cmpi eq, %arg0, %eq3A_104 : i32
    %convert_element_type3A_106 = arith.extui %eq3A_105 : i1 to i32
    %cond3A_107 = arith.constant 0 : i32
    %cond3A_108 = arith.cmpi ne, %convert_element_type3A_106, %cond3A_107 : i32
    scf.if %cond3A_108 {
      %get3A_109 = arith.constant 0 : index
      %get3A_110 = arith.constant 0 : index
      %get3A_111 = vector.load %arg6[%get3A_109, %get3A_110] : memref<8x128xf32, #tpu.memory_space<vmem>>, vector<8x128xf32>
      %slice3A_112 = vector.extract_strided_slice %get3A_111 {offsets = [0, 0], sizes = [1, 1], strides = [1, 1]} : vector<8x128xf32> to vector<1x1xf32>
      %slice3A_113 = vector.extract_strided_slice %get3A_111 {offsets = [0, 16], sizes = [1, 1], strides = [1, 1]} : vector<8x128xf32> to vector<1x1xf32>
      %add3A = arith.addf %slice3A_112, %slice3A_113 : vector<1x1xf32>
      %mul3A = arith.constant 2.000000e-01 : f32
      %mul3A_114 = vector.broadcast %mul3A : f32 to vector<1x1xf32>
      %mul3A_115 = arith.mulf %mul3A_114, %add3A : vector<1x1xf32>
      %max3A = arith.maximumf %add3A, %mul3A_115 : vector<1x1xf32>
      %broadcast_in_dim3A_116 = vector.shape_cast %max3A : vector<1x1xf32> to vector<1x1xf32>
      %broadcast_in_dim3A_117 = vector.broadcast %broadcast_in_dim3A_116 : vector<1x1xf32> to vector<1x16xf32>
      %slice3A_118 = vector.extract_strided_slice %get3A_111 {offsets = [0, 1], sizes = [1, 1], strides = [1, 1]} : vector<8x128xf32> to vector<1x1xf32>
      %slice3A_119 = vector.extract_strided_slice %get3A_111 {offsets = [0, 17], sizes = [1, 1], strides = [1, 1]} : vector<8x128xf32> to vector<1x1xf32>
      %add3A_120 = arith.addf %slice3A_118, %slice3A_119 : vector<1x1xf32>
      %mul3A_121 = arith.constant 2.000000e-01 : f32
      %mul3A_122 = vector.broadcast %mul3A_121 : f32 to vector<1x1xf32>
      %mul3A_123 = arith.mulf %mul3A_122, %add3A_120 : vector<1x1xf32>
      %max3A_124 = arith.maximumf %add3A_120, %mul3A_123 : vector<1x1xf32>
      %broadcast_in_dim3A_125 = vector.shape_cast %max3A_124 : vector<1x1xf32> to vector<1x1xf32>
      %broadcast_in_dim3A_126 = vector.broadcast %broadcast_in_dim3A_125 : vector<1x1xf32> to vector<1x16xf32>
      %slice3A_127 = vector.extract_strided_slice %get3A_111 {offsets = [0, 2], sizes = [1, 1], strides = [1, 1]} : vector<8x128xf32> to vector<1x1xf32>
      %slice3A_128 = vector.extract_strided_slice %get3A_111 {offsets = [0, 18], sizes = [1, 1], strides = [1, 1]} : vector<8x128xf32> to vector<1x1xf32>
      %add3A_129 = arith.addf %slice3A_127, %slice3A_128 : vector<1x1xf32>
      %mul3A_130 = arith.constant 2.000000e-01 : f32
      %mul3A_131 = vector.broadcast %mul3A_130 : f32 to vector<1x1xf32>
      %mul3A_132 = arith.mulf %mul3A_131, %add3A_129 : vector<1x1xf32>
      %max3A_133 = arith.maximumf %add3A_129, %mul3A_132 : vector<1x1xf32>
      %broadcast_in_dim3A_134 = vector.shape_cast %max3A_133 : vector<1x1xf32> to vector<1x1xf32>
      %broadcast_in_dim3A_135 = vector.broadcast %broadcast_in_dim3A_134 : vector<1x1xf32> to vector<1x16xf32>
      %slice3A_136 = vector.extract_strided_slice %get3A_111 {offsets = [0, 3], sizes = [1, 1], strides = [1, 1]} : vector<8x128xf32> to vector<1x1xf32>
      %slice3A_137 = vector.extract_strided_slice %get3A_111 {offsets = [0, 19], sizes = [1, 1], strides = [1, 1]} : vector<8x128xf32> to vector<1x1xf32>
      %add3A_138 = arith.addf %slice3A_136, %slice3A_137 : vector<1x1xf32>
      %mul3A_139 = arith.constant 2.000000e-01 : f32
      %mul3A_140 = vector.broadcast %mul3A_139 : f32 to vector<1x1xf32>
      %mul3A_141 = arith.mulf %mul3A_140, %add3A_138 : vector<1x1xf32>
      %max3A_142 = arith.maximumf %add3A_138, %mul3A_141 : vector<1x1xf32>
      %broadcast_in_dim3A_143 = vector.shape_cast %max3A_142 : vector<1x1xf32> to vector<1x1xf32>
      %broadcast_in_dim3A_144 = vector.broadcast %broadcast_in_dim3A_143 : vector<1x1xf32> to vector<1x16xf32>
      %broadcast_in_dim3A_145 = arith.constant 0.000000e+00 : f32
      %broadcast_in_dim3A_146 = vector.broadcast %broadcast_in_dim3A_145 : f32 to vector<1x64xf32>
      %concatenate3A = tpu.concatenate %broadcast_in_dim3A_117, %broadcast_in_dim3A_126, %broadcast_in_dim3A_135, %broadcast_in_dim3A_144, %broadcast_in_dim3A_146 in 1 : vector<1x16xf32>, vector<1x16xf32>, vector<1x16xf32>, vector<1x16xf32>, vector<1x64xf32> -> vector<1x128xf32>
      %swap3A_147 = arith.constant 1 : index
      %swap3A_148 = arith.constant 0 : index
      %swap3A_149 = vector.load %arg6[%swap3A_147, %swap3A_148] : memref<8x128xf32, #tpu.memory_space<vmem>>, vector<1x128xf32>
      tpu.vector_store %arg6[%swap3A_147, %swap3A_148], %concatenate3A {strides = array<i32>} : memref<8x128xf32, #tpu.memory_space<vmem>>, vector<1x128xf32>,
    } else {
    }
    return
  }
  func.func @transform_0(%arg0: i32) -> (i32, i32) {
    %c0_i32 = arith.constant 0 : i32
    %c0_i32_0 = arith.constant 0 : i32
    return %arg0, %c0_i32 : i32, i32
  }
  func.func @transform_1(%arg0: i32) -> (i32, i32) {
    %c0_i32 = arith.constant 0 : i32
    %c0_i32_0 = arith.constant 0 : i32
    %c0_i32_1 = arith.constant 0 : i32
    return %c0_i32, %c0_i32_0 : i32, i32
  }
  func.func @transform_2(%arg0: i32) -> (i32, i32) {
    %c0_i32 = arith.constant 0 : i32
    %c0_i32_0 = arith.constant 0 : i32
    %c0_i32_1 = arith.constant 0 : i32
    return %c0_i32, %c0_i32_0 : i32, i32
  }
  func.func @transform_3(%arg0: i32) -> (i32, i32, i32) {
    %c0_i32 = arith.constant 0 : i32
    %c0_i32_0 = arith.constant 0 : i32
    %c0_i32_1 = arith.constant 0 : i32
    return %c0_i32, %arg0, %c0_i32_0 : i32, i32, i32
  }
  func.func @transform_4(%arg0: i32) -> (i32, i32, i32) {
    %c0_i32 = arith.constant 0 : i32
    %c0_i32_0 = arith.constant 0 : i32
    %c0_i32_1 = arith.constant 0 : i32
    return %c0_i32, %arg0, %c0_i32_0 : i32, i32, i32
  }
  func.func @transform_5(%arg0: i32) -> (i32, i32) {
    %c0_i32 = arith.constant 0 : i32
    %c0_i32_0 = arith.constant 0 : i32
    %c0_i32_1 = arith.constant 0 : i32
    return %c0_i32, %c0_i32_0 : i32, i32
  }
}

module attributes {stable_mosaic.version = 14 : i64} {
  func.func @_mid_body(%arg0: i32, %arg1: memref<512x144xf32, #tpu.memory_space<vmem>>, %arg2: memref<512x144xf32, #tpu.memory_space<vmem>>, %arg3: memref<1x256xf32, #tpu.memory_space<vmem>>, %arg4: memref<256x256xf32, #tpu.memory_space<vmem>>, %arg5: memref<256x128xf32, #tpu.memory_space<vmem>>, %arg6: memref<2x512x160xf32, #tpu.memory_space<vmem>>, %arg7: memref<2x512x32xf32, #tpu.memory_space<vmem>>, %arg8: memref<8x128xf32, #tpu.memory_space<vmem>>) attributes {dimension_semantics = [#tpu.dimension_semantics<arbitrary>], iteration_bounds = array<i64: 20>, scalar_prefetch = 0 : i64, scratch_operands = 0 : i64, tpu.core_type = #tpu.core_type<tc>, window_params = [{transform_indices = @transform_0, window_bounds = array<i64: 512, 144>}, {transform_indices = @transform_1, window_bounds = array<i64: 512, 144>}, {pipeline_mode = #tpu.pipeline_mode<synchronous>, transform_indices = @transform_2, window_bounds = array<i64: 1, 256>}, {pipeline_mode = #tpu.pipeline_mode<synchronous>, transform_indices = @transform_3, window_bounds = array<i64: 256, 256>}, {pipeline_mode = #tpu.pipeline_mode<synchronous>, transform_indices = @transform_4, window_bounds = array<i64: 256, 128>}, {transform_indices = @transform_5, window_bounds = array<i64: 2, 512, 160>}, {transform_indices = @transform_6, window_bounds = array<i64: 2, 512, 32>}, {pipeline_mode = #tpu.pipeline_mode<synchronous>, transform_indices = @transform_7, window_bounds = array<i64: 8, 128>}]} {
    %get3A = arith.constant 0 : index
    %get3A_0 = arith.constant 0 : index
    %get3A_1 = vector.load %arg1[%get3A, %get3A_0] : memref<512x144xf32, #tpu.memory_space<vmem>>, vector<512x144xf32>
    %get3A_2 = arith.constant 0 : index
    %get3A_3 = arith.constant 0 : index
    %get3A_4 = vector.load %arg2[%get3A_2, %get3A_3] : memref<512x144xf32, #tpu.memory_space<vmem>>, vector<512x144xf32>
    %get3A_5 = arith.constant 0 : index
    %get3A_6 = arith.constant 0 : index
    %get3A_7 = vector.load %arg3[%get3A_5, %get3A_6] : memref<1x256xf32, #tpu.memory_space<vmem>>, vector<1x256xf32>
    %slice3A = vector.extract_strided_slice %get3A_1 {offsets = [0, 128], sizes = [512, 1], strides = [1, 1]} : vector<512x144xf32> to vector<512x1xf32>
    %add3A = arith.constant 1.000000e-16 : f32
    %add3A_8 = vector.broadcast %add3A : f32 to vector<512x1xf32>
    %add3A_9 = arith.addf %slice3A, %add3A_8 : vector<512x1xf32>
    %slice3A_10 = vector.extract_strided_slice %get3A_1 {offsets = [0, 129], sizes = [512, 1], strides = [1, 1]} : vector<512x144xf32> to vector<512x1xf32>
    %add3A_11 = arith.constant 1.000000e-16 : f32
    %add3A_12 = vector.broadcast %add3A_11 : f32 to vector<512x1xf32>
    %add3A_13 = arith.addf %slice3A_10, %add3A_12 : vector<512x1xf32>
    %slice3A_14 = vector.extract_strided_slice %get3A_4 {offsets = [0, 128], sizes = [512, 1], strides = [1, 1]} : vector<512x144xf32> to vector<512x1xf32>
    %add3A_15 = arith.constant 1.000000e-16 : f32
    %add3A_16 = vector.broadcast %add3A_15 : f32 to vector<512x1xf32>
    %add3A_17 = arith.addf %slice3A_14, %add3A_16 : vector<512x1xf32>
    %slice3A_18 = vector.extract_strided_slice %get3A_4 {offsets = [0, 129], sizes = [512, 1], strides = [1, 1]} : vector<512x144xf32> to vector<512x1xf32>
    %add3A_19 = arith.constant 1.000000e-16 : f32
    %add3A_20 = vector.broadcast %add3A_19 : f32 to vector<512x1xf32>
    %add3A_21 = arith.addf %slice3A_18, %add3A_20 : vector<512x1xf32>
    %slice3A_22 = vector.extract_strided_slice %get3A_1 {offsets = [0, 0], sizes = [512, 64], strides = [1, 1]} : vector<512x144xf32> to vector<512x64xf32>
    %div3A = vector.broadcast %add3A_9 : vector<512x1xf32> to vector<512x64xf32>
    %div3A_23 = arith.divf %slice3A_22, %div3A : vector<512x64xf32>
    %slice3A_24 = vector.extract_strided_slice %get3A_1 {offsets = [0, 64], sizes = [512, 64], strides = [1, 1]} : vector<512x144xf32> to vector<512x64xf32>
    %div3A_25 = vector.broadcast %add3A_13 : vector<512x1xf32> to vector<512x64xf32>
    %div3A_26 = arith.divf %slice3A_24, %div3A_25 : vector<512x64xf32>
    %slice3A_27 = vector.extract_strided_slice %get3A_4 {offsets = [0, 0], sizes = [512, 64], strides = [1, 1]} : vector<512x144xf32> to vector<512x64xf32>
    %div3A_28 = vector.broadcast %add3A_17 : vector<512x1xf32> to vector<512x64xf32>
    %div3A_29 = arith.divf %slice3A_27, %div3A_28 : vector<512x64xf32>
    %slice3A_30 = vector.extract_strided_slice %get3A_4 {offsets = [0, 64], sizes = [512, 64], strides = [1, 1]} : vector<512x144xf32> to vector<512x64xf32>
    %div3A_31 = vector.broadcast %add3A_21 : vector<512x1xf32> to vector<512x64xf32>
    %div3A_32 = arith.divf %slice3A_30, %div3A_31 : vector<512x64xf32>
    %concatenate3A = tpu.concatenate %div3A_23, %div3A_26, %div3A_29, %div3A_32 in 1 : vector<512x64xf32>, vector<512x64xf32>, vector<512x64xf32>, vector<512x64xf32> -> vector<512x256xf32>
    %add3A_33 = vector.broadcast %get3A_7 : vector<1x256xf32> to vector<512x256xf32>
    %add3A_34 = arith.addf %concatenate3A, %add3A_33 : vector<512x256xf32>
    %max3A = arith.constant 0.000000e+00 : f32
    %max3A_35 = vector.broadcast %max3A : f32 to vector<512x256xf32>
    %max3A_36 = arith.maximumf %add3A_34, %max3A_35 : vector<512x256xf32>
    %get3A_37 = arith.constant 0 : index
    %get3A_38 = arith.constant 0 : index
    %get3A_39 = vector.load %arg4[%get3A_37, %get3A_38] : memref<256x256xf32, #tpu.memory_space<vmem>>, vector<256x256xf32>
    %dot_general3A = arith.constant dense<0.000000e+00> : vector<512x256xf32>
    %dot_general3A_40 = tpu.matmul %max3A_36, %get3A_39, %dot_general3A {dimension_numbers = #tpu.dot_dimension_numbers<[1], [0], [0], [1], [0, 0, 1, 1], [], []>, transpose_lhs_hint = false} : vector<512x256xf32>, vector<256x256xf32>, vector<512x256xf32> -> vector<512x256xf32>
    %get3A_41 = arith.constant 0 : index
    %get3A_42 = arith.constant 0 : index
    %get3A_43 = vector.load %arg5[%get3A_41, %get3A_42] : memref<256x128xf32, #tpu.memory_space<vmem>>, vector<256x128xf32>
    %dot_general3A_44 = arith.constant dense<0.000000e+00> : vector<512x128xf32>
    %dot_general3A_45 = tpu.matmul %dot_general3A_40, %get3A_43, %dot_general3A_44 {dimension_numbers = #tpu.dot_dimension_numbers<[1], [0], [0], [1], [0, 0, 1, 1], [], []>, transpose_lhs_hint = false} : vector<512x256xf32>, vector<256x128xf32>, vector<512x128xf32> -> vector<512x128xf32>
    %slice3A_46 = vector.extract_strided_slice %dot_general3A_40 {offsets = [0, 0], sizes = [512, 128], strides = [1, 1]} : vector<512x256xf32> to vector<512x128xf32>
    %swap3A = arith.constant 0 : index
    %swap3A_47 = arith.constant 0 : index
    %swap3A_48 = arith.constant 0 : index
    %swap3A_49 = vector.load %arg6[%swap3A, %swap3A_47, %swap3A_48] : memref<2x512x160xf32, #tpu.memory_space<vmem>>, vector<1x512x128xf32>
    %swap3A_50 = vector.shape_cast %swap3A_49 : vector<1x512x128xf32> to vector<512x128xf32>
    %swap3A_51 = vector.shape_cast %slice3A_46 : vector<512x128xf32> to vector<1x512x128xf32>
    tpu.vector_store %arg6[%swap3A, %swap3A_47, %swap3A_48], %swap3A_51 {strides = array<i32>} : memref<2x512x160xf32, #tpu.memory_space<vmem>>, vector<1x512x128xf32>,
    %slice3A_52 = vector.extract_strided_slice %dot_general3A_45 {offsets = [0, 0], sizes = [512, 1], strides = [1, 1]} : vector<512x128xf32> to vector<512x1xf32>
    %broadcast_in_dim3A = vector.shape_cast %slice3A_52 : vector<512x1xf32> to vector<512x1xf32>
    %broadcast_in_dim3A_53 = vector.broadcast %broadcast_in_dim3A : vector<512x1xf32> to vector<512x16xf32>
    %swap3A_54 = arith.constant 0 : index
    %swap3A_55 = arith.constant 0 : index
    %swap3A_56 = arith.constant 128 : index
    %swap3A_57 = vector.load %arg6[%swap3A_54, %swap3A_55, %swap3A_56] : memref<2x512x160xf32, #tpu.memory_space<vmem>>, vector<1x512x16xf32>
    %swap3A_58 = vector.shape_cast %swap3A_57 : vector<1x512x16xf32> to vector<512x16xf32>
    %swap3A_59 = vector.shape_cast %broadcast_in_dim3A_53 : vector<512x16xf32> to vector<1x512x16xf32>
    tpu.vector_store %arg6[%swap3A_54, %swap3A_55, %swap3A_56], %swap3A_59 {strides = array<i32>} : memref<2x512x160xf32, #tpu.memory_space<vmem>>, vector<1x512x16xf32>,
    %slice3A_60 = vector.extract_strided_slice %dot_general3A_45 {offsets = [0, 1], sizes = [512, 1], strides = [1, 1]} : vector<512x128xf32> to vector<512x1xf32>
    %broadcast_in_dim3A_61 = vector.shape_cast %slice3A_60 : vector<512x1xf32> to vector<512x1xf32>
    %broadcast_in_dim3A_62 = vector.broadcast %broadcast_in_dim3A_61 : vector<512x1xf32> to vector<512x16xf32>
    %swap3A_63 = arith.constant 0 : index
    %swap3A_64 = arith.constant 0 : index
    %swap3A_65 = arith.constant 144 : index
    %swap3A_66 = vector.load %arg6[%swap3A_63, %swap3A_64, %swap3A_65] : memref<2x512x160xf32, #tpu.memory_space<vmem>>, vector<1x512x16xf32>
    %swap3A_67 = vector.shape_cast %swap3A_66 : vector<1x512x16xf32> to vector<512x16xf32>
    %swap3A_68 = vector.shape_cast %broadcast_in_dim3A_62 : vector<512x16xf32> to vector<1x512x16xf32>
    tpu.vector_store %arg6[%swap3A_63, %swap3A_64, %swap3A_65], %swap3A_68 {strides = array<i32>} : memref<2x512x160xf32, #tpu.memory_space<vmem>>, vector<1x512x16xf32>,
    %slice3A_69 = vector.extract_strided_slice %dot_general3A_45 {offsets = [0, 16], sizes = [512, 1], strides = [1, 1]} : vector<512x128xf32> to vector<512x1xf32>
    %broadcast_in_dim3A_70 = vector.shape_cast %slice3A_69 : vector<512x1xf32> to vector<512x1xf32>
    %broadcast_in_dim3A_71 = vector.broadcast %broadcast_in_dim3A_70 : vector<512x1xf32> to vector<512x16xf32>
    %swap3A_72 = arith.constant 0 : index
    %swap3A_73 = arith.constant 0 : index
    %swap3A_74 = arith.constant 0 : index
    %swap3A_75 = vector.load %arg7[%swap3A_72, %swap3A_73, %swap3A_74] : memref<2x512x32xf32, #tpu.memory_space<vmem>>, vector<1x512x16xf32>
    %swap3A_76 = vector.shape_cast %swap3A_75 : vector<1x512x16xf32> to vector<512x16xf32>
    %swap3A_77 = vector.shape_cast %broadcast_in_dim3A_71 : vector<512x16xf32> to vector<1x512x16xf32>
    tpu.vector_store %arg7[%swap3A_72, %swap3A_73, %swap3A_74], %swap3A_77 {strides = array<i32>} : memref<2x512x32xf32, #tpu.memory_space<vmem>>, vector<1x512x16xf32>,
    %slice3A_78 = vector.extract_strided_slice %dot_general3A_45 {offsets = [0, 17], sizes = [512, 1], strides = [1, 1]} : vector<512x128xf32> to vector<512x1xf32>
    %broadcast_in_dim3A_79 = vector.shape_cast %slice3A_78 : vector<512x1xf32> to vector<512x1xf32>
    %broadcast_in_dim3A_80 = vector.broadcast %broadcast_in_dim3A_79 : vector<512x1xf32> to vector<512x16xf32>
    %swap3A_81 = arith.constant 0 : index
    %swap3A_82 = arith.constant 0 : index
    %swap3A_83 = arith.constant 16 : index
    %swap3A_84 = vector.load %arg7[%swap3A_81, %swap3A_82, %swap3A_83] : memref<2x512x32xf32, #tpu.memory_space<vmem>>, vector<1x512x16xf32>
    %swap3A_85 = vector.shape_cast %swap3A_84 : vector<1x512x16xf32> to vector<512x16xf32>
    %swap3A_86 = vector.shape_cast %broadcast_in_dim3A_80 : vector<512x16xf32> to vector<1x512x16xf32>
    tpu.vector_store %arg7[%swap3A_81, %swap3A_82, %swap3A_83], %swap3A_86 {strides = array<i32>} : memref<2x512x32xf32, #tpu.memory_space<vmem>>, vector<1x512x16xf32>,
    %slice3A_87 = vector.extract_strided_slice %dot_general3A_40 {offsets = [0, 128], sizes = [512, 128], strides = [1, 1]} : vector<512x256xf32> to vector<512x128xf32>
    %swap3A_88 = arith.constant 1 : index
    %swap3A_89 = arith.constant 0 : index
    %swap3A_90 = arith.constant 0 : index
    %swap3A_91 = vector.load %arg6[%swap3A_88, %swap3A_89, %swap3A_90] : memref<2x512x160xf32, #tpu.memory_space<vmem>>, vector<1x512x128xf32>
    %swap3A_92 = vector.shape_cast %swap3A_91 : vector<1x512x128xf32> to vector<512x128xf32>
    %swap3A_93 = vector.shape_cast %slice3A_87 : vector<512x128xf32> to vector<1x512x128xf32>
    tpu.vector_store %arg6[%swap3A_88, %swap3A_89, %swap3A_90], %swap3A_93 {strides = array<i32>} : memref<2x512x160xf32, #tpu.memory_space<vmem>>, vector<1x512x128xf32>,
    %slice3A_94 = vector.extract_strided_slice %dot_general3A_45 {offsets = [0, 2], sizes = [512, 1], strides = [1, 1]} : vector<512x128xf32> to vector<512x1xf32>
    %broadcast_in_dim3A_95 = vector.shape_cast %slice3A_94 : vector<512x1xf32> to vector<512x1xf32>
    %broadcast_in_dim3A_96 = vector.broadcast %broadcast_in_dim3A_95 : vector<512x1xf32> to vector<512x16xf32>
    %swap3A_97 = arith.constant 1 : index
    %swap3A_98 = arith.constant 0 : index
    %swap3A_99 = arith.constant 128 : index
    %swap3A_100 = vector.load %arg6[%swap3A_97, %swap3A_98, %swap3A_99] : memref<2x512x160xf32, #tpu.memory_space<vmem>>, vector<1x512x16xf32>
    %swap3A_101 = vector.shape_cast %swap3A_100 : vector<1x512x16xf32> to vector<512x16xf32>
    %swap3A_102 = vector.shape_cast %broadcast_in_dim3A_96 : vector<512x16xf32> to vector<1x512x16xf32>
    tpu.vector_store %arg6[%swap3A_97, %swap3A_98, %swap3A_99], %swap3A_102 {strides = array<i32>} : memref<2x512x160xf32, #tpu.memory_space<vmem>>, vector<1x512x16xf32>,
    %slice3A_103 = vector.extract_strided_slice %dot_general3A_45 {offsets = [0, 3], sizes = [512, 1], strides = [1, 1]} : vector<512x128xf32> to vector<512x1xf32>
    %broadcast_in_dim3A_104 = vector.shape_cast %slice3A_103 : vector<512x1xf32> to vector<512x1xf32>
    %broadcast_in_dim3A_105 = vector.broadcast %broadcast_in_dim3A_104 : vector<512x1xf32> to vector<512x16xf32>
    %swap3A_106 = arith.constant 1 : index
    %swap3A_107 = arith.constant 0 : index
    %swap3A_108 = arith.constant 144 : index
    %swap3A_109 = vector.load %arg6[%swap3A_106, %swap3A_107, %swap3A_108] : memref<2x512x160xf32, #tpu.memory_space<vmem>>, vector<1x512x16xf32>
    %swap3A_110 = vector.shape_cast %swap3A_109 : vector<1x512x16xf32> to vector<512x16xf32>
    %swap3A_111 = vector.shape_cast %broadcast_in_dim3A_105 : vector<512x16xf32> to vector<1x512x16xf32>
    tpu.vector_store %arg6[%swap3A_106, %swap3A_107, %swap3A_108], %swap3A_111 {strides = array<i32>} : memref<2x512x160xf32, #tpu.memory_space<vmem>>, vector<1x512x16xf32>,
    %slice3A_112 = vector.extract_strided_slice %dot_general3A_45 {offsets = [0, 18], sizes = [512, 1], strides = [1, 1]} : vector<512x128xf32> to vector<512x1xf32>
    %broadcast_in_dim3A_113 = vector.shape_cast %slice3A_112 : vector<512x1xf32> to vector<512x1xf32>
    %broadcast_in_dim3A_114 = vector.broadcast %broadcast_in_dim3A_113 : vector<512x1xf32> to vector<512x16xf32>
    %swap3A_115 = arith.constant 1 : index
    %swap3A_116 = arith.constant 0 : index
    %swap3A_117 = arith.constant 0 : index
    %swap3A_118 = vector.load %arg7[%swap3A_115, %swap3A_116, %swap3A_117] : memref<2x512x32xf32, #tpu.memory_space<vmem>>, vector<1x512x16xf32>
    %swap3A_119 = vector.shape_cast %swap3A_118 : vector<1x512x16xf32> to vector<512x16xf32>
    %swap3A_120 = vector.shape_cast %broadcast_in_dim3A_114 : vector<512x16xf32> to vector<1x512x16xf32>
    tpu.vector_store %arg7[%swap3A_115, %swap3A_116, %swap3A_117], %swap3A_120 {strides = array<i32>} : memref<2x512x32xf32, #tpu.memory_space<vmem>>, vector<1x512x16xf32>,
    %slice3A_121 = vector.extract_strided_slice %dot_general3A_45 {offsets = [0, 19], sizes = [512, 1], strides = [1, 1]} : vector<512x128xf32> to vector<512x1xf32>
    %broadcast_in_dim3A_122 = vector.shape_cast %slice3A_121 : vector<512x1xf32> to vector<512x1xf32>
    %broadcast_in_dim3A_123 = vector.broadcast %broadcast_in_dim3A_122 : vector<512x1xf32> to vector<512x16xf32>
    %swap3A_124 = arith.constant 1 : index
    %swap3A_125 = arith.constant 0 : index
    %swap3A_126 = arith.constant 16 : index
    %swap3A_127 = vector.load %arg7[%swap3A_124, %swap3A_125, %swap3A_126] : memref<2x512x32xf32, #tpu.memory_space<vmem>>, vector<1x512x16xf32>
    %swap3A_128 = vector.shape_cast %swap3A_127 : vector<1x512x16xf32> to vector<512x16xf32>
    %swap3A_129 = vector.shape_cast %broadcast_in_dim3A_123 : vector<512x16xf32> to vector<1x512x16xf32>
    tpu.vector_store %arg7[%swap3A_124, %swap3A_125, %swap3A_126], %swap3A_129 {strides = array<i32>} : memref<2x512x32xf32, #tpu.memory_space<vmem>>, vector<1x512x16xf32>,
    %reduce_max3A = arith.constant dense<0xFF800000> : vector<128xf32>
    %reduce_max3A_130 = vector.multi_reduction <maximumf>, %dot_general3A_45, %reduce_max3A [0] : vector<512x128xf32> to vector<128xf32>
    %broadcast_in_dim3A_131 = vector.shape_cast %reduce_max3A_130 : vector<128xf32> to vector<1x128xf32>
    %broadcast_in_dim3A_132 = vector.shape_cast %broadcast_in_dim3A_131 : vector<1x128xf32> to vector<1x128xf32>
    %broadcast_in_dim3A_133 = vector.broadcast %broadcast_in_dim3A_132 : vector<1x128xf32> to vector<8x128xf32>
    %eq3A = arith.constant 0 : i32
    %eq3A_134 = arith.cmpi eq, %arg0, %eq3A : i32
    %convert_element_type3A = arith.extui %eq3A_134 : i1 to i32
    %cond3A = arith.constant 0 : i32
    %cond3A_135 = arith.cmpi ne, %convert_element_type3A, %cond3A : i32
    scf.if %cond3A_135 {
      %swap3A_145 = arith.constant 0 : index
      %swap3A_146 = arith.constant 0 : index
      %swap3A_147 = vector.load %arg8[%swap3A_145, %swap3A_146] : memref<8x128xf32, #tpu.memory_space<vmem>>, vector<8x128xf32>
      tpu.vector_store %arg8[%swap3A_145, %swap3A_146], %broadcast_in_dim3A_133 {strides = array<i32>} : memref<8x128xf32, #tpu.memory_space<vmem>>, vector<8x128xf32>,
    } else {
    }
    %gt3A = arith.constant 0 : i32
    %gt3A_136 = arith.cmpi sgt, %arg0, %gt3A : i32
    %convert_element_type3A_137 = arith.extui %gt3A_136 : i1 to i32
    %cond3A_138 = arith.constant 0 : i32
    %cond3A_139 = arith.cmpi ne, %convert_element_type3A_137, %cond3A_138 : i32
    scf.if %cond3A_139 {
      %get3A_145 = arith.constant 0 : index
      %get3A_146 = arith.constant 0 : index
      %get3A_147 = vector.load %arg8[%get3A_145, %get3A_146] : memref<8x128xf32, #tpu.memory_space<vmem>>, vector<8x128xf32>
      %max3A_148 = arith.maximumf %get3A_147, %broadcast_in_dim3A_133 : vector<8x128xf32>
      %swap3A_149 = arith.constant 0 : index
      %swap3A_150 = arith.constant 0 : index
      %swap3A_151 = vector.load %arg8[%swap3A_149, %swap3A_150] : memref<8x128xf32, #tpu.memory_space<vmem>>, vector<8x128xf32>
      tpu.vector_store %arg8[%swap3A_149, %swap3A_150], %max3A_148 {strides = array<i32>} : memref<8x128xf32, #tpu.memory_space<vmem>>, vector<8x128xf32>,
    } else {
    }
    %eq3A_140 = arith.constant 19 : i32
    %eq3A_141 = arith.cmpi eq, %arg0, %eq3A_140 : i32
    %convert_element_type3A_142 = arith.extui %eq3A_141 : i1 to i32
    %cond3A_143 = arith.constant 0 : i32
    %cond3A_144 = arith.cmpi ne, %convert_element_type3A_142, %cond3A_143 : i32
    scf.if %cond3A_144 {
      %get3A_145 = arith.constant 0 : index
      %get3A_146 = arith.constant 0 : index
      %get3A_147 = vector.load %arg8[%get3A_145, %get3A_146] : memref<8x128xf32, #tpu.memory_space<vmem>>, vector<8x128xf32>
      %slice3A_148 = vector.extract_strided_slice %get3A_147 {offsets = [0, 0], sizes = [1, 1], strides = [1, 1]} : vector<8x128xf32> to vector<1x1xf32>
      %slice3A_149 = vector.extract_strided_slice %get3A_147 {offsets = [0, 16], sizes = [1, 1], strides = [1, 1]} : vector<8x128xf32> to vector<1x1xf32>
      %add3A_150 = arith.addf %slice3A_148, %slice3A_149 : vector<1x1xf32>
      %mul3A = arith.constant 2.000000e-01 : f32
      %mul3A_151 = vector.broadcast %mul3A : f32 to vector<1x1xf32>
      %mul3A_152 = arith.mulf %mul3A_151, %add3A_150 : vector<1x1xf32>
      %max3A_153 = arith.maximumf %add3A_150, %mul3A_152 : vector<1x1xf32>
      %broadcast_in_dim3A_154 = vector.shape_cast %max3A_153 : vector<1x1xf32> to vector<1x1xf32>
      %broadcast_in_dim3A_155 = vector.broadcast %broadcast_in_dim3A_154 : vector<1x1xf32> to vector<1x16xf32>
      %slice3A_156 = vector.extract_strided_slice %get3A_147 {offsets = [0, 1], sizes = [1, 1], strides = [1, 1]} : vector<8x128xf32> to vector<1x1xf32>
      %slice3A_157 = vector.extract_strided_slice %get3A_147 {offsets = [0, 17], sizes = [1, 1], strides = [1, 1]} : vector<8x128xf32> to vector<1x1xf32>
      %add3A_158 = arith.addf %slice3A_156, %slice3A_157 : vector<1x1xf32>
      %mul3A_159 = arith.constant 2.000000e-01 : f32
      %mul3A_160 = vector.broadcast %mul3A_159 : f32 to vector<1x1xf32>
      %mul3A_161 = arith.mulf %mul3A_160, %add3A_158 : vector<1x1xf32>
      %max3A_162 = arith.maximumf %add3A_158, %mul3A_161 : vector<1x1xf32>
      %broadcast_in_dim3A_163 = vector.shape_cast %max3A_162 : vector<1x1xf32> to vector<1x1xf32>
      %broadcast_in_dim3A_164 = vector.broadcast %broadcast_in_dim3A_163 : vector<1x1xf32> to vector<1x16xf32>
      %slice3A_165 = vector.extract_strided_slice %get3A_147 {offsets = [0, 2], sizes = [1, 1], strides = [1, 1]} : vector<8x128xf32> to vector<1x1xf32>
      %slice3A_166 = vector.extract_strided_slice %get3A_147 {offsets = [0, 18], sizes = [1, 1], strides = [1, 1]} : vector<8x128xf32> to vector<1x1xf32>
      %add3A_167 = arith.addf %slice3A_165, %slice3A_166 : vector<1x1xf32>
      %mul3A_168 = arith.constant 2.000000e-01 : f32
      %mul3A_169 = vector.broadcast %mul3A_168 : f32 to vector<1x1xf32>
      %mul3A_170 = arith.mulf %mul3A_169, %add3A_167 : vector<1x1xf32>
      %max3A_171 = arith.maximumf %add3A_167, %mul3A_170 : vector<1x1xf32>
      %broadcast_in_dim3A_172 = vector.shape_cast %max3A_171 : vector<1x1xf32> to vector<1x1xf32>
      %broadcast_in_dim3A_173 = vector.broadcast %broadcast_in_dim3A_172 : vector<1x1xf32> to vector<1x16xf32>
      %slice3A_174 = vector.extract_strided_slice %get3A_147 {offsets = [0, 3], sizes = [1, 1], strides = [1, 1]} : vector<8x128xf32> to vector<1x1xf32>
      %slice3A_175 = vector.extract_strided_slice %get3A_147 {offsets = [0, 19], sizes = [1, 1], strides = [1, 1]} : vector<8x128xf32> to vector<1x1xf32>
      %add3A_176 = arith.addf %slice3A_174, %slice3A_175 : vector<1x1xf32>
      %mul3A_177 = arith.constant 2.000000e-01 : f32
      %mul3A_178 = vector.broadcast %mul3A_177 : f32 to vector<1x1xf32>
      %mul3A_179 = arith.mulf %mul3A_178, %add3A_176 : vector<1x1xf32>
      %max3A_180 = arith.maximumf %add3A_176, %mul3A_179 : vector<1x1xf32>
      %broadcast_in_dim3A_181 = vector.shape_cast %max3A_180 : vector<1x1xf32> to vector<1x1xf32>
      %broadcast_in_dim3A_182 = vector.broadcast %broadcast_in_dim3A_181 : vector<1x1xf32> to vector<1x16xf32>
      %broadcast_in_dim3A_183 = arith.constant 0.000000e+00 : f32
      %broadcast_in_dim3A_184 = vector.broadcast %broadcast_in_dim3A_183 : f32 to vector<1x64xf32>
      %concatenate3A_185 = tpu.concatenate %broadcast_in_dim3A_155, %broadcast_in_dim3A_164, %broadcast_in_dim3A_173, %broadcast_in_dim3A_182, %broadcast_in_dim3A_184 in 1 : vector<1x16xf32>, vector<1x16xf32>, vector<1x16xf32>, vector<1x16xf32>, vector<1x64xf32> -> vector<1x128xf32>
      %swap3A_186 = arith.constant 1 : index
      %swap3A_187 = arith.constant 0 : index
      %swap3A_188 = vector.load %arg8[%swap3A_186, %swap3A_187] : memref<8x128xf32, #tpu.memory_space<vmem>>, vector<1x128xf32>
      tpu.vector_store %arg8[%swap3A_186, %swap3A_187], %concatenate3A_185 {strides = array<i32>} : memref<8x128xf32, #tpu.memory_space<vmem>>, vector<1x128xf32>,
    } else {
    }
    return
  }
  func.func @transform_0(%arg0: i32) -> (i32, i32) {
    %c0_i32 = arith.constant 0 : i32
    %c0_i32_0 = arith.constant 0 : i32
    return %arg0, %c0_i32 : i32, i32
  }
  func.func @transform_1(%arg0: i32) -> (i32, i32) {
    %c0_i32 = arith.constant 0 : i32
    %c0_i32_0 = arith.constant 0 : i32
    return %arg0, %c0_i32 : i32, i32
  }
  func.func @transform_2(%arg0: i32) -> (i32, i32) {
    %c0_i32 = arith.constant 0 : i32
    %c0_i32_0 = arith.constant 0 : i32
    %c0_i32_1 = arith.constant 0 : i32
    return %c0_i32, %c0_i32_0 : i32, i32
  }
  func.func @transform_3(%arg0: i32) -> (i32, i32) {
    %c0_i32 = arith.constant 0 : i32
    %c0_i32_0 = arith.constant 0 : i32
    %c0_i32_1 = arith.constant 0 : i32
    return %c0_i32, %c0_i32_0 : i32, i32
  }
  func.func @transform_4(%arg0: i32) -> (i32, i32) {
    %c0_i32 = arith.constant 0 : i32
    %c0_i32_0 = arith.constant 0 : i32
    %c0_i32_1 = arith.constant 0 : i32
    return %c0_i32, %c0_i32_0 : i32, i32
  }
  func.func @transform_5(%arg0: i32) -> (i32, i32, i32) {
    %c0_i32 = arith.constant 0 : i32
    %c0_i32_0 = arith.constant 0 : i32
    %c0_i32_1 = arith.constant 0 : i32
    return %c0_i32, %arg0, %c0_i32_0 : i32, i32, i32
  }
  func.func @transform_6(%arg0: i32) -> (i32, i32, i32) {
    %c0_i32 = arith.constant 0 : i32
    %c0_i32_0 = arith.constant 0 : i32
    %c0_i32_1 = arith.constant 0 : i32
    return %c0_i32, %arg0, %c0_i32_0 : i32, i32, i32
  }
  func.func @transform_7(%arg0: i32) -> (i32, i32) {
    %c0_i32 = arith.constant 0 : i32
    %c0_i32_0 = arith.constant 0 : i32
    %c0_i32_1 = arith.constant 0 : i32
    return %c0_i32, %c0_i32_0 : i32, i32
  }
}

module attributes {stable_mosaic.version = 14 : i64} {
  func.func @_final_body(%arg0: i32, %arg1: memref<512x144xf32, #tpu.memory_space<vmem>>, %arg2: memref<512x144xf32, #tpu.memory_space<vmem>>, %arg3: memref<1x256xf32, #tpu.memory_space<vmem>>, %arg4: memref<512x1xi32, #tpu.memory_space<vmem>>, %arg5: memref<256x128xf32, #tpu.memory_space<vmem>>, %arg6: memref<1x128xf32, #tpu.memory_space<vmem>>, %arg7: memref<64x128xf32, #tpu.memory_space<vmem>>, %arg8: memref<64x256xf32, #tpu.memory_space<vmem>>, %arg9: memref<64x128xf32, #tpu.memory_space<vmem>>) attributes {dimension_semantics = [#tpu.dimension_semantics<arbitrary>], iteration_bounds = array<i64: 20>, scalar_prefetch = 0 : i64, scratch_operands = 2 : i64, tpu.core_type = #tpu.core_type<tc>, window_params = [{transform_indices = @transform_0, window_bounds = array<i64: 512, 144>}, {transform_indices = @transform_1, window_bounds = array<i64: 512, 144>}, {pipeline_mode = #tpu.pipeline_mode<synchronous>, transform_indices = @transform_2, window_bounds = array<i64: 1, 256>}, {transform_indices = @transform_3, window_bounds = array<i64: 512, 1>}, {pipeline_mode = #tpu.pipeline_mode<synchronous>, transform_indices = @transform_4, window_bounds = array<i64: 256, 128>}, {pipeline_mode = #tpu.pipeline_mode<synchronous>, transform_indices = @transform_5, window_bounds = array<i64: 1, 128>}, {pipeline_mode = #tpu.pipeline_mode<synchronous>, transform_indices = @transform_6, window_bounds = array<i64: 64, 128>}]} {
    %get3A = arith.constant 0 : index
    %get3A_0 = arith.constant 0 : index
    %get3A_1 = vector.load %arg1[%get3A, %get3A_0] : memref<512x144xf32, #tpu.memory_space<vmem>>, vector<512x144xf32>
    %get3A_2 = arith.constant 0 : index
    %get3A_3 = arith.constant 0 : index
    %get3A_4 = vector.load %arg2[%get3A_2, %get3A_3] : memref<512x144xf32, #tpu.memory_space<vmem>>, vector<512x144xf32>
    %get3A_5 = arith.constant 0 : index
    %get3A_6 = arith.constant 0 : index
    %get3A_7 = vector.load %arg3[%get3A_5, %get3A_6] : memref<1x256xf32, #tpu.memory_space<vmem>>, vector<1x256xf32>
    %slice3A = vector.extract_strided_slice %get3A_1 {offsets = [0, 128], sizes = [512, 1], strides = [1, 1]} : vector<512x144xf32> to vector<512x1xf32>
    %add3A = arith.constant 1.000000e-16 : f32
    %add3A_8 = vector.broadcast %add3A : f32 to vector<512x1xf32>
    %add3A_9 = arith.addf %slice3A, %add3A_8 : vector<512x1xf32>
    %slice3A_10 = vector.extract_strided_slice %get3A_1 {offsets = [0, 129], sizes = [512, 1], strides = [1, 1]} : vector<512x144xf32> to vector<512x1xf32>
    %add3A_11 = arith.constant 1.000000e-16 : f32
    %add3A_12 = vector.broadcast %add3A_11 : f32 to vector<512x1xf32>
    %add3A_13 = arith.addf %slice3A_10, %add3A_12 : vector<512x1xf32>
    %slice3A_14 = vector.extract_strided_slice %get3A_4 {offsets = [0, 128], sizes = [512, 1], strides = [1, 1]} : vector<512x144xf32> to vector<512x1xf32>
    %add3A_15 = arith.constant 1.000000e-16 : f32
    %add3A_16 = vector.broadcast %add3A_15 : f32 to vector<512x1xf32>
    %add3A_17 = arith.addf %slice3A_14, %add3A_16 : vector<512x1xf32>
    %slice3A_18 = vector.extract_strided_slice %get3A_4 {offsets = [0, 129], sizes = [512, 1], strides = [1, 1]} : vector<512x144xf32> to vector<512x1xf32>
    %add3A_19 = arith.constant 1.000000e-16 : f32
    %add3A_20 = vector.broadcast %add3A_19 : f32 to vector<512x1xf32>
    %add3A_21 = arith.addf %slice3A_18, %add3A_20 : vector<512x1xf32>
    %slice3A_22 = vector.extract_strided_slice %get3A_1 {offsets = [0, 0], sizes = [512, 64], strides = [1, 1]} : vector<512x144xf32> to vector<512x64xf32>
    %div3A = vector.broadcast %add3A_9 : vector<512x1xf32> to vector<512x64xf32>
    %div3A_23 = arith.divf %slice3A_22, %div3A : vector<512x64xf32>
    %slice3A_24 = vector.extract_strided_slice %get3A_1 {offsets = [0, 64], sizes = [512, 64], strides = [1, 1]} : vector<512x144xf32> to vector<512x64xf32>
    %div3A_25 = vector.broadcast %add3A_13 : vector<512x1xf32> to vector<512x64xf32>
    %div3A_26 = arith.divf %slice3A_24, %div3A_25 : vector<512x64xf32>
    %slice3A_27 = vector.extract_strided_slice %get3A_4 {offsets = [0, 0], sizes = [512, 64], strides = [1, 1]} : vector<512x144xf32> to vector<512x64xf32>
    %div3A_28 = vector.broadcast %add3A_17 : vector<512x1xf32> to vector<512x64xf32>
    %div3A_29 = arith.divf %slice3A_27, %div3A_28 : vector<512x64xf32>
    %slice3A_30 = vector.extract_strided_slice %get3A_4 {offsets = [0, 64], sizes = [512, 64], strides = [1, 1]} : vector<512x144xf32> to vector<512x64xf32>
    %div3A_31 = vector.broadcast %add3A_21 : vector<512x1xf32> to vector<512x64xf32>
    %div3A_32 = arith.divf %slice3A_30, %div3A_31 : vector<512x64xf32>
    %concatenate3A = tpu.concatenate %div3A_23, %div3A_26, %div3A_29, %div3A_32 in 1 : vector<512x64xf32>, vector<512x64xf32>, vector<512x64xf32>, vector<512x64xf32> -> vector<512x256xf32>
    %add3A_33 = vector.broadcast %get3A_7 : vector<1x256xf32> to vector<512x256xf32>
    %add3A_34 = arith.addf %concatenate3A, %add3A_33 : vector<512x256xf32>
    %max3A = arith.constant 0.000000e+00 : f32
    %max3A_35 = vector.broadcast %max3A : f32 to vector<512x256xf32>
    %max3A_36 = arith.maximumf %add3A_34, %max3A_35 : vector<512x256xf32>
    %iota3A = tpu.iota {dimensions = array<i32: 1>} : vector<512x64xi32>
    %get3A_37 = arith.constant 0 : index
    %get3A_38 = arith.constant 0 : index
    %get3A_39 = vector.load %arg4[%get3A_37, %get3A_38] : memref<512x1xi32, #tpu.memory_space<vmem>>, vector<512x1xi32>
    %eq3A = vector.broadcast %get3A_39 : vector<512x1xi32> to vector<512x64xi32>
    %eq3A_40 = arith.cmpi eq, %eq3A, %iota3A : vector<512x64xi32>
    %convert_element_type3A = arith.extui %eq3A_40 : vector<512x64xi1> to vector<512x64xi32>
    %convert_element_type3A_41 = arith.sitofp %convert_element_type3A : vector<512x64xi32> to vector<512x64xf32>
    %dot_general3A = arith.constant dense<0.000000e+00> : vector<64x256xf32>
    %dot_general3A_42 = tpu.matmul %convert_element_type3A_41, %max3A_36, %dot_general3A {dimension_numbers = #tpu.dot_dimension_numbers<[0], [0], [1], [1], [0, 1, 1, 1], [], []>, transpose_lhs_hint = false} : vector<512x64xf32>, vector<512x256xf32>, vector<64x256xf32> -> vector<64x256xf32>
    %broadcast_in_dim3A = arith.constant 1.000000e+00 : f32
    %broadcast_in_dim3A_43 = vector.broadcast %broadcast_in_dim3A : f32 to vector<512x128xf32>
    %dot_general3A_44 = arith.constant dense<0.000000e+00> : vector<64x128xf32>
    %dot_general3A_45 = tpu.matmul %convert_element_type3A_41, %broadcast_in_dim3A_43, %dot_general3A_44 {dimension_numbers = #tpu.dot_dimension_numbers<[0], [0], [1], [1], [0, 1, 1, 1], [], []>, transpose_lhs_hint = false} : vector<512x64xf32>, vector<512x128xf32>, vector<64x128xf32> -> vector<64x128xf32>
    %eq3A_46 = arith.constant 0 : i32
    %eq3A_47 = arith.cmpi eq, %arg0, %eq3A_46 : i32
    %convert_element_type3A_48 = arith.extui %eq3A_47 : i1 to i32
    %cond3A = arith.constant 0 : i32
    %cond3A_49 = arith.cmpi ne, %convert_element_type3A_48, %cond3A : i32
    scf.if %cond3A_49 {
      %swap3A = arith.constant 0 : index
      %swap3A_59 = arith.constant 0 : index
      %swap3A_60 = vector.load %arg8[%swap3A, %swap3A_59] : memref<64x256xf32, #tpu.memory_space<vmem>>, vector<64x256xf32>
      tpu.vector_store %arg8[%swap3A, %swap3A_59], %dot_general3A_42 {strides = array<i32>} : memref<64x256xf32, #tpu.memory_space<vmem>>, vector<64x256xf32>,
      %swap3A_61 = arith.constant 0 : index
      %swap3A_62 = arith.constant 0 : index
      %swap3A_63 = vector.load %arg9[%swap3A_61, %swap3A_62] : memref<64x128xf32, #tpu.memory_space<vmem>>, vector<64x128xf32>
      tpu.vector_store %arg9[%swap3A_61, %swap3A_62], %dot_general3A_45 {strides = array<i32>} : memref<64x128xf32, #tpu.memory_space<vmem>>, vector<64x128xf32>,
    } else {
    }
    %gt3A = arith.constant 0 : i32
    %gt3A_50 = arith.cmpi sgt, %arg0, %gt3A : i32
    %convert_element_type3A_51 = arith.extui %gt3A_50 : i1 to i32
    %cond3A_52 = arith.constant 0 : i32
    %cond3A_53 = arith.cmpi ne, %convert_element_type3A_51, %cond3A_52 : i32
    scf.if %cond3A_53 {
      %get3A_59 = arith.constant 0 : index
      %get3A_60 = arith.constant 0 : index
      %get3A_61 = vector.load %arg8[%get3A_59, %get3A_60] : memref<64x256xf32, #tpu.memory_space<vmem>>, vector<64x256xf32>
      %add3A_62 = arith.addf %get3A_61, %dot_general3A_42 : vector<64x256xf32>
      %swap3A = arith.constant 0 : index
      %swap3A_63 = arith.constant 0 : index
      %swap3A_64 = vector.load %arg8[%swap3A, %swap3A_63] : memref<64x256xf32, #tpu.memory_space<vmem>>, vector<64x256xf32>
      tpu.vector_store %arg8[%swap3A, %swap3A_63], %add3A_62 {strides = array<i32>} : memref<64x256xf32, #tpu.memory_space<vmem>>, vector<64x256xf32>,
      %get3A_65 = arith.constant 0 : index
      %get3A_66 = arith.constant 0 : index
      %get3A_67 = vector.load %arg9[%get3A_65, %get3A_66] : memref<64x128xf32, #tpu.memory_space<vmem>>, vector<64x128xf32>
      %add3A_68 = arith.addf %get3A_67, %dot_general3A_45 : vector<64x128xf32>
      %swap3A_69 = arith.constant 0 : index
      %swap3A_70 = arith.constant 0 : index
      %swap3A_71 = vector.load %arg9[%swap3A_69, %swap3A_70] : memref<64x128xf32, #tpu.memory_space<vmem>>, vector<64x128xf32>
      tpu.vector_store %arg9[%swap3A_69, %swap3A_70], %add3A_68 {strides = array<i32>} : memref<64x128xf32, #tpu.memory_space<vmem>>, vector<64x128xf32>,
    } else {
    }
    %eq3A_54 = arith.constant 19 : i32
    %eq3A_55 = arith.cmpi eq, %arg0, %eq3A_54 : i32
    %convert_element_type3A_56 = arith.extui %eq3A_55 : i1 to i32
    %cond3A_57 = arith.constant 0 : i32
    %cond3A_58 = arith.cmpi ne, %convert_element_type3A_56, %cond3A_57 : i32
    scf.if %cond3A_58 {
      %get3A_59 = arith.constant 0 : index
      %get3A_60 = arith.constant 0 : index
      %get3A_61 = vector.load %arg8[%get3A_59, %get3A_60] : memref<64x256xf32, #tpu.memory_space<vmem>>, vector<64x256xf32>
      %get3A_62 = arith.constant 0 : index
      %get3A_63 = arith.constant 0 : index
      %get3A_64 = vector.load %arg9[%get3A_62, %get3A_63] : memref<64x128xf32, #tpu.memory_space<vmem>>, vector<64x1xf32>
      %max3A_65 = arith.constant 1.000000e+00 : f32
      %max3A_66 = vector.broadcast %max3A_65 : f32 to vector<64x1xf32>
      %max3A_67 = arith.maximumf %get3A_64, %max3A_66 : vector<64x1xf32>
      %div3A_68 = vector.broadcast %max3A_67 : vector<64x1xf32> to vector<64x256xf32>
      %div3A_69 = arith.divf %get3A_61, %div3A_68 : vector<64x256xf32>
      %get3A_70 = arith.constant 0 : index
      %get3A_71 = arith.constant 0 : index
      %get3A_72 = vector.load %arg5[%get3A_70, %get3A_71] : memref<256x128xf32, #tpu.memory_space<vmem>>, vector<256x128xf32>
      %dot_general3A_73 = arith.constant dense<0.000000e+00> : vector<64x128xf32>
      %dot_general3A_74 = tpu.matmul %div3A_69, %get3A_72, %dot_general3A_73 {dimension_numbers = #tpu.dot_dimension_numbers<[1], [0], [0], [1], [0, 0, 1, 1], [], []>, transpose_lhs_hint = false} : vector<64x256xf32>, vector<256x128xf32>, vector<64x128xf32> -> vector<64x128xf32>
      %get3A_75 = arith.constant 0 : index
      %get3A_76 = arith.constant 0 : index
      %get3A_77 = vector.load %arg6[%get3A_75, %get3A_76] : memref<1x128xf32, #tpu.memory_space<vmem>>, vector<1x128xf32>
      %add3A_78 = vector.broadcast %get3A_77 : vector<1x128xf32> to vector<64x128xf32>
      %add3A_79 = arith.addf %dot_general3A_74, %add3A_78 : vector<64x128xf32>
      %swap3A = arith.constant 0 : index
      %swap3A_80 = arith.constant 0 : index
      %swap3A_81 = vector.load %arg7[%swap3A, %swap3A_80] : memref<64x128xf32, #tpu.memory_space<vmem>>, vector<64x128xf32>
      tpu.vector_store %arg7[%swap3A, %swap3A_80], %add3A_79 {strides = array<i32>} : memref<64x128xf32, #tpu.memory_space<vmem>>, vector<64x128xf32>,
    } else {
    }
    return
  }
  func.func @transform_0(%arg0: i32) -> (i32, i32) {
    %c0_i32 = arith.constant 0 : i32
    %c0_i32_0 = arith.constant 0 : i32
    return %arg0, %c0_i32 : i32, i32
  }
  func.func @transform_1(%arg0: i32) -> (i32, i32) {
    %c0_i32 = arith.constant 0 : i32
    %c0_i32_0 = arith.constant 0 : i32
    return %arg0, %c0_i32 : i32, i32
  }
  func.func @transform_2(%arg0: i32) -> (i32, i32) {
    %c0_i32 = arith.constant 0 : i32
    %c0_i32_0 = arith.constant 0 : i32
    %c0_i32_1 = arith.constant 0 : i32
    return %c0_i32, %c0_i32_0 : i32, i32
  }
  func.func @transform_3(%arg0: i32) -> (i32, i32) {
    %c0_i32 = arith.constant 0 : i32
    %c0_i32_0 = arith.constant 0 : i32
    return %arg0, %c0_i32 : i32, i32
  }
  func.func @transform_4(%arg0: i32) -> (i32, i32) {
    %c0_i32 = arith.constant 0 : i32
    %c0_i32_0 = arith.constant 0 : i32
    %c0_i32_1 = arith.constant 0 : i32
    return %c0_i32, %c0_i32_0 : i32, i32
  }
  func.func @transform_5(%arg0: i32) -> (i32, i32) {
    %c0_i32 = arith.constant 0 : i32
    %c0_i32_0 = arith.constant 0 : i32
    %c0_i32_1 = arith.constant 0 : i32
    return %c0_i32, %c0_i32_0 : i32, i32
  }
  func.func @transform_6(%arg0: i32) -> (i32, i32) {
    %c0_i32 = arith.constant 0 : i32
    %c0_i32_0 = arith.constant 0 : i32
    %c0_i32_1 = arith.constant 0 : i32
    return %c0_i32, %c0_i32_0 : i32, i32
  }
}

</mosaic_0001>

<sc_bundles>
// kernel: kernel.10.cloned.1.call-start
scs
__scs_entry_jumppad:
0x0: {  	(pc) =	sbr.rel $0x88, $3  }
0x1: {  	(tag) =	ssettag $0x0;
	lr =	simm.s32 $0x1  }
0x2: {  	[smem:$0x3F94] =	sst lr;
	_ =	strace $0xD0000000  }
0x3: {  	_ = 	snop  }
0x4: {  	_ = 	snop  }
0x5: {  	_ = 	snop  }
0x6: {  	_ = 	snop  }
0x7: {  	_ = 	snop  }
__scs_overlays_trampoline_lowered:
0x8: {  	[smem:$0x3FA3] =	sst s0  }
0x9: {  	[smem:$0x3FA4] =	sst s1  }
0xa: {  	[smem:$0x3FA5] =	sst s2  }
0xb: {  	[smem:$0x3FA6] =	sst s3  }
0xc: {  	[smem:$0x3FA7] =	sst s4  }
0xd: {  	[smem:$0x3FA8] =	sst s5  }
0xe: {  	[smem:$0x3FA9] =	sst s6  }
0xf: {  	[smem:$0x3FAA] =	sst s7  }
0x10: {  	[smem:$0x3FAB] =	sst s8  }
0x11: {  	[smem:$0x3FAC] =	sst s9;
	s0 =	simm.s32 @!p0 $0x0  }
0x12: {  	s1 =	sld [smem:$0x3F92];
	s0 =	simm.s32 @p0 $0x1  }
0x13: {  	[smem:$0x3FAD] =	sst s0;
	s0 =	simm.s32 @!p1 $0x0  }
0x14: {  	s2 =	sld [smem:$0x3F91];
	s0 =	simm.s32 @p1 $0x1  }
0x15: {  	[smem:$0x3FAE] =	sst s0;
	s0 =	simm.s32 @!p2 $0x0  }
0x16: {  	s3 =	sld [smem:$0x3FDB];
	s0 =	simm.s32 @p2 $0x1  }
0x17: {  	s4 =	simm.s32 $0x1BF5;
	[smem:$0x3FB0] =	sst s0  }
0x18: {  	s0 =	sld [smem:$0x3F93];
	_ =	swait.ge [sflag:s4], $0x0  }
0x19: {  	s7 =	sld [smem:$0x3F94]  }
0x1a: {  	s8 =	sadd.s32 $0xFFFFE003, lr  }
0x1b: {  	s9 =	sadd.s32 $0xFFFFFEF7, lr;
	s5 =	simm.s32 $0xFFFFFFFF;
	p2 =	slt.u32 s8, $0xFFFFF086  }
0x1c: {  	p1 =	slt.u32 s9, $0xF7A;
	s5 =	simm.s32 @!p2 $0x0  }
0x1d: {  	s5 =	simm.s32 @p1 $0x1;
	p0 =	seq.s32 s7, s2  }
0x1e: {  	s7 =	smul.u32 @!p0 $0xF7A, s2;
	p2 =	seq.s32 @!p0 s5, $0x0  }
0x1f: {  	s9 =	smul.u32 $0xF7A, s1;
	s8 =	simm.s32 @!p0 $0x1BF5;
	p2 =	por !p2, p0  }
0x20: {  	[sflag:s8] =	ssyncset.s32 @!p0 $0xFFFFF086;
	s6 =	sadd.s32 @!p0 s3, s7;
	s7 =	simm.s32 @!p0 $0x108  }
0x21: {  	s3 =	sadd.s32 s3, s9;
	s6 =	sadd.s32 @!p0 $0x88, s6;
	s7 =	simm.s32 @p2 $0x1082  }
0x22: {  	[simem:s7], [sflag:s8] =	dma.local @!p0 [hbm:s6], $0xF7A  }
0x23: {  	s9 =	sor.u32 $0xD0000000, s2;
	s6 =	simm.s32 $0x108;
	_ =	swait.ge @!p0 [sflag:s8], $0x0  }
0x24: {  	s3 =	sadd.s32 $0x88, s3;
	s6 =	simm.s32 @!p1 $0x1082;
	[sflag:s4] =	ssyncset.s32 $0xFFFFF086  }
0x25: {  	[simem:s6], [sflag:s4] =	dma.local [hbm:s3], $0xF7A  }
0x26: {  	[smem:$0x3F94] =	sst s1;
	(tag) =	ssettag s2;
	_ =	strace s9  }
0x27: {  	s1 =	sld [smem:$0x3FA4]  }
0x28: {  	s2 =	sld [smem:$0x3FA5]  }
0x29: {  	s4 =	sld [smem:$0x3FA7]  }
0x2a: {  	p0 =	seq.s32 s5, $0x0;
	s5 =	sld [smem:$0x3FA8]  }
0x2b: {  	s6 =	sld [smem:$0x3FA9]  }
0x2c: {  	s7 =	sld [smem:$0x3FAA]  }
0x2d: {  	s3 =	simm.s32 $0x108;
	s8 =	sld [smem:$0x3FAB]  }
0x2e: {  	s3 =	simm.s32 @!p0 $0x1082;
	s9 =	sld [smem:$0x3FAC]  }
0x2f: {  	lr =	sadd.s32 s0, s3;
	s0 =	sld [smem:$0x3FA3]  }
0x30: {  	s3 =	sld [smem:$0x3FA6]  }
0x31: {  	[smem:$0x3FAF] =	sst s10  }
0x32: {  	s10 =	sld [smem:$0x3FAD];
	_ =	sdelay $0x3  }
0x33: {  	p0 =	seq.s32 s10, $0x1;
	s10 =	sld [smem:$0x3FAF];
	_ =	sdelay $0x3  }
0x34: {  	[smem:$0x3FAF] =	sst s10  }
0x35: {  	s10 =	sld [smem:$0x3FAE];
	_ =	sdelay $0x3  }
0x36: {  	p1 =	seq.s32 s10, $0x1;
	s10 =	sld [smem:$0x3FAF];
	_ =	sdelay $0x3  }
0x37: {  	[smem:$0x3FAF] =	sst s10  }
0x38: {  	s10 =	sld [smem:$0x3FB0]  }
0x39: {  	_ = 	snop;
	(pc) =	sbr.ind lr, $3  }
0x3a: {  	_ = 	snop  }
0x3b: {  	_ = 	snop  }
0x3c: {  	p2 =	seq.s32 s10, $0x1;
	s10 =	sld [smem:$0x3FAF]  }
0x3d: {  	_ =	shalt  }
0x3e: {  	_ =	shalt  }
0x3f: {  	_ =	shalt  }
0x40: {  	_ =	shalt  }
0x41: {  	_ =	shalt  }
0x42: {  	_ =	shalt  }
0x43: {  	_ =	shalt  }
0x44: {  	_ =	shalt  }
0x45: {  	_ =	shalt  }
0x46: {  	_ =	shalt  }
0x47: {  	_ =	shalt  }
0x48: {  	_ =	shalt  }
0x49: {  	_ =	shalt  }
0x4a: {  	_ =	shalt  }
0x4b: {  	_ =	shalt  }
0x4c: {  	_ =	shalt  }
0x4d: {  	_ =	shalt  }
0x4e: {  	_ =	shalt  }
0x4f: {  	_ =	shalt  }
0x50: {  	_ =	shalt  }
0x51: {  	_ =	shalt  }
0x52: {  	_ =	shalt  }
0x53: {  	_ =	shalt  }
0x54: {  	_ =	shalt  }
0x55: {  	_ =	shalt  }
0x56: {  	_ =	shalt  }
0x57: {  	_ =	shalt  }
0x58: {  	_ =	shalt  }
0x59: {  	_ =	shalt  }
0x5a: {  	_ =	shalt  }
0x5b: {  	_ =	shalt  }
0x5c: {  	_ =	shalt  }
0x5d: {  	_ =	shalt  }
0x5e: {  	_ =	shalt  }
0x5f: {  	_ =	shalt  }
0x60: {  	_ =	shalt  }
0x61: {  	_ =	shalt  }
0x62: {  	_ =	shalt  }
0x63: {  	_ =	shalt  }
0x64: {  	_ =	shalt  }
0x65: {  	_ =	shalt  }
0x66: {  	_ =	shalt  }
0x67: {  	_ =	shalt  }
0x68: {  	_ =	shalt  }
0x69: {  	_ =	shalt  }
0x6a: {  	_ =	shalt  }
0x6b: {  	_ =	shalt  }
0x6c: {  	_ =	shalt  }
0x6d: {  	_ =	shalt  }
0x6e: {  	_ =	shalt  }
0x6f: {  	_ =	shalt  }
0x70: {  	_ =	shalt  }
0x71: {  	_ =	shalt  }
0x72: {  	_ =	shalt  }
0x73: {  	_ =	shalt  }
0x74: {  	_ =	shalt  }
0x75: {  	_ =	shalt  }
0x76: {  	_ =	shalt  }
0x77: {  	_ =	shalt  }
0x78: {  	_ =	shalt  }
0x79: {  	_ =	shalt  }
0x7a: {  	_ =	shalt  }
0x7b: {  	_ =	shalt  }
0x7c: {  	_ =	shalt  }
0x7d: {  	_ =	shalt  }
0x7e: {  	_ =	shalt  }
0x7f: {  	_ =	shalt  }
0x80: {  	_ =	shalt  }
0x81: {  	_ =	shalt  }
0x82: {  	_ =	shalt  }
0x83: {  	_ =	shalt  }
0x84: {  	_ =	shalt  }
0x85: {  	_ =	shalt  }
0x86: {  	_ =	shalt  }
0x87: {  	_ =	shalt  }
.Lfunc_end0:
.L_simem_size_0:
called_computation.1_lowered:
.L_overlay_start_0:
0x88: {  	s2 =	sld [smem:$0x3FD9]  }
0x89: {  	s3 =	sld [smem:$0x3FFE];
	_ =	sdelay $0x1  }
0x8a: {  	s1 =	srdreg.scid  }
0x8b: {  	s0 =	sand.u32 $0x1, s1  }
0x8c: {  	s17 =	sshll.u32 s0, $0xA;
	s2 =	sadd.s32 s3, s2  }
0x8d: {  	s2 =	sadd.s32 s2, s17  }
0x8e: {  	[smem:$0x3FBB] =	sst s2  }
0x8f: {  	_ = 	snop  }
0x90: {  	s2 =	sld [smem:$0x3FD0];
	(tm) =	ssettm $0x1  }
0x91: {  	s18 =	sld [smem:$0x3FFB];
	_ =	sdelay $0x3  }
0x92: {  	_ =	strace s18  }
0x93: {  	s3 =	sld [smem:$0x3FFC];
	_ =	sdelay $0x3  }
0x94: {  	_ =	strace s3  }
0x95: {  	s3 =	sld [smem:$0x3FFD];
	_ =	sdelay $0x3  }
0x96: {  	_ =	strace s3  }
0x97: {  	_ =	strace $0x8FFFFFFF  }
0x98: {  	s19 =	sld [smem:$0x3FDB];
	_ =	sdelay $0x1  }
0x99: {  	s4 =	simm.s32 $_scs_section_size  }
0x9a: {  	s5 =	simm.s32 $_size__tile_overlayer_lowered;
	s6 =	simm.s32 $_tile_overlayer_lowered  }
0x9b: {  	s22 =	simm.s32 $0x1BFF;
	s21 =	sshll.u32 s6, $0x1;
	s3 =	sadd.s32 s4, s19  }
0x9c: {  	s7 =	simm.s32 $0x0;
	s20 =	sshll.u32 s5, $0x1;
	s5 =	sadd.s32 s21, s3  }
0x9d: {  	[timem:s7], [sflag:s22] =	dma.local [hbm:s5], s20  }
0x9e: {  	_ =	swait.ge [sflag:s22], s20  }
0x9f: {  	s4 =	ssub.s32 $0x0, s20;
	[sflag:s22] =	ssyncset.done $0x0  }
0xa0: {  	[sflag:s22] =	ssyncadd.s32 s4;
	_ =	sdelay $0x1  }
0xa1: {  	s23 =	simm.s32 $0x1B8B  }
0xa2: {  	_ =	swait.ge [sflag:s23], $0x1  }
0xa3: {  	[sflag:s23] =	ssyncset.done $0x0  }
0xa4: {  	s25 =	simm.s32 $0x1B8E;
	s24 =	sld [smem:$0x3FFE];
	[sflag:s23] =	ssyncadd.s32 $0xFFFFFFFF  }
0xa5: {  	s26 =	simm.s32 $execute0_lowered;
	[smem:$0x3FD2] =	sst s25  }
0xa6: {  	s5 =	sshll.u32 s26, $0x1;
	_ =	strace $0x80000049;
	[dreg:$0x1] =	wrdreg $0xFFFFFFFF  }
0xa7: {  	s28 =	simm.s32 $_size_execute0_lowered;
	s3 =	sadd.s32 s3, s5;
	[dreg:$0x0] =	wrdreg $0x0  }
0xa8: {  	s5 =	sshll.u32 s28, $0x1;
	[dreg:$0x2] =	wrdreg s3  }
0xa9: {  	[dreg:$0x3] =	wrdreg s5  }
0xaa: {  	[dreg:$0x4] =	wrdreg $0xC0  }
0xab: {  	_ =	task [dreg:s7], $0x5FFFF  }
0xac: {  	[dreg:$0x1] =	wrdreg $0xFFFFFFFF  }
0xad: {  	[dreg:$0x0] =	wrdreg $0x60  }
0xae: {  	[dreg:$0x2] =	wrdreg s24  }
0xaf: {  	[dreg:$0x3] =	wrdreg s2  }
0xb0: {  	[dreg:$0x4] =	wrdreg $0x0  }
0xb1: {  	[dreg:$0x5] =	wrdreg $0x9  }
0xb2: {  	_ =	task.clear_ibuf [dreg:s7], $0x6FFFF;
	_ =	strace $0x90000049  }
0xb3: {  	s29 =	simm.s32 $0x9;
	_ =	strace $0x8000004B  }
0xb4: {  	_ =	swait.ge [sflag:s29], $0x1  }
0xb5: {  	[sflag:s29] =	ssyncadd.s32 $0xFFFFFFFF  }
0xb6: {  	_ =	strace $0x9000004B  }
0xb7: {  	_ =	sfence  }
0xb8: {  	s30 =	sld [smem:$0x0];
	_ =	sdelay $0x2  }
0xb9: {  	s31 =	sshll.u32 s1, $0xD;
	s1 =	sshrl.u32 s1, $0x2  }
0xba: {  	s3 =	sand.u32 $0x4000, s31;
	s1 =	sadd.s32 s1, s30  }
0xbb: {  	s0 =	sor.u32 s3, s0;
	s1 =	sshll.u32 s1, $0x11  }
0xbc: {  	s0 =	sor.u32 s1, s0  }
0xbd: {  	s0 =	sadd.s32 $0x8F2B, s0  }
0xbe: {  	[sflag:s0] =	ssyncadd.remote.s32 $0x1  }
0xbf: {  	_ =	sfence.sel $0xFFFF  }
0xc0: {  	[dreg:$0x0] =	wrdreg $0xFFFFFFFF;
	(pc) =	sbr.abs _section_cstart, $3  }
0xc1: {  	[dreg:$0x1] =	wrdreg $0xFFFFFFFF  }
0xc2: {  	_ =	task.clear_ibuf [dreg:s7], $0x2FFFF;
	_ =	strace $0x9FFFFFFF  }
0xc3: {  	(tm) =	ssettm $0x7FFFFFFF  }
tec
execute0_lowered:
.L_overlay_start_1:
0x0: {  	(tag) =	ssettag $0x1  }
0x1: {  	s0 =	srdreg.scid  }
0x2: {  	s3 =	rddreg [dreg:$0x0];
	s21 =	stileid.u32  }
0x3: {  	s1 =	simm.s32 $0x0;
	s0 =	sand.u32 $0x1, s0;
	s4 =	smul.u32 $0x16800, s21  }
0x4: {  	[smem:$0x7FF] =	sst s1;
	s6 =	sadd.s32 $0x8EC00, s3;
	s2 =	ssub.s32 $0x2, s0  }
0x5: {  	s9 =	smul.u32 $0x168000, s0;
	p0 =	seq.s32 s0, $0x0;
	s30 =	sshll.u32 s0, $0x5  }
0x6: {  	s0 =	simm.s32 $0x19400;
	s5 =	sshrl.u32 s2, $0x1;
	s7 =	sadd.s32 $0x4800, s4  }
0x7: {  	s8 =	sadd.s32 $0x6C00, s4;
	s10 =	sadd.s32 $0x9000, s4;
	s11 =	sadd.s32 $0xB400, s4  }
0x8: {  	s12 =	sadd.s32 $0xD800, s4;
	s14 =	sadd.s32 $0xFC00, s4;
	s19 =	sadd.s32 $0x12000, s4  }
0x9: {  	s20 =	sadd.s32 $0x14400, s4;
	s2 =	ssub.s32 s2, s5;
	s5 =	sadd.s32 $0x2400, s4  }
0xa: {  	s13 =	sadd.s32 s4, s9;
	s15 =	sadd.s32 s9, s7;
	s16 =	sadd.s32 s9, s8  }
0xb: {  	s17 =	sadd.s32 s9, s11;
	s18 =	sadd.s32 s9, s12;
	s24 =	sadd.s32 s9, s14  }
0xc: {  	s13 =	sshrl.u32 s13, $0x3;
	s25 =	sadd.s32 s9, s5;
	s15 =	sshrl.u32 s15, $0x3  }
0xd: {  	s23 =	sshrl.u32 s18, $0x3;
	s18 =	sadd.s32 $0x7A400, s3;
	s13 =	sadd.s32 s6, s13  }
0xe: {  	s26 =	sadd.s32 s6, s15;
	s15 =	sshrl.u32 s16, $0x3;
	[dreg:$0x4] =	wrdreg s13  }
0xf: {  	s16 =	sadd.s32 s9, s10;
	s13 =	sshrl.u32 s25, $0x3;
	[dreg:$0x6] =	wrdreg s26  }
0x10: {  	s25 =	sadd.s32 s9, s19;
	s9 =	sadd.s32 s9, s20;
	s13 =	sadd.s32 s6, s13  }
0x11: {  	s9 =	sshrl.u32 s9, $0x3;
	[dreg:$0x5] =	wrdreg s13;
	s13 =	sadd.s32 s6, s15  }
0x12: {  	s15 =	sshrl.u32 s17, $0x3;
	s17 =	sadd.s32 $0x84800, s3;
	[dreg:$0x7] =	wrdreg s13  }
0x13: {  	s13 =	sshrl.u32 s16, $0x3;
	s22 =	sadd.s32 s6, s15;
	s15 =	sshrl.u32 s25, $0x3  }
0x14: {  	s16 =	sadd.s32 $0x66400, s3;
	s13 =	sadd.s32 s6, s13;
	[dreg:$0x9] =	wrdreg s22  }
0x15: {  	s26 =	sadd.s32 s6, s15;
	[dreg:$0x8] =	wrdreg s13;
	s13 =	sadd.s32 s6, s23  }
0x16: {  	s15 =	sadd.s32 $0x34400, s3;
	[dreg:$0xa] =	wrdreg s13;
	s13 =	sshrl.u32 s24, $0x3  }
0x17: {  	[dreg:$0xc] =	wrdreg s26;
	s24 =	smax.u32 s2, $0x1;
	s13 =	sadd.s32 s6, s13  }
0x18: {  	s2 =	simm.s32 $0x16800;
	s6 =	sadd.s32 s6, s9;
	[dreg:$0xb] =	wrdreg s13  }
0x19: {  	s13 =	sadd.s32 $0x2400, s3;
	[dreg:$0xd] =	wrdreg s6;
	s6 =	sadd.s32 $0x70400, s3  }
0x1a: {  	s3 =	simm.s32 $0x16A00;
	s13 =	smov.u32 @p0 s15;
	s15 =	rddreg [dreg:$0x2]  }
0x1b: {  	s16 =	smov.u32 @p0 s6;
	_ =	strace $0x8000004A;
	[dreg:$0x12] =	wrdreg s24  }
0x1c: {  	s6 =	simm.s32 $0x1B800;
	s22 =	sadd.s32 s4, s15;
	s31 =	sadd.s32 s5, s15  }
0x1d: {  	s7 =	sadd.s32 s7, s15;
	s9 =	sadd.s32 s8, s15;
	s10 =	sadd.s32 s10, s15  }
0x1e: {  	s23 =	sadd.s32 s11, s15;
	s25 =	sadd.s32 s12, s15;
	s26 =	sadd.s32 s14, s15  }
0x1f: {  	s28 =	sadd.s32 s19, s15;
	s29 =	sadd.s32 s20, s15;
	[dreg:$0xe] =	wrdreg s7  }
0x20: {  	s11 =	smul.u32 $0x5200, s21;
	s12 =	simm.s32 $0x3;
	[dreg:$0xf] =	wrdreg s9  }
0x21: {  	v0 =	vimm.f32 $0.0e+00;
	vm0 =	vcmask $0x300;
	vm1 =	vcmask $0x704;
	s4 =	simm.s32 $0x40;
	s5 =	simm.s32 $0x16C00;
	[dreg:$0x10] =	wrdreg s10  }
0x22: {  	v1 =	vsel vm0, $0x3F800000, v0;
	v2 =	vsel vm1, $0x3F800000, v0;
	s8 =	simm.s32 $0x2;
	[dreg:$0x11] =	wrdreg s23;
	s7 =	simm.s32 $0x1  }
.LBB2_1:
0x23: {  	s9 =	simm.s32 $0x1;
	[tilespmem:s0+$0x0] =	vst v0;
	s10 =	simm.s32 $0x19400  }
.LBB2_2:
0x24: {  	p0 =	sne.s32 s9, $0x23F  }
.Ltmp0:
0x25: {  	_ = 	snop;
	(pc) =	sbr.rel @p0 .LBB2_2-.Ltmp0, $3  }
0x26: {  	_ =	sdelay $0x1  }
0x27: {  	s9 =	sadd.s32 $0x1, s9;
	s10 =	sadd.s32 $0x10, s10  }
0x28: {  	[tilespmem:s10+$0x0] =	vst v0  }
0x29: {  	[spmem:s22] =	stream.linear.scatter [tilespmem:s0], [sflag:$0x3], $0x2400, $0x38;
	[tilespmem:$0x1C080] =	vst v63  }
0x2a: {  	_ =	swait.ge [sflag:s12], $0x2400  }
0x2b: {  	[sflag:s12] =	ssyncset.done $0x0  }
0x2c: {  	[sflag:s12] =	ssyncadd.s32 $0xFFFFDC00  }
0x2d: {  	[spmem:s31] =	stream.linear.scatter [tilespmem:s0], [sflag:$0x3], $0x2400, $0x38;
	[tilespmem:$0x1C080] =	vst v63  }
0x2e: {  	_ =	swait.ge [sflag:s12], $0x2400  }
0x2f: {  	[sflag:s12] =	ssyncset.done $0x0  }
0x30: {  	s9 =	rddreg [dreg:$0xe];
	[sflag:s12] =	ssyncadd.s32 $0xFFFFDC00  }
0x31: {  	[spmem:s9] =	stream.linear.scatter [tilespmem:s0], [sflag:$0x3], $0x2400, $0x38;
	[tilespmem:$0x1C080] =	vst v63  }
0x32: {  	_ =	swait.ge [sflag:s12], $0x2400  }
0x33: {  	[sflag:s12] =	ssyncset.done $0x0  }
0x34: {  	s21 =	rddreg [dreg:$0xf];
	[sflag:s12] =	ssyncadd.s32 $0xFFFFDC00  }
0x35: {  	[spmem:s21] =	stream.linear.scatter [tilespmem:s0], [sflag:$0x3], $0x2400, $0x38;
	[tilespmem:$0x1C080] =	vst v63  }
0x36: {  	_ =	swait.ge [sflag:s12], $0x2400  }
0x37: {  	[sflag:s12] =	ssyncset.done $0x0  }
0x38: {  	s23 =	smov.u32 s22;
	s22 =	rddreg [dreg:$0x10];
	[sflag:s12] =	ssyncadd.s32 $0xFFFFDC00  }
0x39: {  	[spmem:s22] =	stream.linear.scatter [tilespmem:s0], [sflag:$0x3], $0x2400, $0x38;
	[tilespmem:$0x1C080] =	vst v63  }
0x3a: {  	_ =	swait.ge [sflag:s12], $0x2400  }
0x3b: {  	[sflag:s12] =	ssyncset.done $0x0  }
0x3c: {  	s24 =	smov.u32 s31;
	s31 =	rddreg [dreg:$0x11];
	[sflag:s12] =	ssyncadd.s32 $0xFFFFDC00  }
0x3d: {  	[spmem:s31] =	stream.linear.scatter [tilespmem:s0], [sflag:$0x3], $0x2400, $0x38;
	[tilespmem:$0x1C080] =	vst v63  }
0x3e: {  	_ =	swait.ge [sflag:s12], $0x2400  }
0x3f: {  	[sflag:s12] =	ssyncset.done $0x0  }
0x40: {  	[sflag:s12] =	ssyncadd.s32 $0xFFFFDC00  }
0x41: {  	[spmem:s25] =	stream.linear.scatter [tilespmem:s0], [sflag:$0x3], $0x2400, $0x38;
	[tilespmem:$0x1C080] =	vst v63  }
0x42: {  	_ =	swait.ge [sflag:s12], $0x2400  }
0x43: {  	[sflag:s12] =	ssyncset.done $0x0  }
0x44: {  	[sflag:s12] =	ssyncadd.s32 $0xFFFFDC00  }
0x45: {  	[spmem:s26] =	stream.linear.scatter [tilespmem:s0], [sflag:$0x3], $0x2400, $0x38;
	[tilespmem:$0x1C080] =	vst v63  }
0x46: {  	_ =	swait.ge [sflag:s12], $0x2400  }
0x47: {  	[sflag:s12] =	ssyncset.done $0x0  }
0x48: {  	[sflag:s12] =	ssyncadd.s32 $0xFFFFDC00  }
0x49: {  	[spmem:s28] =	stream.linear.scatter [tilespmem:s0], [sflag:$0x3], $0x2400, $0x38;
	[tilespmem:$0x1C080] =	vst v63  }
0x4a: {  	_ =	swait.ge [sflag:s12], $0x2400  }
0x4b: {  	[sflag:s12] =	ssyncset.done $0x0  }
0x4c: {  	[sflag:s12] =	ssyncadd.s32 $0xFFFFDC00  }
0x4d: {  	[spmem:s29] =	stream.linear.scatter [tilespmem:s0], [sflag:$0x3], $0x2400, $0x38;
	[tilespmem:$0x1C080] =	vst v63  }
0x4e: {  	_ =	swait.ge [sflag:s12], $0x2400  }
0x4f: {  	[sflag:s12] =	ssyncset.done $0x0  }
0x50: {  	[sflag:s12] =	ssyncadd.s32 $0xFFFFDC00  }
0x51: {  	s14 =	simm.s32 $0x1C000;
	s9 =	simm.s32 $0x0;
	s10 =	rddreg [dreg:$0x1]  }
0x52: {  	[tilespmem:s14], [sflag:$0x3] =	stream.linear.gather [hbm4b:s10+s9], $0x80, $0x38;
	[tilespmem:$0x1C080] =	vst v63  }
0x53: {  	_ =	swait.ge [sflag:s12], $0x80  }
0x54: {  	[sflag:s12] =	ssyncset.done $0x0  }
0x55: {  	[sflag:s12] =	ssyncadd.s32 $0xFFFFFF80  }
0x56: {  	v3 =	vld [tilespmem:s30+$0x1C000]  }
0x57: {  	s10 =	simm.s32 $0x0;
	v4 =	vld [tilespmem:s30+$0x1C010];
	[bflag:$0x0] =	sbarrier.arrive $0xFFFF  }
.LBB2_4:
0x58: {  	s14 =	sshll.u32 s10, $0x9  }
0x59: {  	s14 =	sadd.s32 s11, s14  }
0x5a: {  	s14 =	sshrl.u32 s14, $0x3  }
0x5b: {  	s19 =	sadd.s32 s17, s14  }
0x5c: {  	[tilespmem:s2], [sflag:$0x3] =	stream.linear.gather [hbm4b:s19+s9], $0x200, $0x38;
	[tilespmem:$0x1C080] =	vst v63  }
0x5d: {  	_ =	swait.ge [sflag:s12], $0x200  }
0x5e: {  	[sflag:s12] =	ssyncset.done $0x0  }
0x5f: {  	s14 =	sadd.s32 s18, s14;
	[sflag:s12] =	ssyncadd.s32 $0xFFFFFE00  }
0x60: {  	[tilespmem:s3], [sflag:$0x3] =	stream.linear.gather [hbm4b:s14+s9], $0x200, $0x38;
	[tilespmem:$0x1C080] =	vst v63  }
0x61: {  	_ =	swait.ge [sflag:s12], $0x200  }
0x62: {  	[sflag:s12] =	ssyncset.done $0x0  }
0x63: {  	s14 =	simm.s32 $0x0;
	[sflag:s12] =	ssyncadd.s32 $0xFFFFFE00  }
.LBB2_5:
0x64: {  	s31 =	sshll.u32 s14, $0x6  }
0x65: {  	s19 =	sadd.s32 $0x16800, s31  }
0x66: {  	[tilespmem:s5], [sflag:$0x1] =	stream.indirect.gather [hbm4b:s13+s4], $0xA0, s19, s4, $0xb8;
	[tilespmem:$0x1C080] =	vst v63  }
0x67: {  	s22 =	sadd.s32 $0x16A00, s31  }
0x68: {  	[tilespmem:s6], [sflag:$0x2] =	stream.indirect.gather [hbm4b:s16+s4], $0x20, s22, s4, $0xb8;
	[tilespmem:$0x1C080] =	vst v63  }
0x69: {  	_ =	swait.ge [sflag:s7], $0x2800  }
0x6a: {  	[sflag:s7] =	ssyncset.done $0x0  }
0x6b: {  	[sflag:s7] =	ssyncadd.s32 $0xFFFFD800  }
0x6c: {  	_ =	swait.ge [sflag:s8], $0x800  }
0x6d: {  	[sflag:s8] =	ssyncset.done $0x0  }
0x6e: {  	s19 =	simm.s32 $0x16C50;
	[sflag:s8] =	ssyncadd.s32 $0xFFFFF800  }
0x6f: {  	s21 =	simm.s32 $0x0;
	v5 =	vld [tilespmem:s19+$0x30]  }
0x70: {  	v6 =	vld [tilespmem:s21+$0x1B800];
	_ =	sdelay $0x4  }
0x71: {  	v5 =	vadd.f32 v6, v5;
	_ =	sdelay $0x1  }
0x72: {  	v6 =	vmul.f32 $2.000000030e-01, v5;
	_ =	sdelay $0x1  }
0x73: {  	v5 =	vmax.f32 v5, v6  }
0x74: {  	v5 =	vsub.f32 v5, v3;
	_ =	sdelay $0x1  }
0x75: {  	v5 =	vmul.f32 $1.442695020e+00, v5;
	_ =	sdelay $0x1  }
0x76: {  	(erf) = vpow2.f32 v5;
	_ =	sdelay $0x4  }
0x77: {  	v5 =	vld [tilespmem:s19+$0xFFFFFFB0];
	_ =	sdelay $0x3  }
0x78: {  	v6 =	vpop (erf)  }
0x79: {  	v5 =	vmul.f32 v6, v5  }
0x7a: {  	s20 =	simm.s32 $0x19440;
	v7 =	vld [tilespmem:s19+$0x40]  }
0x7b: {  	v8 =	vld [tilespmem:s21+$0x1B810];
	[tilespmem:s20+$0xFFFFFFC0] =	vst v5  }
0x7c: {  	v5 =	vld [tilespmem:s19+$0xFFFFFFC0];
	_ =	sdelay $0x4  }
0x7d: {  	v5 =	vmul.f32 v6, v5;
	_ =	sdelay $0x1  }
0x7e: {  	[tilespmem:s20+$0xFFFFFFD0] =	vst v5  }
0x7f: {  	v5 =	vld [tilespmem:s19+$0xFFFFFFD0];
	_ =	sdelay $0x1  }
0x80: {  	v7 =	vadd.f32 v8, v7;
	_ =	sdelay $0x1  }
0x81: {  	v8 =	vmul.f32 $2.000000030e-01, v7  }
0x82: {  	v5 =	vmul.f32 v6, v5  }
0x83: {  	v7 =	vmax.f32 v7, v8  }
0x84: {  	v7 =	vsub.f32 v7, v4;
	[tilespmem:s20+$0xFFFFFFE0] =	vst v5  }
0x85: {  	v5 =	vld [tilespmem:s19+$0xFFFFFFE0]  }
0x86: {  	v7 =	vmul.f32 $1.442695020e+00, v7;
	_ =	sdelay $0x1  }
0x87: {  	(erf) = vpow2.f32 v7;
	_ =	sdelay $0x1  }
0x88: {  	v5 =	vmul.f32 v5, v6;
	_ =	sdelay $0x1  }
0x89: {  	[tilespmem:s20+$0xFFFFFFF0] =	vst v5  }
0x8a: {  	v5 =	vld [tilespmem:s19+$0xFFFFFFF0];
	_ =	sdelay $0x3  }
0x8b: {  	v7 =	vpop (erf)  }
0x8c: {  	v5 =	vmul.f32 v5, v7;
	_ =	sdelay $0x1  }
0x8d: {  	[tilespmem:s20+$0x0] =	vst v5  }
0x8e: {  	v5 =	vld [tilespmem:s19+$0x0];
	_ =	sdelay $0x4  }
0x8f: {  	v5 =	vmul.f32 v5, v7;
	_ =	sdelay $0x1  }
0x90: {  	[tilespmem:s20+$0x10] =	vst v5  }
0x91: {  	v5 =	vld [tilespmem:s19+$0x10];
	_ =	sdelay $0x4  }
0x92: {  	v5 =	vmul.f32 v5, v7;
	_ =	sdelay $0x1  }
0x93: {  	[tilespmem:s20+$0x20] =	vst v5  }
0x94: {  	v5 =	vld [tilespmem:s19+$0x20]  }
0x95: {  	v63 =	vmul.f32 v2, v7;
	v6 =	vmul.f32 v1, v6;
	_ =	sdelay $0x1  }
0x96: {  	v6 =	vadd.f32 v63, v6;
	_ =	sdelay $0x1  }
0x97: {  	s21 =	simm.s32 $0x80;
	[tilespmem:s20+$0x40] =	vst v6;
	v5 =	vmul.f32 v5, v7  }
.LBB2_6:
0x98: {  	_ = 	snop  }
0x99: {  	p0 =	sne.s32 s21, $0x1F80;
	s19 =	sadd.s32 $0xA0, s19;
	[tilespmem:s20+$0x30] =	vst v5;
	s20 =	sadd.s32 $0x90, s20  }
0x9a: {  	s22 =	sshra.s32 s21, $0x2;
	s21 =	sadd.s32 $0x80, s21;
	v5 =	vld [tilespmem:s19+$0x30]  }
0x9b: {  	v6 =	vld [tilespmem:s22+$0x1B800];
	_ =	sdelay $0x4  }
0x9c: {  	v5 =	vadd.f32 v6, v5;
	_ =	sdelay $0x1  }
0x9d: {  	v6 =	vmul.f32 $2.000000030e-01, v5;
	_ =	sdelay $0x1  }
0x9e: {  	v5 =	vmax.f32 v5, v6  }
0x9f: {  	v5 =	vsub.f32 v5, v3;
	_ =	sdelay $0x1  }
0xa0: {  	v5 =	vmul.f32 $1.442695020e+00, v5;
	_ =	sdelay $0x1  }
0xa1: {  	(erf) = vpow2.f32 v5;
	_ =	sdelay $0x4  }
0xa2: {  	v5 =	vld [tilespmem:s19+$0xFFFFFFB0];
	_ =	sdelay $0x3  }
0xa3: {  	v6 =	vpop (erf)  }
0xa4: {  	v7 =	vld [tilespmem:s19+$0x40];
	v5 =	vmul.f32 v6, v5  }
0xa5: {  	v8 =	vld [tilespmem:s22+$0x1B810]  }
0xa6: {  	[tilespmem:s20+$0xFFFFFFC0] =	vst v5  }
0xa7: {  	v5 =	vld [tilespmem:s19+$0xFFFFFFC0];
	_ =	sdelay $0x2  }
0xa8: {  	v7 =	vadd.f32 v8, v7;
	_ =	sdelay $0x1  }
0xa9: {  	v8 =	vmul.f32 $2.000000030e-01, v7;
	v5 =	vmul.f32 v6, v5;
	_ =	sdelay $0x1  }
0xaa: {  	v7 =	vmax.f32 v7, v8;
	[tilespmem:s20+$0xFFFFFFD0] =	vst v5  }
0xab: {  	v5 =	vsub.f32 v7, v4;
	v7 =	vld [tilespmem:s19+$0xFFFFFFD0];
	_ =	sdelay $0x4  }
0xac: {  	v7 =	vmul.f32 v6, v7;
	_ =	sdelay $0x1  }
0xad: {  	[tilespmem:s20+$0xFFFFFFE0] =	vst v7  }
0xae: {  	v7 =	vld [tilespmem:s19+$0xFFFFFFE0]  }
0xaf: {  	v5 =	vmul.f32 $1.442695020e+00, v5;
	_ =	sdelay $0x1  }
0xb0: {  	(erf) = vpow2.f32 v5;
	_ =	sdelay $0x1  }
0xb1: {  	v5 =	vmul.f32 v7, v6;
	_ =	sdelay $0x1  }
0xb2: {  	[tilespmem:s20+$0xFFFFFFF0] =	vst v5  }
0xb3: {  	v5 =	vld [tilespmem:s19+$0xFFFFFFF0];
	_ =	sdelay $0x3  }
0xb4: {  	v7 =	vpop (erf)  }
0xb5: {  	v5 =	vmul.f32 v5, v7;
	v8 =	vmul.f32 v2, v7;
	_ =	sdelay $0x1  }
0xb6: {  	[tilespmem:s20+$0x0] =	vst v5  }
0xb7: {  	v5 =	vld [tilespmem:s19+$0x0];
	_ =	sdelay $0x4  }
0xb8: {  	v5 =	vmul.f32 v5, v7;
	_ =	sdelay $0x1  }
0xb9: {  	[tilespmem:s20+$0x10] =	vst v5  }
0xba: {  	v5 =	vld [tilespmem:s19+$0x10];
	_ =	sdelay $0x4  }
0xbb: {  	v6 =	vmul.f32 v1, v6;
	v5 =	vmul.f32 v5, v7;
	_ =	sdelay $0x1  }
0xbc: {  	[tilespmem:s20+$0x20] =	vst v5;
	v5 =	vadd.f32 v8, v6  }
0xbd: {  	v6 =	vld [tilespmem:s19+$0x20]  }
.Ltmp1:
0xbe: {  	[tilespmem:s20+$0x40] =	vst v5;
	(pc) =	sbr.rel @p0 .LBB2_6-.Ltmp1, $2  }
0xbf: {  	_ =	sdelay $0x2  }
0xc0: {  	v5 =	vmul.f32 v6, v7  }
0xc1: {  	s14 =	sadd.s32 $0x1, s14  }
0xc2: {  	s19 =	sand.u32 $0x3FFFFFC0, s31;
	p0 =	sne.s32 s14, $0x8  }
.Ltmp2:
0xc3: {  	[tilespmem:s20+$0x30] =	vst v5;
	s19 =	sadd.s32 $0x16A00, s19;
	(pc) =	sbr.rel @p0 .LBB2_5-.Ltmp2, $4  }
0xc4: {  	[spmem:s15] =	stream.indirect.scatter.add.f32 [tilespmem:s0], [sflag:$0x3], $0x90, s19, s4, $0xb8;
	[tilespmem:$0x1C080] =	vst v63  }
0xc5: {  	_ =	swait.ge [sflag:s12], $0x2400  }
0xc6: {  	[sflag:s12] =	ssyncset.done $0x0  }
0xc7: {  	[sflag:s12] =	ssyncadd.s32 $0xFFFFDC00  }
0xc8: {  	s10 =	sadd.s32 $0x1, s10  }
0xc9: {  	p0 =	sne.s32 s10, $0x29  }
.Ltmp3:
0xca: {  	_ = 	snop;
	(pc) =	sbr.rel @p0 .LBB2_4-.Ltmp3, $1  }
0xcb: {  	_ =	sdelay $0x3  }
0xcc: {  	s9 =	stileid.u32  }
0xcd: {  	[bflag:$0x0] =	sbarrier.arrive $0xFFFF;
	s9 =	sshll.u32 s9, $0x6  }
0xce: {  	s10 =	sshrl.u32 s23, $0x3;
	s14 =	rddreg [dreg:$0x4];
	s9 =	sor.u32 $0x1C03, s9  }
0xcf: {  	[hbm:s14], [sflag:s9] =	dma.local [spmem:s10], $0x480  }
0xd0: {  	_ =	swait.ge [sflag:s12], $0x480  }
0xd1: {  	s22 =	smov.u32 s23;
	s31 =	smov.u32 s24;
	[sflag:s12] =	ssyncset.done $0x0  }
0xd2: {  	s23 =	sshrl.u32 s24, $0x3;
	s24 =	rddreg [dreg:$0x5];
	[sflag:s12] =	ssyncadd.s32 $0xFFFFFB80  }
0xd3: {  	[hbm:s24], [sflag:s9] =	dma.local [spmem:s23], $0x480  }
0xd4: {  	_ =	swait.ge [sflag:s12], $0x480  }
0xd5: {  	[sflag:s12] =	ssyncset.done $0x0;
	s14 =	rddreg [dreg:$0xe]  }
0xd6: {  	s19 =	rddreg [dreg:$0x6];
	[sflag:s12] =	ssyncadd.s32 $0xFFFFFB80;
	s10 =	sshrl.u32 s14, $0x3  }
0xd7: {  	[hbm:s19], [sflag:s9] =	dma.local [spmem:s10], $0x480  }
0xd8: {  	_ =	swait.ge [sflag:s12], $0x480  }
0xd9: {  	[sflag:s12] =	ssyncset.done $0x0;
	s20 =	rddreg [dreg:$0xf]  }
0xda: {  	s21 =	rddreg [dreg:$0x7];
	[sflag:s12] =	ssyncadd.s32 $0xFFFFFB80;
	s10 =	sshrl.u32 s20, $0x3  }
0xdb: {  	[hbm:s21], [sflag:s9] =	dma.local [spmem:s10], $0x480  }
0xdc: {  	_ =	swait.ge [sflag:s12], $0x480  }
0xdd: {  	[sflag:s12] =	ssyncset.done $0x0;
	s23 =	rddreg [dreg:$0x10]  }
0xde: {  	s24 =	rddreg [dreg:$0x8];
	[sflag:s12] =	ssyncadd.s32 $0xFFFFFB80;
	s10 =	sshrl.u32 s23, $0x3  }
0xdf: {  	[hbm:s24], [sflag:s9] =	dma.local [spmem:s10], $0x480  }
0xe0: {  	_ =	swait.ge [sflag:s12], $0x480  }
0xe1: {  	[sflag:s12] =	ssyncset.done $0x0;
	s14 =	rddreg [dreg:$0x11]  }
0xe2: {  	s19 =	rddreg [dreg:$0x9];
	[sflag:s12] =	ssyncadd.s32 $0xFFFFFB80;
	s10 =	sshrl.u32 s14, $0x3  }
0xe3: {  	[hbm:s19], [sflag:s9] =	dma.local [spmem:s10], $0x480  }
0xe4: {  	_ =	swait.ge [sflag:s12], $0x480  }
0xe5: {  	[sflag:s12] =	ssyncset.done $0x0  }
0xe6: {  	s20 =	sshrl.u32 s25, $0x3;
	s21 =	rddreg [dreg:$0xa];
	[sflag:s12] =	ssyncadd.s32 $0xFFFFFB80  }
0xe7: {  	[hbm:s21], [sflag:s9] =	dma.local [spmem:s20], $0x480  }
0xe8: {  	_ =	swait.ge [sflag:s12], $0x480  }
0xe9: {  	[sflag:s12] =	ssyncset.done $0x0  }
0xea: {  	s23 =	sshrl.u32 s26, $0x3;
	s24 =	rddreg [dreg:$0xb];
	[sflag:s12] =	ssyncadd.s32 $0xFFFFFB80  }
0xeb: {  	[hbm:s24], [sflag:s9] =	dma.local [spmem:s23], $0x480  }
0xec: {  	_ =	swait.ge [sflag:s12], $0x480  }
0xed: {  	[sflag:s12] =	ssyncset.done $0x0  }
0xee: {  	s19 =	sshrl.u32 s28, $0x3;
	s20 =	rddreg [dreg:$0xc];
	[sflag:s12] =	ssyncadd.s32 $0xFFFFFB80  }
0xef: {  	[hbm:s20], [sflag:s9] =	dma.local [spmem:s19], $0x480  }
0xf0: {  	_ =	swait.ge [sflag:s12], $0x480  }
0xf1: {  	[sflag:s12] =	ssyncset.done $0x0  }
0xf2: {  	s21 =	sshrl.u32 s29, $0x3;
	s23 =	rddreg [dreg:$0xd];
	[sflag:s12] =	ssyncadd.s32 $0xFFFFFB80  }
0xf3: {  	[hbm:s23], [sflag:s9] =	dma.local [spmem:s21], $0x480  }
0xf4: {  	_ =	swait.ge [sflag:s12], $0x480  }
0xf5: {  	s1 =	sadd.s32 $0x1, s1;
	s24 =	rddreg [dreg:$0x12]  }
0xf6: {  	p0 =	sne.s32 s1, s24  }
.Ltmp4:
0xf7: {  	_ = 	snop;
	(pc) =	sbr.rel @p0 .LBB2_1-.Ltmp4, $3  }
0xf8: {  	_ =	sdelay $0x1  }
0xf9: {  	[sflag:s12] =	ssyncset.done $0x0  }
0xfa: {  	[sflag:s12] =	ssyncadd.s32 $0xFFFFFB80  }
0xfb: {  	_ =	sfence.sel $0x180000  }
0xfc: {  	[bflag:$0x0] =	sbarrier.arrive $0xFFFF  }
0xfd: {  	_ =	strace $0x9000004A  }
0xfe: {  	s0 =	stileid.u32;
	[bflag:$0x2] =	sbarrier.arrive $0xFFFF  }
0xff: {  	p0 =	sne.s32 s0, $0x0;
	s0 =	rddreg [dreg:$0x3]  }
0x100: {  	s0 =	sadd.s32 @!p0 $0x100000, s0  }
0x101: {  	[sflag:s0] =	ssyncadd.tile.s32 @!p0 $0x1;
	_ =	shalt  }
.Lfunc_end2:
_tile_overlayer_lowered:
.L_overlay_start_2:
0x102: {  	(tag) =	ssettag $0x2  }
0x103: {  	s0 =	rddreg [dreg:$0x0];
	s2 =	stileid.u32  }
0x104: {  	s1 =	rddreg [dreg:$0x1];
	p0 =	sne.s32 s2, $0x0  }
0x105: {  	s3 =	rddreg [dreg:$0x2];
	[bflag:$0x3] =	sbarrier.arrive $0xFFFF;
	s2 =	simm.s32 @!p0 $0x1C03  }
0x106: {  	[timem:s3], [sflag:s2] =	dma.local @!p0 [hbm:s0], s1  }
0x107: {  	s0 =	simm.s32 @!p0 $0x3  }
0x108: {  	_ =	swait.ge @!p0 [sflag:s0], s1  }
0x109: {  	s1 =	ssub.s32 @!p0 $0x0, s1;
	[sflag:s0] =	ssyncset.done @!p0 $0x0  }
0x10a: {  	[sflag:s0] =	ssyncadd.s32 @!p0 s1  }
0x10b: {  	[bflag:$0x3] =	sbarrier.arrive $0xFFFF  }
0x10c: {  	_ =	shalt  }

// kernel: kernel.7.cloned.1.call-start
scs
__scs_entry_jumppad:
0x0: {  	(pc) =	sbr.rel $0x88, $3  }
0x1: {  	(tag) =	ssettag $0x0;
	lr =	simm.s32 $0x1  }
0x2: {  	[smem:$0x3F94] =	sst lr;
	_ =	strace $0xD0000000  }
0x3: {  	_ = 	snop  }
0x4: {  	_ = 	snop  }
0x5: {  	_ = 	snop  }
0x6: {  	_ = 	snop  }
0x7: {  	_ = 	snop  }
__scs_overlays_trampoline_lowered:
0x8: {  	[smem:$0x3FA3] =	sst s0  }
0x9: {  	[smem:$0x3FA4] =	sst s1  }
0xa: {  	[smem:$0x3FA5] =	sst s2  }
0xb: {  	[smem:$0x3FA6] =	sst s3  }
0xc: {  	[smem:$0x3FA7] =	sst s4  }
0xd: {  	[smem:$0x3FA8] =	sst s5  }
0xe: {  	[smem:$0x3FA9] =	sst s6  }
0xf: {  	[smem:$0x3FAA] =	sst s7  }
0x10: {  	[smem:$0x3FAB] =	sst s8  }
0x11: {  	[smem:$0x3FAC] =	sst s9;
	s0 =	simm.s32 @!p0 $0x0  }
0x12: {  	s1 =	sld [smem:$0x3F92];
	s0 =	simm.s32 @p0 $0x1  }
0x13: {  	[smem:$0x3FAD] =	sst s0;
	s0 =	simm.s32 @!p1 $0x0  }
0x14: {  	s2 =	sld [smem:$0x3F91];
	s0 =	simm.s32 @p1 $0x1  }
0x15: {  	[smem:$0x3FAE] =	sst s0;
	s0 =	simm.s32 @!p2 $0x0  }
0x16: {  	s3 =	sld [smem:$0x3FDB];
	s0 =	simm.s32 @p2 $0x1  }
0x17: {  	s4 =	simm.s32 $0x1BF5;
	[smem:$0x3FB0] =	sst s0  }
0x18: {  	s0 =	sld [smem:$0x3F93];
	_ =	swait.ge [sflag:s4], $0x0  }
0x19: {  	s7 =	sld [smem:$0x3F94]  }
0x1a: {  	s8 =	sadd.s32 $0xFFFFE003, lr  }
0x1b: {  	s9 =	sadd.s32 $0xFFFFFEF7, lr;
	s5 =	simm.s32 $0xFFFFFFFF;
	p2 =	slt.u32 s8, $0xFFFFF086  }
0x1c: {  	p1 =	slt.u32 s9, $0xF7A;
	s5 =	simm.s32 @!p2 $0x0  }
0x1d: {  	s5 =	simm.s32 @p1 $0x1;
	p0 =	seq.s32 s7, s2  }
0x1e: {  	s7 =	smul.u32 @!p0 $0xF7A, s2;
	p2 =	seq.s32 @!p0 s5, $0x0  }
0x1f: {  	s9 =	smul.u32 $0xF7A, s1;
	s8 =	simm.s32 @!p0 $0x1BF5;
	p2 =	por !p2, p0  }
0x20: {  	[sflag:s8] =	ssyncset.s32 @!p0 $0xFFFFF086;
	s6 =	sadd.s32 @!p0 s3, s7;
	s7 =	simm.s32 @!p0 $0x108  }
0x21: {  	s3 =	sadd.s32 s3, s9;
	s6 =	sadd.s32 @!p0 $0x88, s6;
	s7 =	simm.s32 @p2 $0x1082  }
0x22: {  	[simem:s7], [sflag:s8] =	dma.local @!p0 [hbm:s6], $0xF7A  }
0x23: {  	s9 =	sor.u32 $0xD0000000, s2;
	s6 =	simm.s32 $0x108;
	_ =	swait.ge @!p0 [sflag:s8], $0x0  }
0x24: {  	s3 =	sadd.s32 $0x88, s3;
	s6 =	simm.s32 @!p1 $0x1082;
	[sflag:s4] =	ssyncset.s32 $0xFFFFF086  }
0x25: {  	[simem:s6], [sflag:s4] =	dma.local [hbm:s3], $0xF7A  }
0x26: {  	[smem:$0x3F94] =	sst s1;
	(tag) =	ssettag s2;
	_ =	strace s9  }
0x27: {  	s1 =	sld [smem:$0x3FA4]  }
0x28: {  	s2 =	sld [smem:$0x3FA5]  }
0x29: {  	s4 =	sld [smem:$0x3FA7]  }
0x2a: {  	p0 =	seq.s32 s5, $0x0;
	s5 =	sld [smem:$0x3FA8]  }
0x2b: {  	s6 =	sld [smem:$0x3FA9]  }
0x2c: {  	s7 =	sld [smem:$0x3FAA]  }
0x2d: {  	s3 =	simm.s32 $0x108;
	s8 =	sld [smem:$0x3FAB]  }
0x2e: {  	s3 =	simm.s32 @!p0 $0x1082;
	s9 =	sld [smem:$0x3FAC]  }
0x2f: {  	lr =	sadd.s32 s0, s3;
	s0 =	sld [smem:$0x3FA3]  }
0x30: {  	s3 =	sld [smem:$0x3FA6]  }
0x31: {  	[smem:$0x3FAF] =	sst s10  }
0x32: {  	s10 =	sld [smem:$0x3FAD];
	_ =	sdelay $0x3  }
0x33: {  	p0 =	seq.s32 s10, $0x1;
	s10 =	sld [smem:$0x3FAF];
	_ =	sdelay $0x3  }
0x34: {  	[smem:$0x3FAF] =	sst s10  }
0x35: {  	s10 =	sld [smem:$0x3FAE];
	_ =	sdelay $0x3  }
0x36: {  	p1 =	seq.s32 s10, $0x1;
	s10 =	sld [smem:$0x3FAF];
	_ =	sdelay $0x3  }
0x37: {  	[smem:$0x3FAF] =	sst s10  }
0x38: {  	s10 =	sld [smem:$0x3FB0]  }
0x39: {  	_ = 	snop;
	(pc) =	sbr.ind lr, $3  }
0x3a: {  	_ = 	snop  }
0x3b: {  	_ = 	snop  }
0x3c: {  	p2 =	seq.s32 s10, $0x1;
	s10 =	sld [smem:$0x3FAF]  }
0x3d: {  	_ =	shalt  }
0x3e: {  	_ =	shalt  }
0x3f: {  	_ =	shalt  }
0x40: {  	_ =	shalt  }
0x41: {  	_ =	shalt  }
0x42: {  	_ =	shalt  }
0x43: {  	_ =	shalt  }
0x44: {  	_ =	shalt  }
0x45: {  	_ =	shalt  }
0x46: {  	_ =	shalt  }
0x47: {  	_ =	shalt  }
0x48: {  	_ =	shalt  }
0x49: {  	_ =	shalt  }
0x4a: {  	_ =	shalt  }
0x4b: {  	_ =	shalt  }
0x4c: {  	_ =	shalt  }
0x4d: {  	_ =	shalt  }
0x4e: {  	_ =	shalt  }
0x4f: {  	_ =	shalt  }
0x50: {  	_ =	shalt  }
0x51: {  	_ =	shalt  }
0x52: {  	_ =	shalt  }
0x53: {  	_ =	shalt  }
0x54: {  	_ =	shalt  }
0x55: {  	_ =	shalt  }
0x56: {  	_ =	shalt  }
0x57: {  	_ =	shalt  }
0x58: {  	_ =	shalt  }
0x59: {  	_ =	shalt  }
0x5a: {  	_ =	shalt  }
0x5b: {  	_ =	shalt  }
0x5c: {  	_ =	shalt  }
0x5d: {  	_ =	shalt  }
0x5e: {  	_ =	shalt  }
0x5f: {  	_ =	shalt  }
0x60: {  	_ =	shalt  }
0x61: {  	_ =	shalt  }
0x62: {  	_ =	shalt  }
0x63: {  	_ =	shalt  }
0x64: {  	_ =	shalt  }
0x65: {  	_ =	shalt  }
0x66: {  	_ =	shalt  }
0x67: {  	_ =	shalt  }
0x68: {  	_ =	shalt  }
0x69: {  	_ =	shalt  }
0x6a: {  	_ =	shalt  }
0x6b: {  	_ =	shalt  }
0x6c: {  	_ =	shalt  }
0x6d: {  	_ =	shalt  }
0x6e: {  	_ =	shalt  }
0x6f: {  	_ =	shalt  }
0x70: {  	_ =	shalt  }
0x71: {  	_ =	shalt  }
0x72: {  	_ =	shalt  }
0x73: {  	_ =	shalt  }
0x74: {  	_ =	shalt  }
0x75: {  	_ =	shalt  }
0x76: {  	_ =	shalt  }
0x77: {  	_ =	shalt  }
0x78: {  	_ =	shalt  }
0x79: {  	_ =	shalt  }
0x7a: {  	_ =	shalt  }
0x7b: {  	_ =	shalt  }
0x7c: {  	_ =	shalt  }
0x7d: {  	_ =	shalt  }
0x7e: {  	_ =	shalt  }
0x7f: {  	_ =	shalt  }
0x80: {  	_ =	shalt  }
0x81: {  	_ =	shalt  }
0x82: {  	_ =	shalt  }
0x83: {  	_ =	shalt  }
0x84: {  	_ =	shalt  }
0x85: {  	_ =	shalt  }
0x86: {  	_ =	shalt  }
0x87: {  	_ =	shalt  }
.Lfunc_end0:
.L_simem_size_0:
called_computation_lowered:
.L_overlay_start_0:
0x88: {  	s2 =	sld [smem:$0x3FD9]  }
0x89: {  	s3 =	sld [smem:$0x3FFE];
	_ =	sdelay $0x1  }
0x8a: {  	s1 =	srdreg.scid  }
0x8b: {  	s0 =	sand.u32 $0x1, s1  }
0x8c: {  	s17 =	sshll.u32 s0, $0xA;
	s2 =	sadd.s32 s3, s2  }
0x8d: {  	s2 =	sadd.s32 s2, s17  }
0x8e: {  	[smem:$0x3FBB] =	sst s2  }
0x8f: {  	_ = 	snop  }
0x90: {  	s2 =	sld [smem:$0x3FD0];
	(tm) =	ssettm $0x1  }
0x91: {  	s18 =	sld [smem:$0x3FFB];
	_ =	sdelay $0x3  }
0x92: {  	_ =	strace s18  }
0x93: {  	s3 =	sld [smem:$0x3FFC];
	_ =	sdelay $0x3  }
0x94: {  	_ =	strace s3  }
0x95: {  	s3 =	sld [smem:$0x3FFD];
	_ =	sdelay $0x3  }
0x96: {  	_ =	strace s3  }
0x97: {  	_ =	strace $0x8FFFFFFF  }
0x98: {  	s19 =	sld [smem:$0x3FDB];
	_ =	sdelay $0x1  }
0x99: {  	s4 =	simm.s32 $_scs_section_size  }
0x9a: {  	s5 =	simm.s32 $_size__tile_overlayer_lowered;
	s6 =	simm.s32 $_tile_overlayer_lowered  }
0x9b: {  	s22 =	simm.s32 $0x1BFF;
	s21 =	sshll.u32 s6, $0x1;
	s3 =	sadd.s32 s4, s19  }
0x9c: {  	s7 =	simm.s32 $0x0;
	s20 =	sshll.u32 s5, $0x1;
	s5 =	sadd.s32 s21, s3  }
0x9d: {  	[timem:s7], [sflag:s22] =	dma.local [hbm:s5], s20  }
0x9e: {  	_ =	swait.ge [sflag:s22], s20  }
0x9f: {  	s4 =	ssub.s32 $0x0, s20;
	[sflag:s22] =	ssyncset.done $0x0  }
0xa0: {  	[sflag:s22] =	ssyncadd.s32 s4;
	_ =	sdelay $0x1  }
0xa1: {  	s23 =	simm.s32 $0x1B8B  }
0xa2: {  	_ =	swait.ge [sflag:s23], $0x1  }
0xa3: {  	[sflag:s23] =	ssyncset.done $0x0  }
0xa4: {  	s25 =	simm.s32 $0x1B8E;
	s24 =	sld [smem:$0x3FFE];
	[sflag:s23] =	ssyncadd.s32 $0xFFFFFFFF  }
0xa5: {  	s26 =	simm.s32 $execute0_lowered;
	[smem:$0x3FD2] =	sst s25  }
0xa6: {  	s5 =	sshll.u32 s26, $0x1;
	_ =	strace $0x80000046;
	[dreg:$0x1] =	wrdreg $0xFFFFFFFF  }
0xa7: {  	s28 =	simm.s32 $_size_execute0_lowered;
	s3 =	sadd.s32 s3, s5;
	[dreg:$0x0] =	wrdreg $0x0  }
0xa8: {  	s5 =	sshll.u32 s28, $0x1;
	[dreg:$0x2] =	wrdreg s3  }
0xa9: {  	[dreg:$0x3] =	wrdreg s5  }
0xaa: {  	[dreg:$0x4] =	wrdreg $0xC0  }
0xab: {  	_ =	task [dreg:s7], $0x5FFFF  }
0xac: {  	[dreg:$0x1] =	wrdreg $0xFFFFFFFF  }
0xad: {  	[dreg:$0x0] =	wrdreg $0x60  }
0xae: {  	[dreg:$0x2] =	wrdreg s24  }
0xaf: {  	[dreg:$0x3] =	wrdreg s2  }
0xb0: {  	[dreg:$0x4] =	wrdreg $0x0  }
0xb1: {  	[dreg:$0x5] =	wrdreg $0x9  }
0xb2: {  	_ =	task.clear_ibuf [dreg:s7], $0x6FFFF;
	_ =	strace $0x90000046  }
0xb3: {  	s29 =	simm.s32 $0x9;
	_ =	strace $0x80000048  }
0xb4: {  	_ =	swait.ge [sflag:s29], $0x1  }
0xb5: {  	[sflag:s29] =	ssyncadd.s32 $0xFFFFFFFF  }
0xb6: {  	_ =	strace $0x90000048  }
0xb7: {  	_ =	sfence  }
0xb8: {  	s30 =	sld [smem:$0x0];
	_ =	sdelay $0x2  }
0xb9: {  	s31 =	sshll.u32 s1, $0xD;
	s1 =	sshrl.u32 s1, $0x2  }
0xba: {  	s3 =	sand.u32 $0x4000, s31;
	s1 =	sadd.s32 s1, s30  }
0xbb: {  	s0 =	sor.u32 s3, s0;
	s1 =	sshll.u32 s1, $0x11  }
0xbc: {  	s0 =	sor.u32 s1, s0  }
0xbd: {  	s0 =	sadd.s32 $0x8F2B, s0  }
0xbe: {  	[sflag:s0] =	ssyncadd.remote.s32 $0x1  }
0xbf: {  	_ =	sfence.sel $0xFFFF  }
0xc0: {  	[dreg:$0x0] =	wrdreg $0xFFFFFFFF;
	(pc) =	sbr.abs _section_cstart, $3  }
0xc1: {  	[dreg:$0x1] =	wrdreg $0xFFFFFFFF  }
0xc2: {  	_ =	task.clear_ibuf [dreg:s7], $0x2FFFF;
	_ =	strace $0x9FFFFFFF  }
0xc3: {  	(tm) =	ssettm $0x7FFFFFFF  }
tec
execute0_lowered:
.L_overlay_start_1:
0x0: {  	(tag) =	ssettag $0x1  }
0x1: {  	s0 =	srdreg.scid  }
0x2: {  	s3 =	rddreg [dreg:$0x0];
	s21 =	stileid.u32  }
0x3: {  	s1 =	simm.s32 $0x0;
	s0 =	sand.u32 $0x1, s0;
	s4 =	smul.u32 $0x16800, s21  }
0x4: {  	[smem:$0x7FF] =	sst s1;
	s6 =	sadd.s32 $0x8EC00, s3;
	s2 =	ssub.s32 $0x2, s0  }
0x5: {  	s9 =	smul.u32 $0x168000, s0;
	p0 =	seq.s32 s0, $0x0;
	s30 =	sshll.u32 s0, $0x5  }
0x6: {  	s0 =	simm.s32 $0x19400;
	s5 =	sshrl.u32 s2, $0x1;
	s7 =	sadd.s32 $0x4800, s4  }
0x7: {  	s8 =	sadd.s32 $0x6C00, s4;
	s10 =	sadd.s32 $0x9000, s4;
	s11 =	sadd.s32 $0xB400, s4  }
0x8: {  	s12 =	sadd.s32 $0xD800, s4;
	s14 =	sadd.s32 $0xFC00, s4;
	s19 =	sadd.s32 $0x12000, s4  }
0x9: {  	s20 =	sadd.s32 $0x14400, s4;
	s2 =	ssub.s32 s2, s5;
	s5 =	sadd.s32 $0x2400, s4  }
0xa: {  	s13 =	sadd.s32 s4, s9;
	s15 =	sadd.s32 s9, s7;
	s16 =	sadd.s32 s9, s8  }
0xb: {  	s17 =	sadd.s32 s9, s11;
	s18 =	sadd.s32 s9, s12;
	s24 =	sadd.s32 s9, s14  }
0xc: {  	s13 =	sshrl.u32 s13, $0x3;
	s25 =	sadd.s32 s9, s5;
	s15 =	sshrl.u32 s15, $0x3  }
0xd: {  	s23 =	sshrl.u32 s18, $0x3;
	s18 =	sadd.s32 $0x7A400, s3;
	s13 =	sadd.s32 s6, s13  }
0xe: {  	s26 =	sadd.s32 s6, s15;
	s15 =	sshrl.u32 s16, $0x3;
	[dreg:$0x4] =	wrdreg s13  }
0xf: {  	s16 =	sadd.s32 s9, s10;
	s13 =	sshrl.u32 s25, $0x3;
	[dreg:$0x6] =	wrdreg s26  }
0x10: {  	s25 =	sadd.s32 s9, s19;
	s9 =	sadd.s32 s9, s20;
	s13 =	sadd.s32 s6, s13  }
0x11: {  	s9 =	sshrl.u32 s9, $0x3;
	[dreg:$0x5] =	wrdreg s13;
	s13 =	sadd.s32 s6, s15  }
0x12: {  	s15 =	sshrl.u32 s17, $0x3;
	s17 =	sadd.s32 $0x84800, s3;
	[dreg:$0x7] =	wrdreg s13  }
0x13: {  	s13 =	sshrl.u32 s16, $0x3;
	s22 =	sadd.s32 s6, s15;
	s15 =	sshrl.u32 s25, $0x3  }
0x14: {  	s16 =	sadd.s32 $0x66400, s3;
	s13 =	sadd.s32 s6, s13;
	[dreg:$0x9] =	wrdreg s22  }
0x15: {  	s26 =	sadd.s32 s6, s15;
	[dreg:$0x8] =	wrdreg s13;
	s13 =	sadd.s32 s6, s23  }
0x16: {  	s15 =	sadd.s32 $0x34400, s3;
	[dreg:$0xa] =	wrdreg s13;
	s13 =	sshrl.u32 s24, $0x3  }
0x17: {  	[dreg:$0xc] =	wrdreg s26;
	s24 =	smax.u32 s2, $0x1;
	s13 =	sadd.s32 s6, s13  }
0x18: {  	s2 =	simm.s32 $0x16800;
	s6 =	sadd.s32 s6, s9;
	[dreg:$0xb] =	wrdreg s13  }
0x19: {  	s13 =	sadd.s32 $0x2400, s3;
	[dreg:$0xd] =	wrdreg s6;
	s6 =	sadd.s32 $0x70400, s3  }
0x1a: {  	s3 =	simm.s32 $0x16A00;
	s13 =	smov.u32 @p0 s15;
	s15 =	rddreg [dreg:$0x2]  }
0x1b: {  	s16 =	smov.u32 @p0 s6;
	_ =	strace $0x80000047;
	[dreg:$0x12] =	wrdreg s24  }
0x1c: {  	s6 =	simm.s32 $0x1B800;
	s22 =	sadd.s32 s4, s15;
	s31 =	sadd.s32 s5, s15  }
0x1d: {  	s7 =	sadd.s32 s7, s15;
	s9 =	sadd.s32 s8, s15;
	s10 =	sadd.s32 s10, s15  }
0x1e: {  	s23 =	sadd.s32 s11, s15;
	s25 =	sadd.s32 s12, s15;
	s26 =	sadd.s32 s14, s15  }
0x1f: {  	s28 =	sadd.s32 s19, s15;
	s29 =	sadd.s32 s20, s15;
	[dreg:$0xe] =	wrdreg s7  }
0x20: {  	s11 =	smul.u32 $0x5200, s21;
	s12 =	simm.s32 $0x3;
	[dreg:$0xf] =	wrdreg s9  }
0x21: {  	v0 =	vimm.f32 $0.0e+00;
	vm0 =	vcmask $0x300;
	vm1 =	vcmask $0x704;
	s4 =	simm.s32 $0x40;
	s5 =	simm.s32 $0x16C00;
	[dreg:$0x10] =	wrdreg s10  }
0x22: {  	v1 =	vsel vm0, $0x3F800000, v0;
	v2 =	vsel vm1, $0x3F800000, v0;
	s8 =	simm.s32 $0x2;
	[dreg:$0x11] =	wrdreg s23;
	s7 =	simm.s32 $0x1  }
.LBB2_1:
0x23: {  	s9 =	simm.s32 $0x1;
	[tilespmem:s0+$0x0] =	vst v0;
	s10 =	simm.s32 $0x19400  }
.LBB2_2:
0x24: {  	p0 =	sne.s32 s9, $0x23F  }
.Ltmp0:
0x25: {  	_ = 	snop;
	(pc) =	sbr.rel @p0 .LBB2_2-.Ltmp0, $3  }
0x26: {  	_ =	sdelay $0x1  }
0x27: {  	s9 =	sadd.s32 $0x1, s9;
	s10 =	sadd.s32 $0x10, s10  }
0x28: {  	[tilespmem:s10+$0x0] =	vst v0  }
0x29: {  	[spmem:s22] =	stream.linear.scatter [tilespmem:s0], [sflag:$0x3], $0x2400, $0x38;
	[tilespmem:$0x1C080] =	vst v63  }
0x2a: {  	_ =	swait.ge [sflag:s12], $0x2400  }
0x2b: {  	[sflag:s12] =	ssyncset.done $0x0  }
0x2c: {  	[sflag:s12] =	ssyncadd.s32 $0xFFFFDC00  }
0x2d: {  	[spmem:s31] =	stream.linear.scatter [tilespmem:s0], [sflag:$0x3], $0x2400, $0x38;
	[tilespmem:$0x1C080] =	vst v63  }
0x2e: {  	_ =	swait.ge [sflag:s12], $0x2400  }
0x2f: {  	[sflag:s12] =	ssyncset.done $0x0  }
0x30: {  	s9 =	rddreg [dreg:$0xe];
	[sflag:s12] =	ssyncadd.s32 $0xFFFFDC00  }
0x31: {  	[spmem:s9] =	stream.linear.scatter [tilespmem:s0], [sflag:$0x3], $0x2400, $0x38;
	[tilespmem:$0x1C080] =	vst v63  }
0x32: {  	_ =	swait.ge [sflag:s12], $0x2400  }
0x33: {  	[sflag:s12] =	ssyncset.done $0x0  }
0x34: {  	s21 =	rddreg [dreg:$0xf];
	[sflag:s12] =	ssyncadd.s32 $0xFFFFDC00  }
0x35: {  	[spmem:s21] =	stream.linear.scatter [tilespmem:s0], [sflag:$0x3], $0x2400, $0x38;
	[tilespmem:$0x1C080] =	vst v63  }
0x36: {  	_ =	swait.ge [sflag:s12], $0x2400  }
0x37: {  	[sflag:s12] =	ssyncset.done $0x0  }
0x38: {  	s23 =	smov.u32 s22;
	s22 =	rddreg [dreg:$0x10];
	[sflag:s12] =	ssyncadd.s32 $0xFFFFDC00  }
0x39: {  	[spmem:s22] =	stream.linear.scatter [tilespmem:s0], [sflag:$0x3], $0x2400, $0x38;
	[tilespmem:$0x1C080] =	vst v63  }
0x3a: {  	_ =	swait.ge [sflag:s12], $0x2400  }
0x3b: {  	[sflag:s12] =	ssyncset.done $0x0  }
0x3c: {  	s24 =	smov.u32 s31;
	s31 =	rddreg [dreg:$0x11];
	[sflag:s12] =	ssyncadd.s32 $0xFFFFDC00  }
0x3d: {  	[spmem:s31] =	stream.linear.scatter [tilespmem:s0], [sflag:$0x3], $0x2400, $0x38;
	[tilespmem:$0x1C080] =	vst v63  }
0x3e: {  	_ =	swait.ge [sflag:s12], $0x2400  }
0x3f: {  	[sflag:s12] =	ssyncset.done $0x0  }
0x40: {  	[sflag:s12] =	ssyncadd.s32 $0xFFFFDC00  }
0x41: {  	[spmem:s25] =	stream.linear.scatter [tilespmem:s0], [sflag:$0x3], $0x2400, $0x38;
	[tilespmem:$0x1C080] =	vst v63  }
0x42: {  	_ =	swait.ge [sflag:s12], $0x2400  }
0x43: {  	[sflag:s12] =	ssyncset.done $0x0  }
0x44: {  	[sflag:s12] =	ssyncadd.s32 $0xFFFFDC00  }
0x45: {  	[spmem:s26] =	stream.linear.scatter [tilespmem:s0], [sflag:$0x3], $0x2400, $0x38;
	[tilespmem:$0x1C080] =	vst v63  }
0x46: {  	_ =	swait.ge [sflag:s12], $0x2400  }
0x47: {  	[sflag:s12] =	ssyncset.done $0x0  }
0x48: {  	[sflag:s12] =	ssyncadd.s32 $0xFFFFDC00  }
0x49: {  	[spmem:s28] =	stream.linear.scatter [tilespmem:s0], [sflag:$0x3], $0x2400, $0x38;
	[tilespmem:$0x1C080] =	vst v63  }
0x4a: {  	_ =	swait.ge [sflag:s12], $0x2400  }
0x4b: {  	[sflag:s12] =	ssyncset.done $0x0  }
0x4c: {  	[sflag:s12] =	ssyncadd.s32 $0xFFFFDC00  }
0x4d: {  	[spmem:s29] =	stream.linear.scatter [tilespmem:s0], [sflag:$0x3], $0x2400, $0x38;
	[tilespmem:$0x1C080] =	vst v63  }
0x4e: {  	_ =	swait.ge [sflag:s12], $0x2400  }
0x4f: {  	[sflag:s12] =	ssyncset.done $0x0  }
0x50: {  	[sflag:s12] =	ssyncadd.s32 $0xFFFFDC00  }
0x51: {  	s14 =	simm.s32 $0x1C000;
	s9 =	simm.s32 $0x0;
	s10 =	rddreg [dreg:$0x1]  }
0x52: {  	[tilespmem:s14], [sflag:$0x3] =	stream.linear.gather [hbm4b:s10+s9], $0x80, $0x38;
	[tilespmem:$0x1C080] =	vst v63  }
0x53: {  	_ =	swait.ge [sflag:s12], $0x80  }
0x54: {  	[sflag:s12] =	ssyncset.done $0x0  }
0x55: {  	[sflag:s12] =	ssyncadd.s32 $0xFFFFFF80  }
0x56: {  	v3 =	vld [tilespmem:s30+$0x1C000]  }
0x57: {  	s10 =	simm.s32 $0x0;
	v4 =	vld [tilespmem:s30+$0x1C010];
	[bflag:$0x0] =	sbarrier.arrive $0xFFFF  }
.LBB2_4:
0x58: {  	s14 =	sshll.u32 s10, $0x9  }
0x59: {  	s14 =	sadd.s32 s11, s14  }
0x5a: {  	s14 =	sshrl.u32 s14, $0x3  }
0x5b: {  	s19 =	sadd.s32 s17, s14  }
0x5c: {  	[tilespmem:s2], [sflag:$0x3] =	stream.linear.gather [hbm4b:s19+s9], $0x200, $0x38;
	[tilespmem:$0x1C080] =	vst v63  }
0x5d: {  	_ =	swait.ge [sflag:s12], $0x200  }
0x5e: {  	[sflag:s12] =	ssyncset.done $0x0  }
0x5f: {  	s14 =	sadd.s32 s18, s14;
	[sflag:s12] =	ssyncadd.s32 $0xFFFFFE00  }
0x60: {  	[tilespmem:s3], [sflag:$0x3] =	stream.linear.gather [hbm4b:s14+s9], $0x200, $0x38;
	[tilespmem:$0x1C080] =	vst v63  }
0x61: {  	_ =	swait.ge [sflag:s12], $0x200  }
0x62: {  	[sflag:s12] =	ssyncset.done $0x0  }
0x63: {  	s14 =	simm.s32 $0x0;
	[sflag:s12] =	ssyncadd.s32 $0xFFFFFE00  }
.LBB2_5:
0x64: {  	s31 =	sshll.u32 s14, $0x6  }
0x65: {  	s19 =	sadd.s32 $0x16800, s31  }
0x66: {  	[tilespmem:s5], [sflag:$0x1] =	stream.indirect.gather [hbm4b:s13+s4], $0xA0, s19, s4, $0xb8;
	[tilespmem:$0x1C080] =	vst v63  }
0x67: {  	s22 =	sadd.s32 $0x16A00, s31  }
0x68: {  	[tilespmem:s6], [sflag:$0x2] =	stream.indirect.gather [hbm4b:s16+s4], $0x20, s22, s4, $0xb8;
	[tilespmem:$0x1C080] =	vst v63  }
0x69: {  	_ =	swait.ge [sflag:s7], $0x2800  }
0x6a: {  	[sflag:s7] =	ssyncset.done $0x0  }
0x6b: {  	[sflag:s7] =	ssyncadd.s32 $0xFFFFD800  }
0x6c: {  	_ =	swait.ge [sflag:s8], $0x800  }
0x6d: {  	[sflag:s8] =	ssyncset.done $0x0  }
0x6e: {  	s19 =	simm.s32 $0x16C50;
	[sflag:s8] =	ssyncadd.s32 $0xFFFFF800  }
0x6f: {  	s21 =	simm.s32 $0x0;
	v5 =	vld [tilespmem:s19+$0x30]  }
0x70: {  	v6 =	vld [tilespmem:s21+$0x1B800];
	_ =	sdelay $0x4  }
0x71: {  	v5 =	vadd.f32 v6, v5;
	_ =	sdelay $0x1  }
0x72: {  	v6 =	vmul.f32 $2.000000030e-01, v5;
	_ =	sdelay $0x1  }
0x73: {  	v5 =	vmax.f32 v5, v6  }
0x74: {  	v5 =	vsub.f32 v5, v3;
	_ =	sdelay $0x1  }
0x75: {  	v5 =	vmul.f32 $1.442695020e+00, v5;
	_ =	sdelay $0x1  }
0x76: {  	(erf) = vpow2.f32 v5;
	_ =	sdelay $0x4  }
0x77: {  	v5 =	vld [tilespmem:s19+$0xFFFFFFB0];
	_ =	sdelay $0x3  }
0x78: {  	v6 =	vpop (erf)  }
0x79: {  	v5 =	vmul.f32 v6, v5  }
0x7a: {  	s20 =	simm.s32 $0x19440;
	v7 =	vld [tilespmem:s19+$0x40]  }
0x7b: {  	v8 =	vld [tilespmem:s21+$0x1B810];
	[tilespmem:s20+$0xFFFFFFC0] =	vst v5  }
0x7c: {  	v5 =	vld [tilespmem:s19+$0xFFFFFFC0];
	_ =	sdelay $0x4  }
0x7d: {  	v5 =	vmul.f32 v6, v5;
	_ =	sdelay $0x1  }
0x7e: {  	[tilespmem:s20+$0xFFFFFFD0] =	vst v5  }
0x7f: {  	v5 =	vld [tilespmem:s19+$0xFFFFFFD0];
	_ =	sdelay $0x1  }
0x80: {  	v7 =	vadd.f32 v8, v7;
	_ =	sdelay $0x1  }
0x81: {  	v8 =	vmul.f32 $2.000000030e-01, v7  }
0x82: {  	v5 =	vmul.f32 v6, v5  }
0x83: {  	v7 =	vmax.f32 v7, v8  }
0x84: {  	v7 =	vsub.f32 v7, v4;
	[tilespmem:s20+$0xFFFFFFE0] =	vst v5  }
0x85: {  	v5 =	vld [tilespmem:s19+$0xFFFFFFE0]  }
0x86: {  	v7 =	vmul.f32 $1.442695020e+00, v7;
	_ =	sdelay $0x1  }
0x87: {  	(erf) = vpow2.f32 v7;
	_ =	sdelay $0x1  }
0x88: {  	v5 =	vmul.f32 v5, v6;
	_ =	sdelay $0x1  }
0x89: {  	[tilespmem:s20+$0xFFFFFFF0] =	vst v5  }
0x8a: {  	v5 =	vld [tilespmem:s19+$0xFFFFFFF0];
	_ =	sdelay $0x3  }
0x8b: {  	v7 =	vpop (erf)  }
0x8c: {  	v5 =	vmul.f32 v5, v7;
	_ =	sdelay $0x1  }
0x8d: {  	[tilespmem:s20+$0x0] =	vst v5  }
0x8e: {  	v5 =	vld [tilespmem:s19+$0x0];
	_ =	sdelay $0x4  }
0x8f: {  	v5 =	vmul.f32 v5, v7;
	_ =	sdelay $0x1  }
0x90: {  	[tilespmem:s20+$0x10] =	vst v5  }
0x91: {  	v5 =	vld [tilespmem:s19+$0x10];
	_ =	sdelay $0x4  }
0x92: {  	v5 =	vmul.f32 v5, v7;
	_ =	sdelay $0x1  }
0x93: {  	[tilespmem:s20+$0x20] =	vst v5  }
0x94: {  	v5 =	vld [tilespmem:s19+$0x20]  }
0x95: {  	v63 =	vmul.f32 v2, v7;
	v6 =	vmul.f32 v1, v6;
	_ =	sdelay $0x1  }
0x96: {  	v6 =	vadd.f32 v63, v6;
	_ =	sdelay $0x1  }
0x97: {  	s21 =	simm.s32 $0x80;
	[tilespmem:s20+$0x40] =	vst v6;
	v5 =	vmul.f32 v5, v7  }
.LBB2_6:
0x98: {  	_ = 	snop  }
0x99: {  	p0 =	sne.s32 s21, $0x1F80;
	s19 =	sadd.s32 $0xA0, s19;
	[tilespmem:s20+$0x30] =	vst v5;
	s20 =	sadd.s32 $0x90, s20  }
0x9a: {  	s22 =	sshra.s32 s21, $0x2;
	s21 =	sadd.s32 $0x80, s21;
	v5 =	vld [tilespmem:s19+$0x30]  }
0x9b: {  	v6 =	vld [tilespmem:s22+$0x1B800];
	_ =	sdelay $0x4  }
0x9c: {  	v5 =	vadd.f32 v6, v5;
	_ =	sdelay $0x1  }
0x9d: {  	v6 =	vmul.f32 $2.000000030e-01, v5;
	_ =	sdelay $0x1  }
0x9e: {  	v5 =	vmax.f32 v5, v6  }
0x9f: {  	v5 =	vsub.f32 v5, v3;
	_ =	sdelay $0x1  }
0xa0: {  	v5 =	vmul.f32 $1.442695020e+00, v5;
	_ =	sdelay $0x1  }
0xa1: {  	(erf) = vpow2.f32 v5;
	_ =	sdelay $0x4  }
0xa2: {  	v5 =	vld [tilespmem:s19+$0xFFFFFFB0];
	_ =	sdelay $0x3  }
0xa3: {  	v6 =	vpop (erf)  }
0xa4: {  	v7 =	vld [tilespmem:s19+$0x40];
	v5 =	vmul.f32 v6, v5  }
0xa5: {  	v8 =	vld [tilespmem:s22+$0x1B810]  }
0xa6: {  	[tilespmem:s20+$0xFFFFFFC0] =	vst v5  }
0xa7: {  	v5 =	vld [tilespmem:s19+$0xFFFFFFC0];
	_ =	sdelay $0x2  }
0xa8: {  	v7 =	vadd.f32 v8, v7;
	_ =	sdelay $0x1  }
0xa9: {  	v8 =	vmul.f32 $2.000000030e-01, v7;
	v5 =	vmul.f32 v6, v5;
	_ =	sdelay $0x1  }
0xaa: {  	v7 =	vmax.f32 v7, v8;
	[tilespmem:s20+$0xFFFFFFD0] =	vst v5  }
0xab: {  	v5 =	vsub.f32 v7, v4;
	v7 =	vld [tilespmem:s19+$0xFFFFFFD0];
	_ =	sdelay $0x4  }
0xac: {  	v7 =	vmul.f32 v6, v7;
	_ =	sdelay $0x1  }
0xad: {  	[tilespmem:s20+$0xFFFFFFE0] =	vst v7  }
0xae: {  	v7 =	vld [tilespmem:s19+$0xFFFFFFE0]  }
0xaf: {  	v5 =	vmul.f32 $1.442695020e+00, v5;
	_ =	sdelay $0x1  }
0xb0: {  	(erf) = vpow2.f32 v5;
	_ =	sdelay $0x1  }
0xb1: {  	v5 =	vmul.f32 v7, v6;
	_ =	sdelay $0x1  }
0xb2: {  	[tilespmem:s20+$0xFFFFFFF0] =	vst v5  }
0xb3: {  	v5 =	vld [tilespmem:s19+$0xFFFFFFF0];
	_ =	sdelay $0x3  }
0xb4: {  	v7 =	vpop (erf)  }
0xb5: {  	v5 =	vmul.f32 v5, v7;
	v8 =	vmul.f32 v2, v7;
	_ =	sdelay $0x1  }
0xb6: {  	[tilespmem:s20+$0x0] =	vst v5  }
0xb7: {  	v5 =	vld [tilespmem:s19+$0x0];
	_ =	sdelay $0x4  }
0xb8: {  	v5 =	vmul.f32 v5, v7;
	_ =	sdelay $0x1  }
0xb9: {  	[tilespmem:s20+$0x10] =	vst v5  }
0xba: {  	v5 =	vld [tilespmem:s19+$0x10];
	_ =	sdelay $0x4  }
0xbb: {  	v6 =	vmul.f32 v1, v6;
	v5 =	vmul.f32 v5, v7;
	_ =	sdelay $0x1  }
0xbc: {  	[tilespmem:s20+$0x20] =	vst v5;
	v5 =	vadd.f32 v8, v6  }
0xbd: {  	v6 =	vld [tilespmem:s19+$0x20]  }
.Ltmp1:
0xbe: {  	[tilespmem:s20+$0x40] =	vst v5;
	(pc) =	sbr.rel @p0 .LBB2_6-.Ltmp1, $2  }
0xbf: {  	_ =	sdelay $0x2  }
0xc0: {  	v5 =	vmul.f32 v6, v7  }
0xc1: {  	s14 =	sadd.s32 $0x1, s14  }
0xc2: {  	s19 =	sand.u32 $0x3FFFFFC0, s31;
	p0 =	sne.s32 s14, $0x8  }
.Ltmp2:
0xc3: {  	[tilespmem:s20+$0x30] =	vst v5;
	s19 =	sadd.s32 $0x16A00, s19;
	(pc) =	sbr.rel @p0 .LBB2_5-.Ltmp2, $4  }
0xc4: {  	[spmem:s15] =	stream.indirect.scatter.add.f32 [tilespmem:s0], [sflag:$0x3], $0x90, s19, s4, $0xb8;
	[tilespmem:$0x1C080] =	vst v63  }
0xc5: {  	_ =	swait.ge [sflag:s12], $0x2400  }
0xc6: {  	[sflag:s12] =	ssyncset.done $0x0  }
0xc7: {  	[sflag:s12] =	ssyncadd.s32 $0xFFFFDC00  }
0xc8: {  	s10 =	sadd.s32 $0x1, s10  }
0xc9: {  	p0 =	sne.s32 s10, $0x29  }
.Ltmp3:
0xca: {  	_ = 	snop;
	(pc) =	sbr.rel @p0 .LBB2_4-.Ltmp3, $1  }
0xcb: {  	_ =	sdelay $0x3  }
0xcc: {  	s9 =	stileid.u32  }
0xcd: {  	[bflag:$0x0] =	sbarrier.arrive $0xFFFF;
	s9 =	sshll.u32 s9, $0x6  }
0xce: {  	s10 =	sshrl.u32 s23, $0x3;
	s14 =	rddreg [dreg:$0x4];
	s9 =	sor.u32 $0x1C03, s9  }
0xcf: {  	[hbm:s14], [sflag:s9] =	dma.local [spmem:s10], $0x480  }
0xd0: {  	_ =	swait.ge [sflag:s12], $0x480  }
0xd1: {  	s22 =	smov.u32 s23;
	s31 =	smov.u32 s24;
	[sflag:s12] =	ssyncset.done $0x0  }
0xd2: {  	s23 =	sshrl.u32 s24, $0x3;
	s24 =	rddreg [dreg:$0x5];
	[sflag:s12] =	ssyncadd.s32 $0xFFFFFB80  }
0xd3: {  	[hbm:s24], [sflag:s9] =	dma.local [spmem:s23], $0x480  }
0xd4: {  	_ =	swait.ge [sflag:s12], $0x480  }
0xd5: {  	[sflag:s12] =	ssyncset.done $0x0;
	s14 =	rddreg [dreg:$0xe]  }
0xd6: {  	s19 =	rddreg [dreg:$0x6];
	[sflag:s12] =	ssyncadd.s32 $0xFFFFFB80;
	s10 =	sshrl.u32 s14, $0x3  }
0xd7: {  	[hbm:s19], [sflag:s9] =	dma.local [spmem:s10], $0x480  }
0xd8: {  	_ =	swait.ge [sflag:s12], $0x480  }
0xd9: {  	[sflag:s12] =	ssyncset.done $0x0;
	s20 =	rddreg [dreg:$0xf]  }
0xda: {  	s21 =	rddreg [dreg:$0x7];
	[sflag:s12] =	ssyncadd.s32 $0xFFFFFB80;
	s10 =	sshrl.u32 s20, $0x3  }
0xdb: {  	[hbm:s21], [sflag:s9] =	dma.local [spmem:s10], $0x480  }
0xdc: {  	_ =	swait.ge [sflag:s12], $0x480  }
0xdd: {  	[sflag:s12] =	ssyncset.done $0x0;
	s23 =	rddreg [dreg:$0x10]  }
0xde: {  	s24 =	rddreg [dreg:$0x8];
	[sflag:s12] =	ssyncadd.s32 $0xFFFFFB80;
	s10 =	sshrl.u32 s23, $0x3  }
0xdf: {  	[hbm:s24], [sflag:s9] =	dma.local [spmem:s10], $0x480  }
0xe0: {  	_ =	swait.ge [sflag:s12], $0x480  }
0xe1: {  	[sflag:s12] =	ssyncset.done $0x0;
	s14 =	rddreg [dreg:$0x11]  }
0xe2: {  	s19 =	rddreg [dreg:$0x9];
	[sflag:s12] =	ssyncadd.s32 $0xFFFFFB80;
	s10 =	sshrl.u32 s14, $0x3  }
0xe3: {  	[hbm:s19], [sflag:s9] =	dma.local [spmem:s10], $0x480  }
0xe4: {  	_ =	swait.ge [sflag:s12], $0x480  }
0xe5: {  	[sflag:s12] =	ssyncset.done $0x0  }
0xe6: {  	s20 =	sshrl.u32 s25, $0x3;
	s21 =	rddreg [dreg:$0xa];
	[sflag:s12] =	ssyncadd.s32 $0xFFFFFB80  }
0xe7: {  	[hbm:s21], [sflag:s9] =	dma.local [spmem:s20], $0x480  }
0xe8: {  	_ =	swait.ge [sflag:s12], $0x480  }
0xe9: {  	[sflag:s12] =	ssyncset.done $0x0  }
0xea: {  	s23 =	sshrl.u32 s26, $0x3;
	s24 =	rddreg [dreg:$0xb];
	[sflag:s12] =	ssyncadd.s32 $0xFFFFFB80  }
0xeb: {  	[hbm:s24], [sflag:s9] =	dma.local [spmem:s23], $0x480  }
0xec: {  	_ =	swait.ge [sflag:s12], $0x480  }
0xed: {  	[sflag:s12] =	ssyncset.done $0x0  }
0xee: {  	s19 =	sshrl.u32 s28, $0x3;
	s20 =	rddreg [dreg:$0xc];
	[sflag:s12] =	ssyncadd.s32 $0xFFFFFB80  }
0xef: {  	[hbm:s20], [sflag:s9] =	dma.local [spmem:s19], $0x480  }
0xf0: {  	_ =	swait.ge [sflag:s12], $0x480  }
0xf1: {  	[sflag:s12] =	ssyncset.done $0x0  }
0xf2: {  	s21 =	sshrl.u32 s29, $0x3;
	s23 =	rddreg [dreg:$0xd];
	[sflag:s12] =	ssyncadd.s32 $0xFFFFFB80  }
0xf3: {  	[hbm:s23], [sflag:s9] =	dma.local [spmem:s21], $0x480  }
0xf4: {  	_ =	swait.ge [sflag:s12], $0x480  }
0xf5: {  	s1 =	sadd.s32 $0x1, s1;
	s24 =	rddreg [dreg:$0x12]  }
0xf6: {  	p0 =	sne.s32 s1, s24  }
.Ltmp4:
0xf7: {  	_ = 	snop;
	(pc) =	sbr.rel @p0 .LBB2_1-.Ltmp4, $3  }
0xf8: {  	_ =	sdelay $0x1  }
0xf9: {  	[sflag:s12] =	ssyncset.done $0x0  }
0xfa: {  	[sflag:s12] =	ssyncadd.s32 $0xFFFFFB80  }
0xfb: {  	_ =	sfence.sel $0x180000  }
0xfc: {  	[bflag:$0x0] =	sbarrier.arrive $0xFFFF  }
0xfd: {  	_ =	strace $0x90000047  }
0xfe: {  	s0 =	stileid.u32;
	[bflag:$0x2] =	sbarrier.arrive $0xFFFF  }
0xff: {  	p0 =	sne.s32 s0, $0x0;
	s0 =	rddreg [dreg:$0x3]  }
0x100: {  	s0 =	sadd.s32 @!p0 $0x100000, s0  }
0x101: {  	[sflag:s0] =	ssyncadd.tile.s32 @!p0 $0x1;
	_ =	shalt  }
.Lfunc_end2:
_tile_overlayer_lowered:
.L_overlay_start_2:
0x102: {  	(tag) =	ssettag $0x2  }
0x103: {  	s0 =	rddreg [dreg:$0x0];
	s2 =	stileid.u32  }
0x104: {  	s1 =	rddreg [dreg:$0x1];
	p0 =	sne.s32 s2, $0x0  }
0x105: {  	s3 =	rddreg [dreg:$0x2];
	[bflag:$0x3] =	sbarrier.arrive $0xFFFF;
	s2 =	simm.s32 @!p0 $0x1C03  }
0x106: {  	[timem:s3], [sflag:s2] =	dma.local @!p0 [hbm:s0], s1  }
0x107: {  	s0 =	simm.s32 @!p0 $0x3  }
0x108: {  	_ =	swait.ge @!p0 [sflag:s0], s1  }
0x109: {  	s1 =	ssub.s32 @!p0 $0x0, s1;
	[sflag:s0] =	ssyncset.done @!p0 $0x0  }
0x10a: {  	[sflag:s0] =	ssyncadd.s32 @!p0 s1  }
0x10b: {  	[bflag:$0x3] =	sbarrier.arrive $0xFFFF  }
0x10c: {  	_ =	shalt  }

</sc_bundles>
